<compile_context>
chip_gen: v7x
topology: tpu7x:2x2x1
jax: 0.10.2.dev20260603
libtpu: 0.0.44.dev20260713+nightly
codegen_flags: <defaults>
</compile_context>

<pallas_src>
import functools

import jax
import jax.numpy as jnp
from jax import lax
from jax.experimental import pallas as pl
from jax.experimental.pallas import tpu as pltpu
from jax.experimental.pallas import tpu_sc as plsc

N = 10000
E = 320000
D1 = 128
DH = 64
D2 = 64
NC, NS = 2, 16
NW = NC * NS
K = 128
CH = 80
CHT = NC * CH
E_PAD = NW * CH * K
N_PAD = 10240
RT = N_PAD // NS
DW = 8
NBUF = 5
LOOK = 3

_sc_mesh = plsc.VectorSubcoreMesh(
    core_axis_name="c", subcore_axis_name="s", num_cores=NC, num_subcores=NS)
_sc_params = pltpu.CompilerParams(use_tc_tiling_on_sc=False)


@functools.partial(
    pl.kernel,
    out_type=jax.ShapeDtypeStruct((NC * N_PAD, DW), jnp.float32),
    mesh=_sc_mesh,
    scratch_types=[
        pltpu.VMEM((CH, K), jnp.int32),
        pltpu.VMEM((K + RT, DW), jnp.float32),
        pltpu.SemaphoreType.DMA,
        pltpu.VMEM_SHARED((N_PAD, DW), jnp.float32),
    ],
    compiler_params=_sc_params,
)
def _deg_kernel(dst_hbm, const_hbm, out_hbm, dstv, cv, dsem, acc):
    c = lax.axis_index("c")
    s = lax.axis_index("s")
    wid = c * NS + s
    pltpu.sync_copy(dst_hbm.at[wid], dstv)
    pltpu.sync_copy(const_hbm, cv)
    pltpu.sync_copy(cv.at[pl.ds(K, RT)], acc.at[pl.ds(s * RT, RT)])
    plsc.subcore_barrier()
    ones = cv.at[pl.ds(0, K)]
    FD = 8

    def grp(g, carry):
        base = g * FD
        for j in range(FD):
            pltpu.async_copy(ones, acc.at[dstv.at[base + j]], dsem, add=True)
        for j in range(FD):
            pltpu.make_async_copy(ones, acc.at[dstv.at[base + j]], dsem).wait()
        return carry

    lax.fori_loop(0, CH // FD, grp, 0)
    plsc.subcore_barrier()
    pltpu.sync_copy(acc.at[pl.ds(s * RT, RT)],
                    out_hbm.at[pl.ds(c * N_PAD + s * RT, RT)])


def _make_agg(D, split_cols, dtype=jnp.float32):
    chunks = CHT if split_cols else CH

    @functools.partial(
        pl.kernel,
        out_type=jax.ShapeDtypeStruct((NC * N_PAD, D), dtype),
        mesh=_sc_mesh,
        scratch_types=[
            pltpu.VMEM((chunks, K), jnp.int32),
            pltpu.VMEM((chunks, K), jnp.int32),
            [pltpu.VMEM((K, D), dtype) for _ in range(NBUF)],
            [pltpu.SemaphoreType.DMA for _ in range(NBUF)],
            [pltpu.SemaphoreType.DMA for _ in range(NBUF)],
            pltpu.VMEM_SHARED((N_PAD, D), dtype),
        ],
        compiler_params=_sc_params,
    )
    def _agg(g_hbm, src_hbm, dst_hbm, out_hbm, srcv, dstv, bufs, gsems, ssems,
             acc):
        c = lax.axis_index("c")
        s = lax.axis_index("s")
        if split_cols:
            gref = g_hbm.at[c]
            erow = s
        else:
            gref = g_hbm
            erow = c * NS + s
        rows = pl.ds(s * RT, RT)
        pltpu.sync_copy(gref.at[rows], acc.at[rows])
        pltpu.sync_copy(src_hbm.at[erow], srcv)
        pltpu.sync_copy(dst_hbm.at[erow], dstv)
        plsc.subcore_barrier()
        for j in range(LOOK):
            pltpu.async_copy(gref.at[srcv.at[j]], bufs[j], gsems[j])

        def grp(g, carry):
            base = g * NBUF
            for b in range(NBUF):
                ch = base + b
                pltpu.make_async_copy(
                    gref.at[srcv.at[ch]], bufs[b], gsems[b]).wait()
                pltpu.async_copy(bufs[b], acc.at[dstv.at[ch]], ssems[b],
                                 add=True)
                f = ch + LOOK
                bf = (b + LOOK) % NBUF

                @pl.when(f < chunks)
                def _issue(f=f, bf=bf):
                    @pl.when(f >= NBUF)
                    def _drain():
                        pltpu.make_async_copy(
                            bufs[bf], acc.at[dstv.at[f - NBUF]],
                            ssems[bf]).wait()

                    pltpu.async_copy(gref.at[srcv.at[f]], bufs[bf], gsems[bf])
            return carry

        lax.fori_loop(0, chunks // NBUF, grp, 0)
        for b in range(NBUF):
            ch = chunks - NBUF + b
            pltpu.make_async_copy(bufs[b], acc.at[dstv.at[ch]],
                                  ssems[b]).wait()
        plsc.subcore_barrier()
        pltpu.sync_copy(acc.at[pl.ds(s * RT, RT)],
                        out_hbm.at[pl.ds(c * N_PAD + s * RT, RT)])

    return _agg


_agg1 = _make_agg(DH, split_cols=True, dtype=jnp.bfloat16)
_agg2 = _make_agg(D2 // 2, split_cols=True, dtype=jnp.bfloat16)

RB = 1024
GR = N_PAD // RB


def _dinv_col(hist_ref):
    deg = hist_ref[0] + hist_ref[1] + 1.0
    return lax.rsqrt(deg)[:, 0:1]


def _mm1_body(hist_ref, x_ref, w_ref, o_ref):
    h = (jnp.dot(x_ref[...], w_ref[...], precision=lax.Precision.HIGHEST,
                 preferred_element_type=jnp.float32)
         * _dinv_col(hist_ref)).astype(jnp.bfloat16)
    o_ref[0] = h[:, :DH]
    o_ref[1] = h[:, DH:]


def _mid_body(hist_ref, s_ref, b1_ref, w2_ref, o_ref):
    dcol = _dinv_col(hist_ref)
    t = (jnp.concatenate([s_ref[0], s_ref[1]], axis=1).astype(jnp.float32)
         * dcol + b1_ref[...])
    a = jnp.maximum(t, 0.0)
    g = (jnp.dot(a, w2_ref[...], precision=lax.Precision.HIGHEST,
                 preferred_element_type=jnp.float32)
         * dcol).astype(jnp.bfloat16)
    o_ref[0] = g[:, :D2 // 2]
    o_ref[1] = g[:, D2 // 2:]


def _fin_body(hist_ref, s_ref, b2_ref, o_ref):
    dcol = _dinv_col(hist_ref)
    s = jnp.concatenate([s_ref[0], s_ref[1]], axis=1).astype(jnp.float32)
    o_ref[...] = s * dcol + b2_ref[...]


def _row_spec(d):
    return pl.BlockSpec((2, RB, d), lambda i: (0, i, 0))


def _full_spec(shape):
    return pl.BlockSpec(shape, lambda i: tuple(0 for _ in shape))


def kernel(x, edge_index, W1, b1, W2, b2):
    ei = edge_index.astype(jnp.int32)
    pad = E_PAD - E
    src = jnp.concatenate([ei[0], jnp.zeros((pad,), jnp.int32)])
    pad_dst = N + jnp.arange(pad, dtype=jnp.int32) % (N_PAD - N)
    dst = jnp.concatenate([ei[1], pad_dst])
    src16, dst16 = src.reshape(NS, CHT, K), dst.reshape(NS, CHT, K)
    src32, dst32 = src.reshape(NW, CH, K), dst.reshape(NW, CH, K)
    xp = jnp.concatenate([x, jnp.zeros((N_PAD - N, D1), x.dtype)])
    const = jnp.concatenate([jnp.ones((K, DW), jnp.float32),
                             jnp.zeros((RT, DW), jnp.float32)])

    hist = _deg_kernel(dst32, const).reshape(NC, N_PAD, DW)

    g1 = pl.pallas_call(
        _mm1_body,
        grid=(GR,),
        out_shape=jax.ShapeDtypeStruct((NC, N_PAD, DH), jnp.bfloat16),
        in_specs=[_row_spec(DW),
                  pl.BlockSpec((RB, D1), lambda i: (i, 0)),
                  _full_spec((D1, D1))],
        out_specs=_row_spec(DH),
    )(hist, xp, W1)

    s1 = _agg1(g1, src16, dst16).reshape(NC, N_PAD, DH)

    g2 = pl.pallas_call(
        _mid_body,
        grid=(GR,),
        out_shape=jax.ShapeDtypeStruct((NC, N_PAD, D2 // 2), jnp.bfloat16),
        in_specs=[_row_spec(DW),
                  _row_spec(DH),
                  _full_spec((1, D1)),
                  _full_spec((D1, D2))],
        out_specs=_row_spec(D2 // 2),
    )(hist, s1, b1.reshape(1, D1), W2)

    s2 = _agg2(g2, src16, dst16).reshape(NC, N_PAD, D2 // 2)

    out = pl.pallas_call(
        _fin_body,
        grid=(GR,),
        out_shape=jax.ShapeDtypeStruct((N_PAD, D2), jnp.float32),
        in_specs=[_row_spec(DW),
                  _row_spec(D2 // 2),
                  _full_spec((1, D2))],
        out_specs=pl.BlockSpec((RB, D2), lambda i: (i, 0)),
    )(hist, s2, b2.reshape(1, D2))

    return out[:N]

# --- scband reference (transcript-rebuilt; emitter-appended) ---
"""Pipeline reference for scband-gcnencoder-35605278883994 (READ-ONLY COPY).

The authoritative reference and input builder live on the scoring server;
editing this copy changes nothing except your own understanding.
"""

import jax, jax.numpy as jnp
import numpy as np

N_NODES = 10000
N_EDGES = 320000
IN_CH = 128
Z_DIM = 64


def gcn_conv(x, edge_index, W, b):
    # Faithful PyG GCNConv: add self-loops, symmetric normalization, linear, scatter-add, bias.
    n = x.shape[0]
    loop = jnp.arange(n, dtype=edge_index.dtype)
    src = jnp.concatenate([edge_index[0], loop])
    dst = jnp.concatenate([edge_index[1], loop])
    deg = jnp.zeros((n,), dtype=x.dtype).at[dst].add(1.0)
    dinv = jnp.where(deg > 0, jax.lax.rsqrt(jnp.maximum(deg, 1e-12)), 0.0)
    norm = dinv[src] * dinv[dst]
    h = x @ W
    msg = h[src] * norm[:, None]
    out = jnp.zeros((n, W.shape[1]), dtype=x.dtype).at[dst].add(msg)
    return out + b


def setup_inputs(seed: int = 0) -> dict:
    key = jax.random.key(seed)
    k1, k2, k3, k4 = jax.random.split(key, 4)
    x = jax.random.normal(k1, (N_NODES, IN_CH), dtype=jnp.float32)
    edge_index = jax.random.randint(k2, (2, N_EDGES), 0, N_NODES).astype(jnp.int64)
    # conv1: in_channels -> 2*z_dim (=128); conv2: 2*z_dim -> z_dim (=64)
    W1 = jax.random.normal(k3, (IN_CH, 2 * Z_DIM), dtype=jnp.float32) * (1.0 / np.sqrt(IN_CH))
    b1 = jnp.zeros((2 * Z_DIM,), dtype=jnp.float32)
    W2 = jax.random.normal(k4, (2 * Z_DIM, Z_DIM), dtype=jnp.float32) * (1.0 / np.sqrt(2 * Z_DIM))
    b2 = jnp.zeros((Z_DIM,), dtype=jnp.float32)
    return {"x": x, "edge_index": edge_index, "W1": W1, "b1": b1, "W2": W2, "b2": b2}


def reference(x, edge_index, W1, b1, W2, b2):
    h = jax.nn.relu(gcn_conv(x, edge_index, W1, b1))
    return gcn_conv(h, edge_index, W2, b2)

if __name__ == "__main__":
    import jax
    _d = setup_inputs()
    print(jax.jit(kernel)(*tuple(_d.values())))

</pallas_src>

<mosaic_0001>
#map = affine_map<(d0, d1) -> (0, 0, 0)>
#map1 = affine_map<(d0, d1) -> (0, 0)>
module attributes {stable_mosaic.version = 14 : i64} {
  func.func @_deg_kernel(%arg0: i32, %arg1: i32, %arg2: memref<32x80x128xi32, #tpu.memory_space<hbm>>, %arg3: memref<768x8xf32, #tpu.memory_space<hbm>>, %arg4: memref<20480x8xf32, #tpu.memory_space<hbm>>, %arg5: memref<80x128xi32, #tpu.memory_space<vmem>>, %arg6: memref<768x8xf32, #tpu.memory_space<vmem>>, %arg7: memref<!tpu.dma_semaphore, #tpu.memory_space<semaphore_mem>>, %arg8: memref<10240x8xf32, #tpu.memory_space<vmem_shared>>) attributes {dimension_semantics = [#tpu.dimension_semantics<core_parallel>, #tpu.dimension_semantics<subcore_parallel>], iteration_bounds = array<i64: 2, 16>, scalar_prefetch = 0 : i64, scratch_operands = 4 : i64, tpu.core_type = #tpu.core_type<sc_vector_subcore>, window_params = [{transform_indices = #map}, {transform_indices = #map1}, {transform_indices = #map1}]} {
    %mul3A = arith.constant 16 : i32
    %mul3A_0 = arith.muli %arg0, %mul3A : i32
    %add3A = arith.addi %mul3A_0, %arg1 : i32
    "tpu.region"() ({
      %run_scoped3A = tpu.sem_alloc : memref<!tpu.dma_semaphore, #tpu.memory_space<semaphore_mem>>
      %dma_start3A = arith.constant 0 : i32
      %dma_start3A_16 = arith.constant 0 : i32
      %dma_start3A_17 = tpu.memref_slice %arg2[%add3A, %dma_start3A, %dma_start3A_16] : memref<32x80x128xi32, #tpu.memory_space<hbm>> -> memref<1x80x128xi32, #tpu.memory_space<hbm>>
      %dma_start3A_18 = tpu.memref_squeeze %dma_start3A_17 : memref<1x80x128xi32, #tpu.memory_space<hbm>> -> memref<80x128xi32, #tpu.memory_space<hbm>>
      %dma_start3A_19 = arith.constant 0 : i32
      %dma_start3A_20 = arith.constant 0 : i32
      %dma_start3A_21 = tpu.memref_slice %arg2[%add3A, %dma_start3A_19, %dma_start3A_20] : memref<32x80x128xi32, #tpu.memory_space<hbm>> -> memref<1x80x128xi32, #tpu.memory_space<hbm>>
      %dma_start3A_22 = tpu.memref_squeeze %dma_start3A_21 : memref<1x80x128xi32, #tpu.memory_space<hbm>> -> memref<80x128xi32, #tpu.memory_space<hbm>>
      tpu.enqueue_dma source(%dma_start3A_22 : memref<80x128xi32, #tpu.memory_space<hbm>>) target(%arg5 : memref<80x128xi32, #tpu.memory_space<vmem>>) target_semaphore(%run_scoped3A : memref<!tpu.dma_semaphore, #tpu.memory_space<semaphore_mem>>)
      %dma_wait3A = arith.constant 0 : i32
      %dma_wait3A_23 = arith.constant 0 : i32
      %dma_wait3A_24 = tpu.memref_slice %arg2[%add3A, %dma_wait3A, %dma_wait3A_23] : memref<32x80x128xi32, #tpu.memory_space<hbm>> -> memref<1x80x128xi32, #tpu.memory_space<hbm>>
      %dma_wait3A_25 = tpu.memref_squeeze %dma_wait3A_24 : memref<1x80x128xi32, #tpu.memory_space<hbm>> -> memref<80x128xi32, #tpu.memory_space<hbm>>
      %dma_wait3A_26 = arith.constant 0 : i32
      %dma_wait3A_27 = arith.constant 0 : i32
      %dma_wait3A_28 = tpu.memref_slice %arg2[%add3A, %dma_wait3A_26, %dma_wait3A_27] : memref<32x80x128xi32, #tpu.memory_space<hbm>> -> memref<1x80x128xi32, #tpu.memory_space<hbm>>
      %dma_wait3A_29 = tpu.memref_squeeze %dma_wait3A_28 : memref<1x80x128xi32, #tpu.memory_space<hbm>> -> memref<80x128xi32, #tpu.memory_space<hbm>>
      tpu.wait_dma2 semaphore(%run_scoped3A : memref<!tpu.dma_semaphore, #tpu.memory_space<semaphore_mem>>) src(%dma_wait3A_29 : memref<80x128xi32, #tpu.memory_space<hbm>>) dst(%arg5 : memref<80x128xi32, #tpu.memory_space<vmem>>)
      tpu.yield
    }) : () -> ()
    "tpu.region"() ({
      %run_scoped3A = tpu.sem_alloc : memref<!tpu.dma_semaphore, #tpu.memory_space<semaphore_mem>>
      tpu.enqueue_dma source(%arg3 : memref<768x8xf32, #tpu.memory_space<hbm>>) target(%arg6 : memref<768x8xf32, #tpu.memory_space<vmem>>) target_semaphore(%run_scoped3A : memref<!tpu.dma_semaphore, #tpu.memory_space<semaphore_mem>>)
      tpu.wait_dma2 semaphore(%run_scoped3A : memref<!tpu.dma_semaphore, #tpu.memory_space<semaphore_mem>>) src(%arg3 : memref<768x8xf32, #tpu.memory_space<hbm>>) dst(%arg6 : memref<768x8xf32, #tpu.memory_space<vmem>>)
      tpu.yield
    }) : () -> ()
    %mul3A_1 = arith.constant 640 : i32
    %mul3A_2 = arith.muli %arg1, %mul3A_1 : i32
    "tpu.region"() ({
      %run_scoped3A = tpu.sem_alloc : memref<!tpu.dma_semaphore, #tpu.memory_space<semaphore_mem>>
      %dma_start3A = arith.constant 128 : i32
      %dma_start3A_16 = arith.constant 0 : i32
      %dma_start3A_17 = tpu.memref_slice %arg6[%dma_start3A, %dma_start3A_16] : memref<768x8xf32, #tpu.memory_space<vmem>> -> memref<640x8xf32, #tpu.memory_space<vmem>>
      %dma_start3A_18 = arith.constant 0 : i32
      %dma_start3A_19 = tpu.memref_slice %arg8[%mul3A_2, %dma_start3A_18] : memref<10240x8xf32, #tpu.memory_space<vmem_shared>> -> memref<640x8xf32, #tpu.memory_space<vmem_shared>>
      %dma_start3A_20 = arith.constant 0 : i32
      %dma_start3A_21 = tpu.memref_slice %arg8[%mul3A_2, %dma_start3A_20] : memref<10240x8xf32, #tpu.memory_space<vmem_shared>> -> memref<640x8xf32, #tpu.memory_space<vmem_shared>>
      %dma_start3A_22 = arith.constant 128 : i32
      %dma_start3A_23 = arith.constant 0 : i32
      %dma_start3A_24 = tpu.memref_slice %arg6[%dma_start3A_22, %dma_start3A_23] : memref<768x8xf32, #tpu.memory_space<vmem>> -> memref<640x8xf32, #tpu.memory_space<vmem>>
      tpu.enqueue_dma source(%dma_start3A_24 : memref<640x8xf32, #tpu.memory_space<vmem>>) target(%dma_start3A_21 : memref<640x8xf32, #tpu.memory_space<vmem_shared>>) target_semaphore(%run_scoped3A : memref<!tpu.dma_semaphore, #tpu.memory_space<semaphore_mem>>)
      %dma_wait3A = arith.constant 128 : i32
      %dma_wait3A_25 = arith.constant 0 : i32
      %dma_wait3A_26 = tpu.memref_slice %arg6[%dma_wait3A, %dma_wait3A_25] : memref<768x8xf32, #tpu.memory_space<vmem>> -> memref<640x8xf32, #tpu.memory_space<vmem>>
      %dma_wait3A_27 = arith.constant 0 : i32
      %dma_wait3A_28 = tpu.memref_slice %arg8[%mul3A_2, %dma_wait3A_27] : memref<10240x8xf32, #tpu.memory_space<vmem_shared>> -> memref<640x8xf32, #tpu.memory_space<vmem_shared>>
      %dma_wait3A_29 = arith.constant 0 : i32
      %dma_wait3A_30 = tpu.memref_slice %arg8[%mul3A_2, %dma_wait3A_29] : memref<10240x8xf32, #tpu.memory_space<vmem_shared>> -> memref<640x8xf32, #tpu.memory_space<vmem_shared>>
      %dma_wait3A_31 = arith.constant 128 : i32
      %dma_wait3A_32 = arith.constant 0 : i32
      %dma_wait3A_33 = tpu.memref_slice %arg6[%dma_wait3A_31, %dma_wait3A_32] : memref<768x8xf32, #tpu.memory_space<vmem>> -> memref<640x8xf32, #tpu.memory_space<vmem>>
      tpu.wait_dma2 semaphore(%run_scoped3A : memref<!tpu.dma_semaphore, #tpu.memory_space<semaphore_mem>>) src(%dma_wait3A_33 : memref<640x8xf32, #tpu.memory_space<vmem>>) dst(%dma_wait3A_30 : memref<640x8xf32, #tpu.memory_space<vmem_shared>>)
      tpu.yield
    }) : () -> ()
    %barrier3A = arith.constant 0 : index
    tpu.barrier barrier_id(%barrier3A)
    %scan3A = arith.constant 0 : i32
    %scan3A_3 = arith.constant 0 : i32
    %scan3A_4 = arith.constant 10 : i32
    %scan3A_5 = arith.addi %scan3A_3, %scan3A_4 : i32
    %scan3A_6 = arith.constant 1 : i32
    scf.for %scan3A_16 = %scan3A_3 to %scan3A_5 step %scan3A_6  : i32 {
      %mul3A_17 = arith.constant 8 : i32
      %mul3A_18 = arith.muli %scan3A_16, %mul3A_17 : i32
      %add3A_19 = arith.constant 0 : i32
      %add3A_20 = arith.addi %mul3A_18, %add3A_19 : i32
      %dma_start3A = arith.constant 0 : i32
      %dma_start3A_21 = arith.constant 0 : i32
      %dma_start3A_22 = tpu.memref_slice %arg6[%dma_start3A, %dma_start3A_21] : memref<768x8xf32, #tpu.memory_space<vmem>> -> memref<128x8xf32, #tpu.memory_space<vmem>>
      %dma_start3A_23 = arith.constant 0 : i32
      %dma_start3A_24 = tpu.memref_slice %arg5[%add3A_20, %dma_start3A_23] : memref<80x128xi32, #tpu.memory_space<vmem>> -> memref<1x128xi32, #tpu.memory_space<vmem>>
      %dma_start3A_25 = tpu.memref_squeeze %dma_start3A_24 : memref<1x128xi32, #tpu.memory_space<vmem>> -> memref<128xi32, #tpu.memory_space<vmem>>
      %dma_start3A_26 = arith.constant 0 : i32
      %dma_start3A_27 = arith.constant 0 : i32
      %dma_start3A_28 = tpu.memref_slice %arg8[%dma_start3A_26, %dma_start3A_27] : memref<10240x8xf32, #tpu.memory_space<vmem_shared>> -> memref<10240x8xf32, #tpu.memory_space<vmem_shared>>
      tpu.enqueue_indirect_dma source(%dma_start3A_22 : memref<128x8xf32, #tpu.memory_space<vmem>>) target(%dma_start3A_28 : memref<10240x8xf32, #tpu.memory_space<vmem_shared>>) offsets(%dma_start3A_25 : memref<128xi32, #tpu.memory_space<vmem>>) semaphore(%arg7 : memref<!tpu.dma_semaphore, #tpu.memory_space<semaphore_mem>>) {add = true}
      %add3A_29 = arith.constant 1 : i32
      %add3A_30 = arith.addi %mul3A_18, %add3A_29 : i32
      %dma_start3A_31 = arith.constant 0 : i32
      %dma_start3A_32 = arith.constant 0 : i32
      %dma_start3A_33 = tpu.memref_slice %arg6[%dma_start3A_31, %dma_start3A_32] : memref<768x8xf32, #tpu.memory_space<vmem>> -> memref<128x8xf32, #tpu.memory_space<vmem>>
      %dma_start3A_34 = arith.constant 0 : i32
      %dma_start3A_35 = tpu.memref_slice %arg5[%add3A_30, %dma_start3A_34] : memref<80x128xi32, #tpu.memory_space<vmem>> -> memref<1x128xi32, #tpu.memory_space<vmem>>
      %dma_start3A_36 = tpu.memref_squeeze %dma_start3A_35 : memref<1x128xi32, #tpu.memory_space<vmem>> -> memref<128xi32, #tpu.memory_space<vmem>>
      %dma_start3A_37 = arith.constant 0 : i32
      %dma_start3A_38 = arith.constant 0 : i32
      %dma_start3A_39 = tpu.memref_slice %arg8[%dma_start3A_37, %dma_start3A_38] : memref<10240x8xf32, #tpu.memory_space<vmem_shared>> -> memref<10240x8xf32, #tpu.memory_space<vmem_shared>>
      tpu.enqueue_indirect_dma source(%dma_start3A_33 : memref<128x8xf32, #tpu.memory_space<vmem>>) target(%dma_start3A_39 : memref<10240x8xf32, #tpu.memory_space<vmem_shared>>) offsets(%dma_start3A_36 : memref<128xi32, #tpu.memory_space<vmem>>) semaphore(%arg7 : memref<!tpu.dma_semaphore, #tpu.memory_space<semaphore_mem>>) {add = true}
      %add3A_40 = arith.constant 2 : i32
      %add3A_41 = arith.addi %mul3A_18, %add3A_40 : i32
      %dma_start3A_42 = arith.constant 0 : i32
      %dma_start3A_43 = arith.constant 0 : i32
      %dma_start3A_44 = tpu.memref_slice %arg6[%dma_start3A_42, %dma_start3A_43] : memref<768x8xf32, #tpu.memory_space<vmem>> -> memref<128x8xf32, #tpu.memory_space<vmem>>
      %dma_start3A_45 = arith.constant 0 : i32
      %dma_start3A_46 = tpu.memref_slice %arg5[%add3A_41, %dma_start3A_45] : memref<80x128xi32, #tpu.memory_space<vmem>> -> memref<1x128xi32, #tpu.memory_space<vmem>>
      %dma_start3A_47 = tpu.memref_squeeze %dma_start3A_46 : memref<1x128xi32, #tpu.memory_space<vmem>> -> memref<128xi32, #tpu.memory_space<vmem>>
      %dma_start3A_48 = arith.constant 0 : i32
      %dma_start3A_49 = arith.constant 0 : i32
      %dma_start3A_50 = tpu.memref_slice %arg8[%dma_start3A_48, %dma_start3A_49] : memref<10240x8xf32, #tpu.memory_space<vmem_shared>> -> memref<10240x8xf32, #tpu.memory_space<vmem_shared>>
      tpu.enqueue_indirect_dma source(%dma_start3A_44 : memref<128x8xf32, #tpu.memory_space<vmem>>) target(%dma_start3A_50 : memref<10240x8xf32, #tpu.memory_space<vmem_shared>>) offsets(%dma_start3A_47 : memref<128xi32, #tpu.memory_space<vmem>>) semaphore(%arg7 : memref<!tpu.dma_semaphore, #tpu.memory_space<semaphore_mem>>) {add = true}
      %add3A_51 = arith.constant 3 : i32
      %add3A_52 = arith.addi %mul3A_18, %add3A_51 : i32
      %dma_start3A_53 = arith.constant 0 : i32
      %dma_start3A_54 = arith.constant 0 : i32
      %dma_start3A_55 = tpu.memref_slice %arg6[%dma_start3A_53, %dma_start3A_54] : memref<768x8xf32, #tpu.memory_space<vmem>> -> memref<128x8xf32, #tpu.memory_space<vmem>>
      %dma_start3A_56 = arith.constant 0 : i32
      %dma_start3A_57 = tpu.memref_slice %arg5[%add3A_52, %dma_start3A_56] : memref<80x128xi32, #tpu.memory_space<vmem>> -> memref<1x128xi32, #tpu.memory_space<vmem>>
      %dma_start3A_58 = tpu.memref_squeeze %dma_start3A_57 : memref<1x128xi32, #tpu.memory_space<vmem>> -> memref<128xi32, #tpu.memory_space<vmem>>
      %dma_start3A_59 = arith.constant 0 : i32
      %dma_start3A_60 = arith.constant 0 : i32
      %dma_start3A_61 = tpu.memref_slice %arg8[%dma_start3A_59, %dma_start3A_60] : memref<10240x8xf32, #tpu.memory_space<vmem_shared>> -> memref<10240x8xf32, #tpu.memory_space<vmem_shared>>
      tpu.enqueue_indirect_dma source(%dma_start3A_55 : memref<128x8xf32, #tpu.memory_space<vmem>>) target(%dma_start3A_61 : memref<10240x8xf32, #tpu.memory_space<vmem_shared>>) offsets(%dma_start3A_58 : memref<128xi32, #tpu.memory_space<vmem>>) semaphore(%arg7 : memref<!tpu.dma_semaphore, #tpu.memory_space<semaphore_mem>>) {add = true}
      %add3A_62 = arith.constant 4 : i32
      %add3A_63 = arith.addi %mul3A_18, %add3A_62 : i32
      %dma_start3A_64 = arith.constant 0 : i32
      %dma_start3A_65 = arith.constant 0 : i32
      %dma_start3A_66 = tpu.memref_slice %arg6[%dma_start3A_64, %dma_start3A_65] : memref<768x8xf32, #tpu.memory_space<vmem>> -> memref<128x8xf32, #tpu.memory_space<vmem>>
      %dma_start3A_67 = arith.constant 0 : i32
      %dma_start3A_68 = tpu.memref_slice %arg5[%add3A_63, %dma_start3A_67] : memref<80x128xi32, #tpu.memory_space<vmem>> -> memref<1x128xi32, #tpu.memory_space<vmem>>
      %dma_start3A_69 = tpu.memref_squeeze %dma_start3A_68 : memref<1x128xi32, #tpu.memory_space<vmem>> -> memref<128xi32, #tpu.memory_space<vmem>>
      %dma_start3A_70 = arith.constant 0 : i32
      %dma_start3A_71 = arith.constant 0 : i32
      %dma_start3A_72 = tpu.memref_slice %arg8[%dma_start3A_70, %dma_start3A_71] : memref<10240x8xf32, #tpu.memory_space<vmem_shared>> -> memref<10240x8xf32, #tpu.memory_space<vmem_shared>>
      tpu.enqueue_indirect_dma source(%dma_start3A_66 : memref<128x8xf32, #tpu.memory_space<vmem>>) target(%dma_start3A_72 : memref<10240x8xf32, #tpu.memory_space<vmem_shared>>) offsets(%dma_start3A_69 : memref<128xi32, #tpu.memory_space<vmem>>) semaphore(%arg7 : memref<!tpu.dma_semaphore, #tpu.memory_space<semaphore_mem>>) {add = true}
      %add3A_73 = arith.constant 5 : i32
      %add3A_74 = arith.addi %mul3A_18, %add3A_73 : i32
      %dma_start3A_75 = arith.constant 0 : i32
      %dma_start3A_76 = arith.constant 0 : i32
      %dma_start3A_77 = tpu.memref_slice %arg6[%dma_start3A_75, %dma_start3A_76] : memref<768x8xf32, #tpu.memory_space<vmem>> -> memref<128x8xf32, #tpu.memory_space<vmem>>
      %dma_start3A_78 = arith.constant 0 : i32
      %dma_start3A_79 = tpu.memref_slice %arg5[%add3A_74, %dma_start3A_78] : memref<80x128xi32, #tpu.memory_space<vmem>> -> memref<1x128xi32, #tpu.memory_space<vmem>>
      %dma_start3A_80 = tpu.memref_squeeze %dma_start3A_79 : memref<1x128xi32, #tpu.memory_space<vmem>> -> memref<128xi32, #tpu.memory_space<vmem>>
      %dma_start3A_81 = arith.constant 0 : i32
      %dma_start3A_82 = arith.constant 0 : i32
      %dma_start3A_83 = tpu.memref_slice %arg8[%dma_start3A_81, %dma_start3A_82] : memref<10240x8xf32, #tpu.memory_space<vmem_shared>> -> memref<10240x8xf32, #tpu.memory_space<vmem_shared>>
      tpu.enqueue_indirect_dma source(%dma_start3A_77 : memref<128x8xf32, #tpu.memory_space<vmem>>) target(%dma_start3A_83 : memref<10240x8xf32, #tpu.memory_space<vmem_shared>>) offsets(%dma_start3A_80 : memref<128xi32, #tpu.memory_space<vmem>>) semaphore(%arg7 : memref<!tpu.dma_semaphore, #tpu.memory_space<semaphore_mem>>) {add = true}
      %add3A_84 = arith.constant 6 : i32
      %add3A_85 = arith.addi %mul3A_18, %add3A_84 : i32
      %dma_start3A_86 = arith.constant 0 : i32
      %dma_start3A_87 = arith.constant 0 : i32
      %dma_start3A_88 = tpu.memref_slice %arg6[%dma_start3A_86, %dma_start3A_87] : memref<768x8xf32, #tpu.memory_space<vmem>> -> memref<128x8xf32, #tpu.memory_space<vmem>>
      %dma_start3A_89 = arith.constant 0 : i32
      %dma_start3A_90 = tpu.memref_slice %arg5[%add3A_85, %dma_start3A_89] : memref<80x128xi32, #tpu.memory_space<vmem>> -> memref<1x128xi32, #tpu.memory_space<vmem>>
      %dma_start3A_91 = tpu.memref_squeeze %dma_start3A_90 : memref<1x128xi32, #tpu.memory_space<vmem>> -> memref<128xi32, #tpu.memory_space<vmem>>
      %dma_start3A_92 = arith.constant 0 : i32
      %dma_start3A_93 = arith.constant 0 : i32
      %dma_start3A_94 = tpu.memref_slice %arg8[%dma_start3A_92, %dma_start3A_93] : memref<10240x8xf32, #tpu.memory_space<vmem_shared>> -> memref<10240x8xf32, #tpu.memory_space<vmem_shared>>
      tpu.enqueue_indirect_dma source(%dma_start3A_88 : memref<128x8xf32, #tpu.memory_space<vmem>>) target(%dma_start3A_94 : memref<10240x8xf32, #tpu.memory_space<vmem_shared>>) offsets(%dma_start3A_91 : memref<128xi32, #tpu.memory_space<vmem>>) semaphore(%arg7 : memref<!tpu.dma_semaphore, #tpu.memory_space<semaphore_mem>>) {add = true}
      %add3A_95 = arith.constant 7 : i32
      %add3A_96 = arith.addi %mul3A_18, %add3A_95 : i32
      %dma_start3A_97 = arith.constant 0 : i32
      %dma_start3A_98 = arith.constant 0 : i32
      %dma_start3A_99 = tpu.memref_slice %arg6[%dma_start3A_97, %dma_start3A_98] : memref<768x8xf32, #tpu.memory_space<vmem>> -> memref<128x8xf32, #tpu.memory_space<vmem>>
      %dma_start3A_100 = arith.constant 0 : i32
      %dma_start3A_101 = tpu.memref_slice %arg5[%add3A_96, %dma_start3A_100] : memref<80x128xi32, #tpu.memory_space<vmem>> -> memref<1x128xi32, #tpu.memory_space<vmem>>
      %dma_start3A_102 = tpu.memref_squeeze %dma_start3A_101 : memref<1x128xi32, #tpu.memory_space<vmem>> -> memref<128xi32, #tpu.memory_space<vmem>>
      %dma_start3A_103 = arith.constant 0 : i32
      %dma_start3A_104 = arith.constant 0 : i32
      %dma_start3A_105 = tpu.memref_slice %arg8[%dma_start3A_103, %dma_start3A_104] : memref<10240x8xf32, #tpu.memory_space<vmem_shared>> -> memref<10240x8xf32, #tpu.memory_space<vmem_shared>>
      tpu.enqueue_indirect_dma source(%dma_start3A_99 : memref<128x8xf32, #tpu.memory_space<vmem>>) target(%dma_start3A_105 : memref<10240x8xf32, #tpu.memory_space<vmem_shared>>) offsets(%dma_start3A_102 : memref<128xi32, #tpu.memory_space<vmem>>) semaphore(%arg7 : memref<!tpu.dma_semaphore, #tpu.memory_space<semaphore_mem>>) {add = true}
      %add3A_106 = arith.constant 0 : i32
      %add3A_107 = arith.addi %mul3A_18, %add3A_106 : i32
      %dma_wait3A = arith.constant 0 : i32
      %dma_wait3A_108 = arith.constant 0 : i32
      %dma_wait3A_109 = tpu.memref_slice %arg6[%dma_wait3A, %dma_wait3A_108] : memref<768x8xf32, #tpu.memory_space<vmem>> -> memref<128x8xf32, #tpu.memory_space<vmem>>
      %dma_wait3A_110 = arith.constant 0 : i32
      %dma_wait3A_111 = tpu.memref_slice %arg5[%add3A_107, %dma_wait3A_110] : memref<80x128xi32, #tpu.memory_space<vmem>> -> memref<1x128xi32, #tpu.memory_space<vmem>>
      %dma_wait3A_112 = tpu.memref_squeeze %dma_wait3A_111 : memref<1x128xi32, #tpu.memory_space<vmem>> -> memref<128xi32, #tpu.memory_space<vmem>>
      %dma_wait3A_113 = arith.constant 0 : i32
      %dma_wait3A_114 = arith.constant 0 : i32
      %dma_wait3A_115 = tpu.memref_slice %arg8[%dma_wait3A_113, %dma_wait3A_114] : memref<10240x8xf32, #tpu.memory_space<vmem_shared>> -> memref<10240x8xf32, #tpu.memory_space<vmem_shared>>
      tpu.wait_indirect_dma semaphore(%arg7 : memref<!tpu.dma_semaphore, #tpu.memory_space<semaphore_mem>>) src(%dma_wait3A_109 : memref<128x8xf32, #tpu.memory_space<vmem>>) dst(%dma_wait3A_115 : memref<10240x8xf32, #tpu.memory_space<vmem_shared>>)
      %add3A_116 = arith.constant 1 : i32
      %add3A_117 = arith.addi %mul3A_18, %add3A_116 : i32
      %dma_wait3A_118 = arith.constant 0 : i32
      %dma_wait3A_119 = arith.constant 0 : i32
      %dma_wait3A_120 = tpu.memref_slice %arg6[%dma_wait3A_118, %dma_wait3A_119] : memref<768x8xf32, #tpu.memory_space<vmem>> -> memref<128x8xf32, #tpu.memory_space<vmem>>
      %dma_wait3A_121 = arith.constant 0 : i32
      %dma_wait3A_122 = tpu.memref_slice %arg5[%add3A_117, %dma_wait3A_121] : memref<80x128xi32, #tpu.memory_space<vmem>> -> memref<1x128xi32, #tpu.memory_space<vmem>>
      %dma_wait3A_123 = tpu.memref_squeeze %dma_wait3A_122 : memref<1x128xi32, #tpu.memory_space<vmem>> -> memref<128xi32, #tpu.memory_space<vmem>>
      %dma_wait3A_124 = arith.constant 0 : i32
      %dma_wait3A_125 = arith.constant 0 : i32
      %dma_wait3A_126 = tpu.memref_slice %arg8[%dma_wait3A_124, %dma_wait3A_125] : memref<10240x8xf32, #tpu.memory_space<vmem_shared>> -> memref<10240x8xf32, #tpu.memory_space<vmem_shared>>
      tpu.wait_indirect_dma semaphore(%arg7 : memref<!tpu.dma_semaphore, #tpu.memory_space<semaphore_mem>>) src(%dma_wait3A_120 : memref<128x8xf32, #tpu.memory_space<vmem>>) dst(%dma_wait3A_126 : memref<10240x8xf32, #tpu.memory_space<vmem_shared>>)
      %add3A_127 = arith.constant 2 : i32
      %add3A_128 = arith.addi %mul3A_18, %add3A_127 : i32
      %dma_wait3A_129 = arith.constant 0 : i32
      %dma_wait3A_130 = arith.constant 0 : i32
      %dma_wait3A_131 = tpu.memref_slice %arg6[%dma_wait3A_129, %dma_wait3A_130] : memref<768x8xf32, #tpu.memory_space<vmem>> -> memref<128x8xf32, #tpu.memory_space<vmem>>
      %dma_wait3A_132 = arith.constant 0 : i32
      %dma_wait3A_133 = tpu.memref_slice %arg5[%add3A_128, %dma_wait3A_132] : memref<80x128xi32, #tpu.memory_space<vmem>> -> memref<1x128xi32, #tpu.memory_space<vmem>>
      %dma_wait3A_134 = tpu.memref_squeeze %dma_wait3A_133 : memref<1x128xi32, #tpu.memory_space<vmem>> -> memref<128xi32, #tpu.memory_space<vmem>>
      %dma_wait3A_135 = arith.constant 0 : i32
      %dma_wait3A_136 = arith.constant 0 : i32
      %dma_wait3A_137 = tpu.memref_slice %arg8[%dma_wait3A_135, %dma_wait3A_136] : memref<10240x8xf32, #tpu.memory_space<vmem_shared>> -> memref<10240x8xf32, #tpu.memory_space<vmem_shared>>
      tpu.wait_indirect_dma semaphore(%arg7 : memref<!tpu.dma_semaphore, #tpu.memory_space<semaphore_mem>>) src(%dma_wait3A_131 : memref<128x8xf32, #tpu.memory_space<vmem>>) dst(%dma_wait3A_137 : memref<10240x8xf32, #tpu.memory_space<vmem_shared>>)
      %add3A_138 = arith.constant 3 : i32
      %add3A_139 = arith.addi %mul3A_18, %add3A_138 : i32
      %dma_wait3A_140 = arith.constant 0 : i32
      %dma_wait3A_141 = arith.constant 0 : i32
      %dma_wait3A_142 = tpu.memref_slice %arg6[%dma_wait3A_140, %dma_wait3A_141] : memref<768x8xf32, #tpu.memory_space<vmem>> -> memref<128x8xf32, #tpu.memory_space<vmem>>
      %dma_wait3A_143 = arith.constant 0 : i32
      %dma_wait3A_144 = tpu.memref_slice %arg5[%add3A_139, %dma_wait3A_143] : memref<80x128xi32, #tpu.memory_space<vmem>> -> memref<1x128xi32, #tpu.memory_space<vmem>>
      %dma_wait3A_145 = tpu.memref_squeeze %dma_wait3A_144 : memref<1x128xi32, #tpu.memory_space<vmem>> -> memref<128xi32, #tpu.memory_space<vmem>>
      %dma_wait3A_146 = arith.constant 0 : i32
      %dma_wait3A_147 = arith.constant 0 : i32
      %dma_wait3A_148 = tpu.memref_slice %arg8[%dma_wait3A_146, %dma_wait3A_147] : memref<10240x8xf32, #tpu.memory_space<vmem_shared>> -> memref<10240x8xf32, #tpu.memory_space<vmem_shared>>
      tpu.wait_indirect_dma semaphore(%arg7 : memref<!tpu.dma_semaphore, #tpu.memory_space<semaphore_mem>>) src(%dma_wait3A_142 : memref<128x8xf32, #tpu.memory_space<vmem>>) dst(%dma_wait3A_148 : memref<10240x8xf32, #tpu.memory_space<vmem_shared>>)
      %add3A_149 = arith.constant 4 : i32
      %add3A_150 = arith.addi %mul3A_18, %add3A_149 : i32
      %dma_wait3A_151 = arith.constant 0 : i32
      %dma_wait3A_152 = arith.constant 0 : i32
      %dma_wait3A_153 = tpu.memref_slice %arg6[%dma_wait3A_151, %dma_wait3A_152] : memref<768x8xf32, #tpu.memory_space<vmem>> -> memref<128x8xf32, #tpu.memory_space<vmem>>
      %dma_wait3A_154 = arith.constant 0 : i32
      %dma_wait3A_155 = tpu.memref_slice %arg5[%add3A_150, %dma_wait3A_154] : memref<80x128xi32, #tpu.memory_space<vmem>> -> memref<1x128xi32, #tpu.memory_space<vmem>>
      %dma_wait3A_156 = tpu.memref_squeeze %dma_wait3A_155 : memref<1x128xi32, #tpu.memory_space<vmem>> -> memref<128xi32, #tpu.memory_space<vmem>>
      %dma_wait3A_157 = arith.constant 0 : i32
      %dma_wait3A_158 = arith.constant 0 : i32
      %dma_wait3A_159 = tpu.memref_slice %arg8[%dma_wait3A_157, %dma_wait3A_158] : memref<10240x8xf32, #tpu.memory_space<vmem_shared>> -> memref<10240x8xf32, #tpu.memory_space<vmem_shared>>
      tpu.wait_indirect_dma semaphore(%arg7 : memref<!tpu.dma_semaphore, #tpu.memory_space<semaphore_mem>>) src(%dma_wait3A_153 : memref<128x8xf32, #tpu.memory_space<vmem>>) dst(%dma_wait3A_159 : memref<10240x8xf32, #tpu.memory_space<vmem_shared>>)
      %add3A_160 = arith.constant 5 : i32
      %add3A_161 = arith.addi %mul3A_18, %add3A_160 : i32
      %dma_wait3A_162 = arith.constant 0 : i32
      %dma_wait3A_163 = arith.constant 0 : i32
      %dma_wait3A_164 = tpu.memref_slice %arg6[%dma_wait3A_162, %dma_wait3A_163] : memref<768x8xf32, #tpu.memory_space<vmem>> -> memref<128x8xf32, #tpu.memory_space<vmem>>
      %dma_wait3A_165 = arith.constant 0 : i32
      %dma_wait3A_166 = tpu.memref_slice %arg5[%add3A_161, %dma_wait3A_165] : memref<80x128xi32, #tpu.memory_space<vmem>> -> memref<1x128xi32, #tpu.memory_space<vmem>>
      %dma_wait3A_167 = tpu.memref_squeeze %dma_wait3A_166 : memref<1x128xi32, #tpu.memory_space<vmem>> -> memref<128xi32, #tpu.memory_space<vmem>>
      %dma_wait3A_168 = arith.constant 0 : i32
      %dma_wait3A_169 = arith.constant 0 : i32
      %dma_wait3A_170 = tpu.memref_slice %arg8[%dma_wait3A_168, %dma_wait3A_169] : memref<10240x8xf32, #tpu.memory_space<vmem_shared>> -> memref<10240x8xf32, #tpu.memory_space<vmem_shared>>
      tpu.wait_indirect_dma semaphore(%arg7 : memref<!tpu.dma_semaphore, #tpu.memory_space<semaphore_mem>>) src(%dma_wait3A_164 : memref<128x8xf32, #tpu.memory_space<vmem>>) dst(%dma_wait3A_170 : memref<10240x8xf32, #tpu.memory_space<vmem_shared>>)
      %add3A_171 = arith.constant 6 : i32
      %add3A_172 = arith.addi %mul3A_18, %add3A_171 : i32
      %dma_wait3A_173 = arith.constant 0 : i32
      %dma_wait3A_174 = arith.constant 0 : i32
      %dma_wait3A_175 = tpu.memref_slice %arg6[%dma_wait3A_173, %dma_wait3A_174] : memref<768x8xf32, #tpu.memory_space<vmem>> -> memref<128x8xf32, #tpu.memory_space<vmem>>
      %dma_wait3A_176 = arith.constant 0 : i32
      %dma_wait3A_177 = tpu.memref_slice %arg5[%add3A_172, %dma_wait3A_176] : memref<80x128xi32, #tpu.memory_space<vmem>> -> memref<1x128xi32, #tpu.memory_space<vmem>>
      %dma_wait3A_178 = tpu.memref_squeeze %dma_wait3A_177 : memref<1x128xi32, #tpu.memory_space<vmem>> -> memref<128xi32, #tpu.memory_space<vmem>>
      %dma_wait3A_179 = arith.constant 0 : i32
      %dma_wait3A_180 = arith.constant 0 : i32
      %dma_wait3A_181 = tpu.memref_slice %arg8[%dma_wait3A_179, %dma_wait3A_180] : memref<10240x8xf32, #tpu.memory_space<vmem_shared>> -> memref<10240x8xf32, #tpu.memory_space<vmem_shared>>
      tpu.wait_indirect_dma semaphore(%arg7 : memref<!tpu.dma_semaphore, #tpu.memory_space<semaphore_mem>>) src(%dma_wait3A_175 : memref<128x8xf32, #tpu.memory_space<vmem>>) dst(%dma_wait3A_181 : memref<10240x8xf32, #tpu.memory_space<vmem_shared>>)
      %add3A_182 = arith.constant 7 : i32
      %add3A_183 = arith.addi %mul3A_18, %add3A_182 : i32
      %dma_wait3A_184 = arith.constant 0 : i32
      %dma_wait3A_185 = arith.constant 0 : i32
      %dma_wait3A_186 = tpu.memref_slice %arg6[%dma_wait3A_184, %dma_wait3A_185] : memref<768x8xf32, #tpu.memory_space<vmem>> -> memref<128x8xf32, #tpu.memory_space<vmem>>
      %dma_wait3A_187 = arith.constant 0 : i32
      %dma_wait3A_188 = tpu.memref_slice %arg5[%add3A_183, %dma_wait3A_187] : memref<80x128xi32, #tpu.memory_space<vmem>> -> memref<1x128xi32, #tpu.memory_space<vmem>>
      %dma_wait3A_189 = tpu.memref_squeeze %dma_wait3A_188 : memref<1x128xi32, #tpu.memory_space<vmem>> -> memref<128xi32, #tpu.memory_space<vmem>>
      %dma_wait3A_190 = arith.constant 0 : i32
      %dma_wait3A_191 = arith.constant 0 : i32
      %dma_wait3A_192 = tpu.memref_slice %arg8[%dma_wait3A_190, %dma_wait3A_191] : memref<10240x8xf32, #tpu.memory_space<vmem_shared>> -> memref<10240x8xf32, #tpu.memory_space<vmem_shared>>
      tpu.wait_indirect_dma semaphore(%arg7 : memref<!tpu.dma_semaphore, #tpu.memory_space<semaphore_mem>>) src(%dma_wait3A_186 : memref<128x8xf32, #tpu.memory_space<vmem>>) dst(%dma_wait3A_192 : memref<10240x8xf32, #tpu.memory_space<vmem_shared>>)
    }
    %scan3A_7 = arith.constant 10 : i32
    %barrier3A_8 = arith.constant 0 : index
    tpu.barrier barrier_id(%barrier3A_8)
    %mul3A_9 = arith.constant 640 : i32
    %mul3A_10 = arith.muli %arg1, %mul3A_9 : i32
    %mul3A_11 = arith.constant 10240 : i32
    %mul3A_12 = arith.muli %arg0, %mul3A_11 : i32
    %mul3A_13 = arith.constant 640 : i32
    %mul3A_14 = arith.muli %arg1, %mul3A_13 : i32
    %add3A_15 = arith.addi %mul3A_12, %mul3A_14 : i32
    "tpu.region"() ({
      %run_scoped3A = tpu.sem_alloc : memref<!tpu.dma_semaphore, #tpu.memory_space<semaphore_mem>>
      %dma_start3A = arith.constant 0 : i32
      %dma_start3A_16 = tpu.memref_slice %arg4[%add3A_15, %dma_start3A] : memref<20480x8xf32, #tpu.memory_space<hbm>> -> memref<640x8xf32, #tpu.memory_space<hbm>>
      %dma_start3A_17 = arith.constant 0 : i32
      %dma_start3A_18 = tpu.memref_slice %arg8[%mul3A_10, %dma_start3A_17] : memref<10240x8xf32, #tpu.memory_space<vmem_shared>> -> memref<640x8xf32, #tpu.memory_space<vmem_shared>>
      tpu.enqueue_dma source(%dma_start3A_18 : memref<640x8xf32, #tpu.memory_space<vmem_shared>>) target(%dma_start3A_16 : memref<640x8xf32, #tpu.memory_space<hbm>>) target_semaphore(%run_scoped3A : memref<!tpu.dma_semaphore, #tpu.memory_space<semaphore_mem>>)
      %dma_wait3A = arith.constant 0 : i32
      %dma_wait3A_19 = tpu.memref_slice %arg4[%add3A_15, %dma_wait3A] : memref<20480x8xf32, #tpu.memory_space<hbm>> -> memref<640x8xf32, #tpu.memory_space<hbm>>
      %dma_wait3A_20 = arith.constant 0 : i32
      %dma_wait3A_21 = tpu.memref_slice %arg8[%mul3A_10, %dma_wait3A_20] : memref<10240x8xf32, #tpu.memory_space<vmem_shared>> -> memref<640x8xf32, #tpu.memory_space<vmem_shared>>
      tpu.wait_dma2 semaphore(%run_scoped3A : memref<!tpu.dma_semaphore, #tpu.memory_space<semaphore_mem>>) src(%dma_wait3A_21 : memref<640x8xf32, #tpu.memory_space<vmem_shared>>) dst(%dma_wait3A_19 : memref<640x8xf32, #tpu.memory_space<hbm>>)
      tpu.yield
    }) : () -> ()
    return
  }
}

#map = affine_map<(d0, d1) -> (0, 0, 0)>
#map1 = affine_map<(d0, d1) -> (0, 0)>
module attributes {stable_mosaic.version = 14 : i64} {
  func.func @_agg(%arg0: i32, %arg1: i32, %arg2: memref<2x10240x32xbf16, #tpu.memory_space<hbm>>, %arg3: memref<16x160x128xi32, #tpu.memory_space<hbm>>, %arg4: memref<16x160x128xi32, #tpu.memory_space<hbm>>, %arg5: memref<20480x32xbf16, #tpu.memory_space<hbm>>, %arg6: memref<160x128xi32, #tpu.memory_space<vmem>>, %arg7: memref<160x128xi32, #tpu.memory_space<vmem>>, %arg8: memref<128x32xbf16, #tpu.memory_space<vmem>>, %arg9: memref<128x32xbf16, #tpu.memory_space<vmem>>, %arg10: memref<128x32xbf16, #tpu.memory_space<vmem>>, %arg11: memref<128x32xbf16, #tpu.memory_space<vmem>>, %arg12: memref<128x32xbf16, #tpu.memory_space<vmem>>, %arg13: memref<!tpu.dma_semaphore, #tpu.memory_space<semaphore_mem>>, %arg14: memref<!tpu.dma_semaphore, #tpu.memory_space<semaphore_mem>>, %arg15: memref<!tpu.dma_semaphore, #tpu.memory_space<semaphore_mem>>, %arg16: memref<!tpu.dma_semaphore, #tpu.memory_space<semaphore_mem>>, %arg17: memref<!tpu.dma_semaphore, #tpu.memory_space<semaphore_mem>>, %arg18: memref<!tpu.dma_semaphore, #tpu.memory_space<semaphore_mem>>, %arg19: memref<!tpu.dma_semaphore, #tpu.memory_space<semaphore_mem>>, %arg20: memref<!tpu.dma_semaphore, #tpu.memory_space<semaphore_mem>>, %arg21: memref<!tpu.dma_semaphore, #tpu.memory_space<semaphore_mem>>, %arg22: memref<!tpu.dma_semaphore, #tpu.memory_space<semaphore_mem>>, %arg23: memref<10240x32xbf16, #tpu.memory_space<vmem_shared>>) attributes {dimension_semantics = [#tpu.dimension_semantics<core_parallel>, #tpu.dimension_semantics<subcore_parallel>], iteration_bounds = array<i64: 2, 16>, scalar_prefetch = 0 : i64, scratch_operands = 18 : i64, tpu.core_type = #tpu.core_type<sc_vector_subcore>, window_params = [{transform_indices = #map}, {transform_indices = #map}, {transform_indices = #map}, {transform_indices = #map1}]} {
    %mul3A = arith.constant 640 : i32
    %mul3A_0 = arith.muli %arg1, %mul3A : i32
    "tpu.region"() ({
      %run_scoped3A = tpu.sem_alloc : memref<!tpu.dma_semaphore, #tpu.memory_space<semaphore_mem>>
      %dma_start3A_79 = arith.constant 0 : i32
      %dma_start3A_80 = tpu.memref_slice %arg23[%mul3A_0, %dma_start3A_79] : memref<10240x32xbf16, #tpu.memory_space<vmem_shared>> -> memref<640x32xbf16, #tpu.memory_space<vmem_shared>>
      %dma_start3A_81 = arith.constant 0 : i32
      %dma_start3A_82 = arith.constant 0 : i32
      %dma_start3A_83 = tpu.memref_slice %arg2[%arg0, %dma_start3A_81, %dma_start3A_82] : memref<2x10240x32xbf16, #tpu.memory_space<hbm>> -> memref<1x10240x32xbf16, #tpu.memory_space<hbm>>
      %dma_start3A_84 = tpu.memref_squeeze %dma_start3A_83 : memref<1x10240x32xbf16, #tpu.memory_space<hbm>> -> memref<10240x32xbf16, #tpu.memory_space<hbm>>
      %dma_start3A_85 = arith.constant 0 : i32
      %dma_start3A_86 = tpu.memref_slice %dma_start3A_84[%mul3A_0, %dma_start3A_85] : memref<10240x32xbf16, #tpu.memory_space<hbm>> -> memref<640x32xbf16, #tpu.memory_space<hbm>>
      tpu.enqueue_dma source(%dma_start3A_86 : memref<640x32xbf16, #tpu.memory_space<hbm>>) target(%dma_start3A_80 : memref<640x32xbf16, #tpu.memory_space<vmem_shared>>) target_semaphore(%run_scoped3A : memref<!tpu.dma_semaphore, #tpu.memory_space<semaphore_mem>>)
      %dma_wait3A_87 = arith.constant 0 : i32
      %dma_wait3A_88 = tpu.memref_slice %arg23[%mul3A_0, %dma_wait3A_87] : memref<10240x32xbf16, #tpu.memory_space<vmem_shared>> -> memref<640x32xbf16, #tpu.memory_space<vmem_shared>>
      %dma_wait3A_89 = arith.constant 0 : i32
      %dma_wait3A_90 = arith.constant 0 : i32
      %dma_wait3A_91 = tpu.memref_slice %arg2[%arg0, %dma_wait3A_89, %dma_wait3A_90] : memref<2x10240x32xbf16, #tpu.memory_space<hbm>> -> memref<1x10240x32xbf16, #tpu.memory_space<hbm>>
      %dma_wait3A_92 = tpu.memref_squeeze %dma_wait3A_91 : memref<1x10240x32xbf16, #tpu.memory_space<hbm>> -> memref<10240x32xbf16, #tpu.memory_space<hbm>>
      %dma_wait3A_93 = arith.constant 0 : i32
      %dma_wait3A_94 = tpu.memref_slice %dma_wait3A_92[%mul3A_0, %dma_wait3A_93] : memref<10240x32xbf16, #tpu.memory_space<hbm>> -> memref<640x32xbf16, #tpu.memory_space<hbm>>
      tpu.wait_dma2 semaphore(%run_scoped3A : memref<!tpu.dma_semaphore, #tpu.memory_space<semaphore_mem>>) src(%dma_wait3A_94 : memref<640x32xbf16, #tpu.memory_space<hbm>>) dst(%dma_wait3A_88 : memref<640x32xbf16, #tpu.memory_space<vmem_shared>>)
      tpu.yield
    }) : () -> ()
    "tpu.region"() ({
      %run_scoped3A = tpu.sem_alloc : memref<!tpu.dma_semaphore, #tpu.memory_space<semaphore_mem>>
      %dma_start3A_79 = arith.constant 0 : i32
      %dma_start3A_80 = arith.constant 0 : i32
      %dma_start3A_81 = tpu.memref_slice %arg3[%arg1, %dma_start3A_79, %dma_start3A_80] : memref<16x160x128xi32, #tpu.memory_space<hbm>> -> memref<1x160x128xi32, #tpu.memory_space<hbm>>
      %dma_start3A_82 = tpu.memref_squeeze %dma_start3A_81 : memref<1x160x128xi32, #tpu.memory_space<hbm>> -> memref<160x128xi32, #tpu.memory_space<hbm>>
      %dma_start3A_83 = arith.constant 0 : i32
      %dma_start3A_84 = arith.constant 0 : i32
      %dma_start3A_85 = tpu.memref_slice %arg3[%arg1, %dma_start3A_83, %dma_start3A_84] : memref<16x160x128xi32, #tpu.memory_space<hbm>> -> memref<1x160x128xi32, #tpu.memory_space<hbm>>
      %dma_start3A_86 = tpu.memref_squeeze %dma_start3A_85 : memref<1x160x128xi32, #tpu.memory_space<hbm>> -> memref<160x128xi32, #tpu.memory_space<hbm>>
      tpu.enqueue_dma source(%dma_start3A_86 : memref<160x128xi32, #tpu.memory_space<hbm>>) target(%arg6 : memref<160x128xi32, #tpu.memory_space<vmem>>) target_semaphore(%run_scoped3A : memref<!tpu.dma_semaphore, #tpu.memory_space<semaphore_mem>>)
      %dma_wait3A_87 = arith.constant 0 : i32
      %dma_wait3A_88 = arith.constant 0 : i32
      %dma_wait3A_89 = tpu.memref_slice %arg3[%arg1, %dma_wait3A_87, %dma_wait3A_88] : memref<16x160x128xi32, #tpu.memory_space<hbm>> -> memref<1x160x128xi32, #tpu.memory_space<hbm>>
      %dma_wait3A_90 = tpu.memref_squeeze %dma_wait3A_89 : memref<1x160x128xi32, #tpu.memory_space<hbm>> -> memref<160x128xi32, #tpu.memory_space<hbm>>
      %dma_wait3A_91 = arith.constant 0 : i32
      %dma_wait3A_92 = arith.constant 0 : i32
      %dma_wait3A_93 = tpu.memref_slice %arg3[%arg1, %dma_wait3A_91, %dma_wait3A_92] : memref<16x160x128xi32, #tpu.memory_space<hbm>> -> memref<1x160x128xi32, #tpu.memory_space<hbm>>
      %dma_wait3A_94 = tpu.memref_squeeze %dma_wait3A_93 : memref<1x160x128xi32, #tpu.memory_space<hbm>> -> memref<160x128xi32, #tpu.memory_space<hbm>>
      tpu.wait_dma2 semaphore(%run_scoped3A : memref<!tpu.dma_semaphore, #tpu.memory_space<semaphore_mem>>) src(%dma_wait3A_94 : memref<160x128xi32, #tpu.memory_space<hbm>>) dst(%arg6 : memref<160x128xi32, #tpu.memory_space<vmem>>)
      tpu.yield
    }) : () -> ()
    "tpu.region"() ({
      %run_scoped3A = tpu.sem_alloc : memref<!tpu.dma_semaphore, #tpu.memory_space<semaphore_mem>>
      %dma_start3A_79 = arith.constant 0 : i32
      %dma_start3A_80 = arith.constant 0 : i32
      %dma_start3A_81 = tpu.memref_slice %arg4[%arg1, %dma_start3A_79, %dma_start3A_80] : memref<16x160x128xi32, #tpu.memory_space<hbm>> -> memref<1x160x128xi32, #tpu.memory_space<hbm>>
      %dma_start3A_82 = tpu.memref_squeeze %dma_start3A_81 : memref<1x160x128xi32, #tpu.memory_space<hbm>> -> memref<160x128xi32, #tpu.memory_space<hbm>>
      %dma_start3A_83 = arith.constant 0 : i32
      %dma_start3A_84 = arith.constant 0 : i32
      %dma_start3A_85 = tpu.memref_slice %arg4[%arg1, %dma_start3A_83, %dma_start3A_84] : memref<16x160x128xi32, #tpu.memory_space<hbm>> -> memref<1x160x128xi32, #tpu.memory_space<hbm>>
      %dma_start3A_86 = tpu.memref_squeeze %dma_start3A_85 : memref<1x160x128xi32, #tpu.memory_space<hbm>> -> memref<160x128xi32, #tpu.memory_space<hbm>>
      tpu.enqueue_dma source(%dma_start3A_86 : memref<160x128xi32, #tpu.memory_space<hbm>>) target(%arg7 : memref<160x128xi32, #tpu.memory_space<vmem>>) target_semaphore(%run_scoped3A : memref<!tpu.dma_semaphore, #tpu.memory_space<semaphore_mem>>)
      %dma_wait3A_87 = arith.constant 0 : i32
      %dma_wait3A_88 = arith.constant 0 : i32
      %dma_wait3A_89 = tpu.memref_slice %arg4[%arg1, %dma_wait3A_87, %dma_wait3A_88] : memref<16x160x128xi32, #tpu.memory_space<hbm>> -> memref<1x160x128xi32, #tpu.memory_space<hbm>>
      %dma_wait3A_90 = tpu.memref_squeeze %dma_wait3A_89 : memref<1x160x128xi32, #tpu.memory_space<hbm>> -> memref<160x128xi32, #tpu.memory_space<hbm>>
      %dma_wait3A_91 = arith.constant 0 : i32
      %dma_wait3A_92 = arith.constant 0 : i32
      %dma_wait3A_93 = tpu.memref_slice %arg4[%arg1, %dma_wait3A_91, %dma_wait3A_92] : memref<16x160x128xi32, #tpu.memory_space<hbm>> -> memref<1x160x128xi32, #tpu.memory_space<hbm>>
      %dma_wait3A_94 = tpu.memref_squeeze %dma_wait3A_93 : memref<1x160x128xi32, #tpu.memory_space<hbm>> -> memref<160x128xi32, #tpu.memory_space<hbm>>
      tpu.wait_dma2 semaphore(%run_scoped3A : memref<!tpu.dma_semaphore, #tpu.memory_space<semaphore_mem>>) src(%dma_wait3A_94 : memref<160x128xi32, #tpu.memory_space<hbm>>) dst(%arg7 : memref<160x128xi32, #tpu.memory_space<vmem>>)
      tpu.yield
    }) : () -> ()
    %barrier3A = arith.constant 0 : index
    tpu.barrier barrier_id(%barrier3A)
    %dma_start3A = arith.constant 0 : i32
    %dma_start3A_1 = arith.constant 0 : i32
    %dma_start3A_2 = tpu.memref_slice %arg6[%dma_start3A, %dma_start3A_1] : memref<160x128xi32, #tpu.memory_space<vmem>> -> memref<1x128xi32, #tpu.memory_space<vmem>>
    %dma_start3A_3 = tpu.memref_squeeze %dma_start3A_2 : memref<1x128xi32, #tpu.memory_space<vmem>> -> memref<128xi32, #tpu.memory_space<vmem>>
    %dma_start3A_4 = arith.constant 0 : i32
    %dma_start3A_5 = arith.constant 0 : i32
    %dma_start3A_6 = tpu.memref_slice %arg2[%arg0, %dma_start3A_4, %dma_start3A_5] : memref<2x10240x32xbf16, #tpu.memory_space<hbm>> -> memref<1x10240x32xbf16, #tpu.memory_space<hbm>>
    %dma_start3A_7 = tpu.memref_squeeze %dma_start3A_6 : memref<1x10240x32xbf16, #tpu.memory_space<hbm>> -> memref<10240x32xbf16, #tpu.memory_space<hbm>>
    %dma_start3A_8 = arith.constant 0 : i32
    %dma_start3A_9 = arith.constant 0 : i32
    %dma_start3A_10 = tpu.memref_slice %dma_start3A_7[%dma_start3A_8, %dma_start3A_9] : memref<10240x32xbf16, #tpu.memory_space<hbm>> -> memref<10240x32xbf16, #tpu.memory_space<hbm>>
    tpu.enqueue_indirect_dma source(%dma_start3A_10 : memref<10240x32xbf16, #tpu.memory_space<hbm>>) target(%arg8 : memref<128x32xbf16, #tpu.memory_space<vmem>>) offsets(%dma_start3A_3 : memref<128xi32, #tpu.memory_space<vmem>>) semaphore(%arg13 : memref<!tpu.dma_semaphore, #tpu.memory_space<semaphore_mem>>)
    %dma_start3A_11 = arith.constant 1 : i32
    %dma_start3A_12 = arith.constant 0 : i32
    %dma_start3A_13 = tpu.memref_slice %arg6[%dma_start3A_11, %dma_start3A_12] : memref<160x128xi32, #tpu.memory_space<vmem>> -> memref<1x128xi32, #tpu.memory_space<vmem>>
    %dma_start3A_14 = tpu.memref_squeeze %dma_start3A_13 : memref<1x128xi32, #tpu.memory_space<vmem>> -> memref<128xi32, #tpu.memory_space<vmem>>
    %dma_start3A_15 = arith.constant 0 : i32
    %dma_start3A_16 = arith.constant 0 : i32
    %dma_start3A_17 = tpu.memref_slice %arg2[%arg0, %dma_start3A_15, %dma_start3A_16] : memref<2x10240x32xbf16, #tpu.memory_space<hbm>> -> memref<1x10240x32xbf16, #tpu.memory_space<hbm>>
    %dma_start3A_18 = tpu.memref_squeeze %dma_start3A_17 : memref<1x10240x32xbf16, #tpu.memory_space<hbm>> -> memref<10240x32xbf16, #tpu.memory_space<hbm>>
    %dma_start3A_19 = arith.constant 0 : i32
    %dma_start3A_20 = arith.constant 0 : i32
    %dma_start3A_21 = tpu.memref_slice %dma_start3A_18[%dma_start3A_19, %dma_start3A_20] : memref<10240x32xbf16, #tpu.memory_space<hbm>> -> memref<10240x32xbf16, #tpu.memory_space<hbm>>
    tpu.enqueue_indirect_dma source(%dma_start3A_21 : memref<10240x32xbf16, #tpu.memory_space<hbm>>) target(%arg9 : memref<128x32xbf16, #tpu.memory_space<vmem>>) offsets(%dma_start3A_14 : memref<128xi32, #tpu.memory_space<vmem>>) semaphore(%arg14 : memref<!tpu.dma_semaphore, #tpu.memory_space<semaphore_mem>>)
    %dma_start3A_22 = arith.constant 2 : i32
    %dma_start3A_23 = arith.constant 0 : i32
    %dma_start3A_24 = tpu.memref_slice %arg6[%dma_start3A_22, %dma_start3A_23] : memref<160x128xi32, #tpu.memory_space<vmem>> -> memref<1x128xi32, #tpu.memory_space<vmem>>
    %dma_start3A_25 = tpu.memref_squeeze %dma_start3A_24 : memref<1x128xi32, #tpu.memory_space<vmem>> -> memref<128xi32, #tpu.memory_space<vmem>>
    %dma_start3A_26 = arith.constant 0 : i32
    %dma_start3A_27 = arith.constant 0 : i32
    %dma_start3A_28 = tpu.memref_slice %arg2[%arg0, %dma_start3A_26, %dma_start3A_27] : memref<2x10240x32xbf16, #tpu.memory_space<hbm>> -> memref<1x10240x32xbf16, #tpu.memory_space<hbm>>
    %dma_start3A_29 = tpu.memref_squeeze %dma_start3A_28 : memref<1x10240x32xbf16, #tpu.memory_space<hbm>> -> memref<10240x32xbf16, #tpu.memory_space<hbm>>
    %dma_start3A_30 = arith.constant 0 : i32
    %dma_start3A_31 = arith.constant 0 : i32
    %dma_start3A_32 = tpu.memref_slice %dma_start3A_29[%dma_start3A_30, %dma_start3A_31] : memref<10240x32xbf16, #tpu.memory_space<hbm>> -> memref<10240x32xbf16, #tpu.memory_space<hbm>>
    tpu.enqueue_indirect_dma source(%dma_start3A_32 : memref<10240x32xbf16, #tpu.memory_space<hbm>>) target(%arg10 : memref<128x32xbf16, #tpu.memory_space<vmem>>) offsets(%dma_start3A_25 : memref<128xi32, #tpu.memory_space<vmem>>) semaphore(%arg15 : memref<!tpu.dma_semaphore, #tpu.memory_space<semaphore_mem>>)
    %scan3A = arith.constant 0 : i32
    %scan3A_33 = arith.constant 0 : i32
    %scan3A_34 = arith.constant 32 : i32
    %scan3A_35 = arith.addi %scan3A_33, %scan3A_34 : i32
    %scan3A_36 = arith.constant 1 : i32
    scf.for %scan3A_79 = %scan3A_33 to %scan3A_35 step %scan3A_36  : i32 {
      %mul3A_80 = arith.constant 5 : i32
      %mul3A_81 = arith.muli %scan3A_79, %mul3A_80 : i32
      %add3A_82 = arith.constant 0 : i32
      %add3A_83 = arith.addi %mul3A_81, %add3A_82 : i32
      %dma_wait3A_84 = arith.constant 0 : i32
      %dma_wait3A_85 = tpu.memref_slice %arg6[%add3A_83, %dma_wait3A_84] : memref<160x128xi32, #tpu.memory_space<vmem>> -> memref<1x128xi32, #tpu.memory_space<vmem>>
      %dma_wait3A_86 = tpu.memref_squeeze %dma_wait3A_85 : memref<1x128xi32, #tpu.memory_space<vmem>> -> memref<128xi32, #tpu.memory_space<vmem>>
      %dma_wait3A_87 = arith.constant 0 : i32
      %dma_wait3A_88 = arith.constant 0 : i32
      %dma_wait3A_89 = tpu.memref_slice %arg2[%arg0, %dma_wait3A_87, %dma_wait3A_88] : memref<2x10240x32xbf16, #tpu.memory_space<hbm>> -> memref<1x10240x32xbf16, #tpu.memory_space<hbm>>
      %dma_wait3A_90 = tpu.memref_squeeze %dma_wait3A_89 : memref<1x10240x32xbf16, #tpu.memory_space<hbm>> -> memref<10240x32xbf16, #tpu.memory_space<hbm>>
      %dma_wait3A_91 = arith.constant 0 : i32
      %dma_wait3A_92 = arith.constant 0 : i32
      %dma_wait3A_93 = tpu.memref_slice %dma_wait3A_90[%dma_wait3A_91, %dma_wait3A_92] : memref<10240x32xbf16, #tpu.memory_space<hbm>> -> memref<10240x32xbf16, #tpu.memory_space<hbm>>
      tpu.wait_indirect_dma semaphore(%arg13 : memref<!tpu.dma_semaphore, #tpu.memory_space<semaphore_mem>>) src(%dma_wait3A_93 : memref<10240x32xbf16, #tpu.memory_space<hbm>>) dst(%arg8 : memref<128x32xbf16, #tpu.memory_space<vmem>>)
      %dma_start3A_94 = arith.constant 0 : i32
      %dma_start3A_95 = tpu.memref_slice %arg7[%add3A_83, %dma_start3A_94] : memref<160x128xi32, #tpu.memory_space<vmem>> -> memref<1x128xi32, #tpu.memory_space<vmem>>
      %dma_start3A_96 = tpu.memref_squeeze %dma_start3A_95 : memref<1x128xi32, #tpu.memory_space<vmem>> -> memref<128xi32, #tpu.memory_space<vmem>>
      %dma_start3A_97 = arith.constant 0 : i32
      %dma_start3A_98 = arith.constant 0 : i32
      %dma_start3A_99 = tpu.memref_slice %arg23[%dma_start3A_97, %dma_start3A_98] : memref<10240x32xbf16, #tpu.memory_space<vmem_shared>> -> memref<10240x32xbf16, #tpu.memory_space<vmem_shared>>
      tpu.enqueue_indirect_dma source(%arg8 : memref<128x32xbf16, #tpu.memory_space<vmem>>) target(%dma_start3A_99 : memref<10240x32xbf16, #tpu.memory_space<vmem_shared>>) offsets(%dma_start3A_96 : memref<128xi32, #tpu.memory_space<vmem>>) semaphore(%arg18 : memref<!tpu.dma_semaphore, #tpu.memory_space<semaphore_mem>>) {add = true}
      %add3A_100 = arith.constant 3 : i32
      %add3A_101 = arith.addi %add3A_83, %add3A_100 : i32
      %lt3A = arith.constant 160 : i32
      %lt3A_102 = arith.cmpi slt, %add3A_101, %lt3A : i32
      %convert_element_type3A = arith.extui %lt3A_102 : i1 to i32
      %cond3A = arith.constant 0 : i32
      %cond3A_103 = arith.cmpi ne, %convert_element_type3A, %cond3A : i32
      scf.if %cond3A_103 {
        %ge3A = arith.constant 5 : i32
        %ge3A_204 = arith.cmpi sge, %add3A_101, %ge3A : i32
        %convert_element_type3A_205 = arith.extui %ge3A_204 : i1 to i32
        %cond3A_206 = arith.constant 0 : i32
        %cond3A_207 = arith.cmpi ne, %convert_element_type3A_205, %cond3A_206 : i32
        scf.if %cond3A_207 {
          %sub3A = arith.constant 5 : i32
          %sub3A_218 = arith.subi %add3A_101, %sub3A : i32
          %dma_wait3A_219 = arith.constant 0 : i32
          %dma_wait3A_220 = tpu.memref_slice %arg7[%sub3A_218, %dma_wait3A_219] : memref<160x128xi32, #tpu.memory_space<vmem>> -> memref<1x128xi32, #tpu.memory_space<vmem>>
          %dma_wait3A_221 = tpu.memref_squeeze %dma_wait3A_220 : memref<1x128xi32, #tpu.memory_space<vmem>> -> memref<128xi32, #tpu.memory_space<vmem>>
          %dma_wait3A_222 = arith.constant 0 : i32
          %dma_wait3A_223 = arith.constant 0 : i32
          %dma_wait3A_224 = tpu.memref_slice %arg23[%dma_wait3A_222, %dma_wait3A_223] : memref<10240x32xbf16, #tpu.memory_space<vmem_shared>> -> memref<10240x32xbf16, #tpu.memory_space<vmem_shared>>
          tpu.wait_indirect_dma semaphore(%arg21 : memref<!tpu.dma_semaphore, #tpu.memory_space<semaphore_mem>>) src(%arg11 : memref<128x32xbf16, #tpu.memory_space<vmem>>) dst(%dma_wait3A_224 : memref<10240x32xbf16, #tpu.memory_space<vmem_shared>>)
        } else {
        }
        %dma_start3A_208 = arith.constant 0 : i32
        %dma_start3A_209 = tpu.memref_slice %arg6[%add3A_101, %dma_start3A_208] : memref<160x128xi32, #tpu.memory_space<vmem>> -> memref<1x128xi32, #tpu.memory_space<vmem>>
        %dma_start3A_210 = tpu.memref_squeeze %dma_start3A_209 : memref<1x128xi32, #tpu.memory_space<vmem>> -> memref<128xi32, #tpu.memory_space<vmem>>
        %dma_start3A_211 = arith.constant 0 : i32
        %dma_start3A_212 = arith.constant 0 : i32
        %dma_start3A_213 = tpu.memref_slice %arg2[%arg0, %dma_start3A_211, %dma_start3A_212] : memref<2x10240x32xbf16, #tpu.memory_space<hbm>> -> memref<1x10240x32xbf16, #tpu.memory_space<hbm>>
        %dma_start3A_214 = tpu.memref_squeeze %dma_start3A_213 : memref<1x10240x32xbf16, #tpu.memory_space<hbm>> -> memref<10240x32xbf16, #tpu.memory_space<hbm>>
        %dma_start3A_215 = arith.constant 0 : i32
        %dma_start3A_216 = arith.constant 0 : i32
        %dma_start3A_217 = tpu.memref_slice %dma_start3A_214[%dma_start3A_215, %dma_start3A_216] : memref<10240x32xbf16, #tpu.memory_space<hbm>> -> memref<10240x32xbf16, #tpu.memory_space<hbm>>
        tpu.enqueue_indirect_dma source(%dma_start3A_217 : memref<10240x32xbf16, #tpu.memory_space<hbm>>) target(%arg11 : memref<128x32xbf16, #tpu.memory_space<vmem>>) offsets(%dma_start3A_210 : memref<128xi32, #tpu.memory_space<vmem>>) semaphore(%arg16 : memref<!tpu.dma_semaphore, #tpu.memory_space<semaphore_mem>>)
      } else {
      }
      %add3A_104 = arith.constant 1 : i32
      %add3A_105 = arith.addi %mul3A_81, %add3A_104 : i32
      %dma_wait3A_106 = arith.constant 0 : i32
      %dma_wait3A_107 = tpu.memref_slice %arg6[%add3A_105, %dma_wait3A_106] : memref<160x128xi32, #tpu.memory_space<vmem>> -> memref<1x128xi32, #tpu.memory_space<vmem>>
      %dma_wait3A_108 = tpu.memref_squeeze %dma_wait3A_107 : memref<1x128xi32, #tpu.memory_space<vmem>> -> memref<128xi32, #tpu.memory_space<vmem>>
      %dma_wait3A_109 = arith.constant 0 : i32
      %dma_wait3A_110 = arith.constant 0 : i32
      %dma_wait3A_111 = tpu.memref_slice %arg2[%arg0, %dma_wait3A_109, %dma_wait3A_110] : memref<2x10240x32xbf16, #tpu.memory_space<hbm>> -> memref<1x10240x32xbf16, #tpu.memory_space<hbm>>
      %dma_wait3A_112 = tpu.memref_squeeze %dma_wait3A_111 : memref<1x10240x32xbf16, #tpu.memory_space<hbm>> -> memref<10240x32xbf16, #tpu.memory_space<hbm>>
      %dma_wait3A_113 = arith.constant 0 : i32
      %dma_wait3A_114 = arith.constant 0 : i32
      %dma_wait3A_115 = tpu.memref_slice %dma_wait3A_112[%dma_wait3A_113, %dma_wait3A_114] : memref<10240x32xbf16, #tpu.memory_space<hbm>> -> memref<10240x32xbf16, #tpu.memory_space<hbm>>
      tpu.wait_indirect_dma semaphore(%arg14 : memref<!tpu.dma_semaphore, #tpu.memory_space<semaphore_mem>>) src(%dma_wait3A_115 : memref<10240x32xbf16, #tpu.memory_space<hbm>>) dst(%arg9 : memref<128x32xbf16, #tpu.memory_space<vmem>>)
      %dma_start3A_116 = arith.constant 0 : i32
      %dma_start3A_117 = tpu.memref_slice %arg7[%add3A_105, %dma_start3A_116] : memref<160x128xi32, #tpu.memory_space<vmem>> -> memref<1x128xi32, #tpu.memory_space<vmem>>
      %dma_start3A_118 = tpu.memref_squeeze %dma_start3A_117 : memref<1x128xi32, #tpu.memory_space<vmem>> -> memref<128xi32, #tpu.memory_space<vmem>>
      %dma_start3A_119 = arith.constant 0 : i32
      %dma_start3A_120 = arith.constant 0 : i32
      %dma_start3A_121 = tpu.memref_slice %arg23[%dma_start3A_119, %dma_start3A_120] : memref<10240x32xbf16, #tpu.memory_space<vmem_shared>> -> memref<10240x32xbf16, #tpu.memory_space<vmem_shared>>
      tpu.enqueue_indirect_dma source(%arg9 : memref<128x32xbf16, #tpu.memory_space<vmem>>) target(%dma_start3A_121 : memref<10240x32xbf16, #tpu.memory_space<vmem_shared>>) offsets(%dma_start3A_118 : memref<128xi32, #tpu.memory_space<vmem>>) semaphore(%arg19 : memref<!tpu.dma_semaphore, #tpu.memory_space<semaphore_mem>>) {add = true}
      %add3A_122 = arith.constant 3 : i32
      %add3A_123 = arith.addi %add3A_105, %add3A_122 : i32
      %lt3A_124 = arith.constant 160 : i32
      %lt3A_125 = arith.cmpi slt, %add3A_123, %lt3A_124 : i32
      %convert_element_type3A_126 = arith.extui %lt3A_125 : i1 to i32
      %cond3A_127 = arith.constant 0 : i32
      %cond3A_128 = arith.cmpi ne, %convert_element_type3A_126, %cond3A_127 : i32
      scf.if %cond3A_128 {
        %ge3A = arith.constant 5 : i32
        %ge3A_204 = arith.cmpi sge, %add3A_123, %ge3A : i32
        %convert_element_type3A_205 = arith.extui %ge3A_204 : i1 to i32
        %cond3A_206 = arith.constant 0 : i32
        %cond3A_207 = arith.cmpi ne, %convert_element_type3A_205, %cond3A_206 : i32
        scf.if %cond3A_207 {
          %sub3A = arith.constant 5 : i32
          %sub3A_218 = arith.subi %add3A_123, %sub3A : i32
          %dma_wait3A_219 = arith.constant 0 : i32
          %dma_wait3A_220 = tpu.memref_slice %arg7[%sub3A_218, %dma_wait3A_219] : memref<160x128xi32, #tpu.memory_space<vmem>> -> memref<1x128xi32, #tpu.memory_space<vmem>>
          %dma_wait3A_221 = tpu.memref_squeeze %dma_wait3A_220 : memref<1x128xi32, #tpu.memory_space<vmem>> -> memref<128xi32, #tpu.memory_space<vmem>>
          %dma_wait3A_222 = arith.constant 0 : i32
          %dma_wait3A_223 = arith.constant 0 : i32
          %dma_wait3A_224 = tpu.memref_slice %arg23[%dma_wait3A_222, %dma_wait3A_223] : memref<10240x32xbf16, #tpu.memory_space<vmem_shared>> -> memref<10240x32xbf16, #tpu.memory_space<vmem_shared>>
          tpu.wait_indirect_dma semaphore(%arg22 : memref<!tpu.dma_semaphore, #tpu.memory_space<semaphore_mem>>) src(%arg12 : memref<128x32xbf16, #tpu.memory_space<vmem>>) dst(%dma_wait3A_224 : memref<10240x32xbf16, #tpu.memory_space<vmem_shared>>)
        } else {
        }
        %dma_start3A_208 = arith.constant 0 : i32
        %dma_start3A_209 = tpu.memref_slice %arg6[%add3A_123, %dma_start3A_208] : memref<160x128xi32, #tpu.memory_space<vmem>> -> memref<1x128xi32, #tpu.memory_space<vmem>>
        %dma_start3A_210 = tpu.memref_squeeze %dma_start3A_209 : memref<1x128xi32, #tpu.memory_space<vmem>> -> memref<128xi32, #tpu.memory_space<vmem>>
        %dma_start3A_211 = arith.constant 0 : i32
        %dma_start3A_212 = arith.constant 0 : i32
        %dma_start3A_213 = tpu.memref_slice %arg2[%arg0, %dma_start3A_211, %dma_start3A_212] : memref<2x10240x32xbf16, #tpu.memory_space<hbm>> -> memref<1x10240x32xbf16, #tpu.memory_space<hbm>>
        %dma_start3A_214 = tpu.memref_squeeze %dma_start3A_213 : memref<1x10240x32xbf16, #tpu.memory_space<hbm>> -> memref<10240x32xbf16, #tpu.memory_space<hbm>>
        %dma_start3A_215 = arith.constant 0 : i32
        %dma_start3A_216 = arith.constant 0 : i32
        %dma_start3A_217 = tpu.memref_slice %dma_start3A_214[%dma_start3A_215, %dma_start3A_216] : memref<10240x32xbf16, #tpu.memory_space<hbm>> -> memref<10240x32xbf16, #tpu.memory_space<hbm>>
        tpu.enqueue_indirect_dma source(%dma_start3A_217 : memref<10240x32xbf16, #tpu.memory_space<hbm>>) target(%arg12 : memref<128x32xbf16, #tpu.memory_space<vmem>>) offsets(%dma_start3A_210 : memref<128xi32, #tpu.memory_space<vmem>>) semaphore(%arg17 : memref<!tpu.dma_semaphore, #tpu.memory_space<semaphore_mem>>)
      } else {
      }
      %add3A_129 = arith.constant 2 : i32
      %add3A_130 = arith.addi %mul3A_81, %add3A_129 : i32
      %dma_wait3A_131 = arith.constant 0 : i32
      %dma_wait3A_132 = tpu.memref_slice %arg6[%add3A_130, %dma_wait3A_131] : memref<160x128xi32, #tpu.memory_space<vmem>> -> memref<1x128xi32, #tpu.memory_space<vmem>>
      %dma_wait3A_133 = tpu.memref_squeeze %dma_wait3A_132 : memref<1x128xi32, #tpu.memory_space<vmem>> -> memref<128xi32, #tpu.memory_space<vmem>>
      %dma_wait3A_134 = arith.constant 0 : i32
      %dma_wait3A_135 = arith.constant 0 : i32
      %dma_wait3A_136 = tpu.memref_slice %arg2[%arg0, %dma_wait3A_134, %dma_wait3A_135] : memref<2x10240x32xbf16, #tpu.memory_space<hbm>> -> memref<1x10240x32xbf16, #tpu.memory_space<hbm>>
      %dma_wait3A_137 = tpu.memref_squeeze %dma_wait3A_136 : memref<1x10240x32xbf16, #tpu.memory_space<hbm>> -> memref<10240x32xbf16, #tpu.memory_space<hbm>>
      %dma_wait3A_138 = arith.constant 0 : i32
      %dma_wait3A_139 = arith.constant 0 : i32
      %dma_wait3A_140 = tpu.memref_slice %dma_wait3A_137[%dma_wait3A_138, %dma_wait3A_139] : memref<10240x32xbf16, #tpu.memory_space<hbm>> -> memref<10240x32xbf16, #tpu.memory_space<hbm>>
      tpu.wait_indirect_dma semaphore(%arg15 : memref<!tpu.dma_semaphore, #tpu.memory_space<semaphore_mem>>) src(%dma_wait3A_140 : memref<10240x32xbf16, #tpu.memory_space<hbm>>) dst(%arg10 : memref<128x32xbf16, #tpu.memory_space<vmem>>)
      %dma_start3A_141 = arith.constant 0 : i32
      %dma_start3A_142 = tpu.memref_slice %arg7[%add3A_130, %dma_start3A_141] : memref<160x128xi32, #tpu.memory_space<vmem>> -> memref<1x128xi32, #tpu.memory_space<vmem>>
      %dma_start3A_143 = tpu.memref_squeeze %dma_start3A_142 : memref<1x128xi32, #tpu.memory_space<vmem>> -> memref<128xi32, #tpu.memory_space<vmem>>
      %dma_start3A_144 = arith.constant 0 : i32
      %dma_start3A_145 = arith.constant 0 : i32
      %dma_start3A_146 = tpu.memref_slice %arg23[%dma_start3A_144, %dma_start3A_145] : memref<10240x32xbf16, #tpu.memory_space<vmem_shared>> -> memref<10240x32xbf16, #tpu.memory_space<vmem_shared>>
      tpu.enqueue_indirect_dma source(%arg10 : memref<128x32xbf16, #tpu.memory_space<vmem>>) target(%dma_start3A_146 : memref<10240x32xbf16, #tpu.memory_space<vmem_shared>>) offsets(%dma_start3A_143 : memref<128xi32, #tpu.memory_space<vmem>>) semaphore(%arg20 : memref<!tpu.dma_semaphore, #tpu.memory_space<semaphore_mem>>) {add = true}
      %add3A_147 = arith.constant 3 : i32
      %add3A_148 = arith.addi %add3A_130, %add3A_147 : i32
      %lt3A_149 = arith.constant 160 : i32
      %lt3A_150 = arith.cmpi slt, %add3A_148, %lt3A_149 : i32
      %convert_element_type3A_151 = arith.extui %lt3A_150 : i1 to i32
      %cond3A_152 = arith.constant 0 : i32
      %cond3A_153 = arith.cmpi ne, %convert_element_type3A_151, %cond3A_152 : i32
      scf.if %cond3A_153 {
        %ge3A = arith.constant 5 : i32
        %ge3A_204 = arith.cmpi sge, %add3A_148, %ge3A : i32
        %convert_element_type3A_205 = arith.extui %ge3A_204 : i1 to i32
        %cond3A_206 = arith.constant 0 : i32
        %cond3A_207 = arith.cmpi ne, %convert_element_type3A_205, %cond3A_206 : i32
        scf.if %cond3A_207 {
          %sub3A = arith.constant 5 : i32
          %sub3A_218 = arith.subi %add3A_148, %sub3A : i32
          %dma_wait3A_219 = arith.constant 0 : i32
          %dma_wait3A_220 = tpu.memref_slice %arg7[%sub3A_218, %dma_wait3A_219] : memref<160x128xi32, #tpu.memory_space<vmem>> -> memref<1x128xi32, #tpu.memory_space<vmem>>
          %dma_wait3A_221 = tpu.memref_squeeze %dma_wait3A_220 : memref<1x128xi32, #tpu.memory_space<vmem>> -> memref<128xi32, #tpu.memory_space<vmem>>
          %dma_wait3A_222 = arith.constant 0 : i32
          %dma_wait3A_223 = arith.constant 0 : i32
          %dma_wait3A_224 = tpu.memref_slice %arg23[%dma_wait3A_222, %dma_wait3A_223] : memref<10240x32xbf16, #tpu.memory_space<vmem_shared>> -> memref<10240x32xbf16, #tpu.memory_space<vmem_shared>>
          tpu.wait_indirect_dma semaphore(%arg18 : memref<!tpu.dma_semaphore, #tpu.memory_space<semaphore_mem>>) src(%arg8 : memref<128x32xbf16, #tpu.memory_space<vmem>>) dst(%dma_wait3A_224 : memref<10240x32xbf16, #tpu.memory_space<vmem_shared>>)
        } else {
        }
        %dma_start3A_208 = arith.constant 0 : i32
        %dma_start3A_209 = tpu.memref_slice %arg6[%add3A_148, %dma_start3A_208] : memref<160x128xi32, #tpu.memory_space<vmem>> -> memref<1x128xi32, #tpu.memory_space<vmem>>
        %dma_start3A_210 = tpu.memref_squeeze %dma_start3A_209 : memref<1x128xi32, #tpu.memory_space<vmem>> -> memref<128xi32, #tpu.memory_space<vmem>>
        %dma_start3A_211 = arith.constant 0 : i32
        %dma_start3A_212 = arith.constant 0 : i32
        %dma_start3A_213 = tpu.memref_slice %arg2[%arg0, %dma_start3A_211, %dma_start3A_212] : memref<2x10240x32xbf16, #tpu.memory_space<hbm>> -> memref<1x10240x32xbf16, #tpu.memory_space<hbm>>
        %dma_start3A_214 = tpu.memref_squeeze %dma_start3A_213 : memref<1x10240x32xbf16, #tpu.memory_space<hbm>> -> memref<10240x32xbf16, #tpu.memory_space<hbm>>
        %dma_start3A_215 = arith.constant 0 : i32
        %dma_start3A_216 = arith.constant 0 : i32
        %dma_start3A_217 = tpu.memref_slice %dma_start3A_214[%dma_start3A_215, %dma_start3A_216] : memref<10240x32xbf16, #tpu.memory_space<hbm>> -> memref<10240x32xbf16, #tpu.memory_space<hbm>>
        tpu.enqueue_indirect_dma source(%dma_start3A_217 : memref<10240x32xbf16, #tpu.memory_space<hbm>>) target(%arg8 : memref<128x32xbf16, #tpu.memory_space<vmem>>) offsets(%dma_start3A_210 : memref<128xi32, #tpu.memory_space<vmem>>) semaphore(%arg13 : memref<!tpu.dma_semaphore, #tpu.memory_space<semaphore_mem>>)
      } else {
      }
      %add3A_154 = arith.constant 3 : i32
      %add3A_155 = arith.addi %mul3A_81, %add3A_154 : i32
      %dma_wait3A_156 = arith.constant 0 : i32
      %dma_wait3A_157 = tpu.memref_slice %arg6[%add3A_155, %dma_wait3A_156] : memref<160x128xi32, #tpu.memory_space<vmem>> -> memref<1x128xi32, #tpu.memory_space<vmem>>
      %dma_wait3A_158 = tpu.memref_squeeze %dma_wait3A_157 : memref<1x128xi32, #tpu.memory_space<vmem>> -> memref<128xi32, #tpu.memory_space<vmem>>
      %dma_wait3A_159 = arith.constant 0 : i32
      %dma_wait3A_160 = arith.constant 0 : i32
      %dma_wait3A_161 = tpu.memref_slice %arg2[%arg0, %dma_wait3A_159, %dma_wait3A_160] : memref<2x10240x32xbf16, #tpu.memory_space<hbm>> -> memref<1x10240x32xbf16, #tpu.memory_space<hbm>>
      %dma_wait3A_162 = tpu.memref_squeeze %dma_wait3A_161 : memref<1x10240x32xbf16, #tpu.memory_space<hbm>> -> memref<10240x32xbf16, #tpu.memory_space<hbm>>
      %dma_wait3A_163 = arith.constant 0 : i32
      %dma_wait3A_164 = arith.constant 0 : i32
      %dma_wait3A_165 = tpu.memref_slice %dma_wait3A_162[%dma_wait3A_163, %dma_wait3A_164] : memref<10240x32xbf16, #tpu.memory_space<hbm>> -> memref<10240x32xbf16, #tpu.memory_space<hbm>>
      tpu.wait_indirect_dma semaphore(%arg16 : memref<!tpu.dma_semaphore, #tpu.memory_space<semaphore_mem>>) src(%dma_wait3A_165 : memref<10240x32xbf16, #tpu.memory_space<hbm>>) dst(%arg11 : memref<128x32xbf16, #tpu.memory_space<vmem>>)
      %dma_start3A_166 = arith.constant 0 : i32
      %dma_start3A_167 = tpu.memref_slice %arg7[%add3A_155, %dma_start3A_166] : memref<160x128xi32, #tpu.memory_space<vmem>> -> memref<1x128xi32, #tpu.memory_space<vmem>>
      %dma_start3A_168 = tpu.memref_squeeze %dma_start3A_167 : memref<1x128xi32, #tpu.memory_space<vmem>> -> memref<128xi32, #tpu.memory_space<vmem>>
      %dma_start3A_169 = arith.constant 0 : i32
      %dma_start3A_170 = arith.constant 0 : i32
      %dma_start3A_171 = tpu.memref_slice %arg23[%dma_start3A_169, %dma_start3A_170] : memref<10240x32xbf16, #tpu.memory_space<vmem_shared>> -> memref<10240x32xbf16, #tpu.memory_space<vmem_shared>>
      tpu.enqueue_indirect_dma source(%arg11 : memref<128x32xbf16, #tpu.memory_space<vmem>>) target(%dma_start3A_171 : memref<10240x32xbf16, #tpu.memory_space<vmem_shared>>) offsets(%dma_start3A_168 : memref<128xi32, #tpu.memory_space<vmem>>) semaphore(%arg21 : memref<!tpu.dma_semaphore, #tpu.memory_space<semaphore_mem>>) {add = true}
      %add3A_172 = arith.constant 3 : i32
      %add3A_173 = arith.addi %add3A_155, %add3A_172 : i32
      %lt3A_174 = arith.constant 160 : i32
      %lt3A_175 = arith.cmpi slt, %add3A_173, %lt3A_174 : i32
      %convert_element_type3A_176 = arith.extui %lt3A_175 : i1 to i32
      %cond3A_177 = arith.constant 0 : i32
      %cond3A_178 = arith.cmpi ne, %convert_element_type3A_176, %cond3A_177 : i32
      scf.if %cond3A_178 {
        %ge3A = arith.constant 5 : i32
        %ge3A_204 = arith.cmpi sge, %add3A_173, %ge3A : i32
        %convert_element_type3A_205 = arith.extui %ge3A_204 : i1 to i32
        %cond3A_206 = arith.constant 0 : i32
        %cond3A_207 = arith.cmpi ne, %convert_element_type3A_205, %cond3A_206 : i32
        scf.if %cond3A_207 {
          %sub3A = arith.constant 5 : i32
          %sub3A_218 = arith.subi %add3A_173, %sub3A : i32
          %dma_wait3A_219 = arith.constant 0 : i32
          %dma_wait3A_220 = tpu.memref_slice %arg7[%sub3A_218, %dma_wait3A_219] : memref<160x128xi32, #tpu.memory_space<vmem>> -> memref<1x128xi32, #tpu.memory_space<vmem>>
          %dma_wait3A_221 = tpu.memref_squeeze %dma_wait3A_220 : memref<1x128xi32, #tpu.memory_space<vmem>> -> memref<128xi32, #tpu.memory_space<vmem>>
          %dma_wait3A_222 = arith.constant 0 : i32
          %dma_wait3A_223 = arith.constant 0 : i32
          %dma_wait3A_224 = tpu.memref_slice %arg23[%dma_wait3A_222, %dma_wait3A_223] : memref<10240x32xbf16, #tpu.memory_space<vmem_shared>> -> memref<10240x32xbf16, #tpu.memory_space<vmem_shared>>
          tpu.wait_indirect_dma semaphore(%arg19 : memref<!tpu.dma_semaphore, #tpu.memory_space<semaphore_mem>>) src(%arg9 : memref<128x32xbf16, #tpu.memory_space<vmem>>) dst(%dma_wait3A_224 : memref<10240x32xbf16, #tpu.memory_space<vmem_shared>>)
        } else {
        }
        %dma_start3A_208 = arith.constant 0 : i32
        %dma_start3A_209 = tpu.memref_slice %arg6[%add3A_173, %dma_start3A_208] : memref<160x128xi32, #tpu.memory_space<vmem>> -> memref<1x128xi32, #tpu.memory_space<vmem>>
        %dma_start3A_210 = tpu.memref_squeeze %dma_start3A_209 : memref<1x128xi32, #tpu.memory_space<vmem>> -> memref<128xi32, #tpu.memory_space<vmem>>
        %dma_start3A_211 = arith.constant 0 : i32
        %dma_start3A_212 = arith.constant 0 : i32
        %dma_start3A_213 = tpu.memref_slice %arg2[%arg0, %dma_start3A_211, %dma_start3A_212] : memref<2x10240x32xbf16, #tpu.memory_space<hbm>> -> memref<1x10240x32xbf16, #tpu.memory_space<hbm>>
        %dma_start3A_214 = tpu.memref_squeeze %dma_start3A_213 : memref<1x10240x32xbf16, #tpu.memory_space<hbm>> -> memref<10240x32xbf16, #tpu.memory_space<hbm>>
        %dma_start3A_215 = arith.constant 0 : i32
        %dma_start3A_216 = arith.constant 0 : i32
        %dma_start3A_217 = tpu.memref_slice %dma_start3A_214[%dma_start3A_215, %dma_start3A_216] : memref<10240x32xbf16, #tpu.memory_space<hbm>> -> memref<10240x32xbf16, #tpu.memory_space<hbm>>
        tpu.enqueue_indirect_dma source(%dma_start3A_217 : memref<10240x32xbf16, #tpu.memory_space<hbm>>) target(%arg9 : memref<128x32xbf16, #tpu.memory_space<vmem>>) offsets(%dma_start3A_210 : memref<128xi32, #tpu.memory_space<vmem>>) semaphore(%arg14 : memref<!tpu.dma_semaphore, #tpu.memory_space<semaphore_mem>>)
      } else {
      }
      %add3A_179 = arith.constant 4 : i32
      %add3A_180 = arith.addi %mul3A_81, %add3A_179 : i32
      %dma_wait3A_181 = arith.constant 0 : i32
      %dma_wait3A_182 = tpu.memref_slice %arg6[%add3A_180, %dma_wait3A_181] : memref<160x128xi32, #tpu.memory_space<vmem>> -> memref<1x128xi32, #tpu.memory_space<vmem>>
      %dma_wait3A_183 = tpu.memref_squeeze %dma_wait3A_182 : memref<1x128xi32, #tpu.memory_space<vmem>> -> memref<128xi32, #tpu.memory_space<vmem>>
      %dma_wait3A_184 = arith.constant 0 : i32
      %dma_wait3A_185 = arith.constant 0 : i32
      %dma_wait3A_186 = tpu.memref_slice %arg2[%arg0, %dma_wait3A_184, %dma_wait3A_185] : memref<2x10240x32xbf16, #tpu.memory_space<hbm>> -> memref<1x10240x32xbf16, #tpu.memory_space<hbm>>
      %dma_wait3A_187 = tpu.memref_squeeze %dma_wait3A_186 : memref<1x10240x32xbf16, #tpu.memory_space<hbm>> -> memref<10240x32xbf16, #tpu.memory_space<hbm>>
      %dma_wait3A_188 = arith.constant 0 : i32
      %dma_wait3A_189 = arith.constant 0 : i32
      %dma_wait3A_190 = tpu.memref_slice %dma_wait3A_187[%dma_wait3A_188, %dma_wait3A_189] : memref<10240x32xbf16, #tpu.memory_space<hbm>> -> memref<10240x32xbf16, #tpu.memory_space<hbm>>
      tpu.wait_indirect_dma semaphore(%arg17 : memref<!tpu.dma_semaphore, #tpu.memory_space<semaphore_mem>>) src(%dma_wait3A_190 : memref<10240x32xbf16, #tpu.memory_space<hbm>>) dst(%arg12 : memref<128x32xbf16, #tpu.memory_space<vmem>>)
      %dma_start3A_191 = arith.constant 0 : i32
      %dma_start3A_192 = tpu.memref_slice %arg7[%add3A_180, %dma_start3A_191] : memref<160x128xi32, #tpu.memory_space<vmem>> -> memref<1x128xi32, #tpu.memory_space<vmem>>
      %dma_start3A_193 = tpu.memref_squeeze %dma_start3A_192 : memref<1x128xi32, #tpu.memory_space<vmem>> -> memref<128xi32, #tpu.memory_space<vmem>>
      %dma_start3A_194 = arith.constant 0 : i32
      %dma_start3A_195 = arith.constant 0 : i32
      %dma_start3A_196 = tpu.memref_slice %arg23[%dma_start3A_194, %dma_start3A_195] : memref<10240x32xbf16, #tpu.memory_space<vmem_shared>> -> memref<10240x32xbf16, #tpu.memory_space<vmem_shared>>
      tpu.enqueue_indirect_dma source(%arg12 : memref<128x32xbf16, #tpu.memory_space<vmem>>) target(%dma_start3A_196 : memref<10240x32xbf16, #tpu.memory_space<vmem_shared>>) offsets(%dma_start3A_193 : memref<128xi32, #tpu.memory_space<vmem>>) semaphore(%arg22 : memref<!tpu.dma_semaphore, #tpu.memory_space<semaphore_mem>>) {add = true}
      %add3A_197 = arith.constant 3 : i32
      %add3A_198 = arith.addi %add3A_180, %add3A_197 : i32
      %lt3A_199 = arith.constant 160 : i32
      %lt3A_200 = arith.cmpi slt, %add3A_198, %lt3A_199 : i32
      %convert_element_type3A_201 = arith.extui %lt3A_200 : i1 to i32
      %cond3A_202 = arith.constant 0 : i32
      %cond3A_203 = arith.cmpi ne, %convert_element_type3A_201, %cond3A_202 : i32
      scf.if %cond3A_203 {
        %ge3A = arith.constant 5 : i32
        %ge3A_204 = arith.cmpi sge, %add3A_198, %ge3A : i32
        %convert_element_type3A_205 = arith.extui %ge3A_204 : i1 to i32
        %cond3A_206 = arith.constant 0 : i32
        %cond3A_207 = arith.cmpi ne, %convert_element_type3A_205, %cond3A_206 : i32
        scf.if %cond3A_207 {
          %sub3A = arith.constant 5 : i32
          %sub3A_218 = arith.subi %add3A_198, %sub3A : i32
          %dma_wait3A_219 = arith.constant 0 : i32
          %dma_wait3A_220 = tpu.memref_slice %arg7[%sub3A_218, %dma_wait3A_219] : memref<160x128xi32, #tpu.memory_space<vmem>> -> memref<1x128xi32, #tpu.memory_space<vmem>>
          %dma_wait3A_221 = tpu.memref_squeeze %dma_wait3A_220 : memref<1x128xi32, #tpu.memory_space<vmem>> -> memref<128xi32, #tpu.memory_space<vmem>>
          %dma_wait3A_222 = arith.constant 0 : i32
          %dma_wait3A_223 = arith.constant 0 : i32
          %dma_wait3A_224 = tpu.memref_slice %arg23[%dma_wait3A_222, %dma_wait3A_223] : memref<10240x32xbf16, #tpu.memory_space<vmem_shared>> -> memref<10240x32xbf16, #tpu.memory_space<vmem_shared>>
          tpu.wait_indirect_dma semaphore(%arg20 : memref<!tpu.dma_semaphore, #tpu.memory_space<semaphore_mem>>) src(%arg10 : memref<128x32xbf16, #tpu.memory_space<vmem>>) dst(%dma_wait3A_224 : memref<10240x32xbf16, #tpu.memory_space<vmem_shared>>)
        } else {
        }
        %dma_start3A_208 = arith.constant 0 : i32
        %dma_start3A_209 = tpu.memref_slice %arg6[%add3A_198, %dma_start3A_208] : memref<160x128xi32, #tpu.memory_space<vmem>> -> memref<1x128xi32, #tpu.memory_space<vmem>>
        %dma_start3A_210 = tpu.memref_squeeze %dma_start3A_209 : memref<1x128xi32, #tpu.memory_space<vmem>> -> memref<128xi32, #tpu.memory_space<vmem>>
        %dma_start3A_211 = arith.constant 0 : i32
        %dma_start3A_212 = arith.constant 0 : i32
        %dma_start3A_213 = tpu.memref_slice %arg2[%arg0, %dma_start3A_211, %dma_start3A_212] : memref<2x10240x32xbf16, #tpu.memory_space<hbm>> -> memref<1x10240x32xbf16, #tpu.memory_space<hbm>>
        %dma_start3A_214 = tpu.memref_squeeze %dma_start3A_213 : memref<1x10240x32xbf16, #tpu.memory_space<hbm>> -> memref<10240x32xbf16, #tpu.memory_space<hbm>>
        %dma_start3A_215 = arith.constant 0 : i32
        %dma_start3A_216 = arith.constant 0 : i32
        %dma_start3A_217 = tpu.memref_slice %dma_start3A_214[%dma_start3A_215, %dma_start3A_216] : memref<10240x32xbf16, #tpu.memory_space<hbm>> -> memref<10240x32xbf16, #tpu.memory_space<hbm>>
        tpu.enqueue_indirect_dma source(%dma_start3A_217 : memref<10240x32xbf16, #tpu.memory_space<hbm>>) target(%arg10 : memref<128x32xbf16, #tpu.memory_space<vmem>>) offsets(%dma_start3A_210 : memref<128xi32, #tpu.memory_space<vmem>>) semaphore(%arg15 : memref<!tpu.dma_semaphore, #tpu.memory_space<semaphore_mem>>)
      } else {
      }
    }
    %scan3A_37 = arith.constant 32 : i32
    %dma_wait3A = arith.constant 155 : i32
    %dma_wait3A_38 = arith.constant 0 : i32
    %dma_wait3A_39 = tpu.memref_slice %arg7[%dma_wait3A, %dma_wait3A_38] : memref<160x128xi32, #tpu.memory_space<vmem>> -> memref<1x128xi32, #tpu.memory_space<vmem>>
    %dma_wait3A_40 = tpu.memref_squeeze %dma_wait3A_39 : memref<1x128xi32, #tpu.memory_space<vmem>> -> memref<128xi32, #tpu.memory_space<vmem>>
    %dma_wait3A_41 = arith.constant 0 : i32
    %dma_wait3A_42 = arith.constant 0 : i32
    %dma_wait3A_43 = tpu.memref_slice %arg23[%dma_wait3A_41, %dma_wait3A_42] : memref<10240x32xbf16, #tpu.memory_space<vmem_shared>> -> memref<10240x32xbf16, #tpu.memory_space<vmem_shared>>
    tpu.wait_indirect_dma semaphore(%arg18 : memref<!tpu.dma_semaphore, #tpu.memory_space<semaphore_mem>>) src(%arg8 : memref<128x32xbf16, #tpu.memory_space<vmem>>) dst(%dma_wait3A_43 : memref<10240x32xbf16, #tpu.memory_space<vmem_shared>>)
    %dma_wait3A_44 = arith.constant 156 : i32
    %dma_wait3A_45 = arith.constant 0 : i32
    %dma_wait3A_46 = tpu.memref_slice %arg7[%dma_wait3A_44, %dma_wait3A_45] : memref<160x128xi32, #tpu.memory_space<vmem>> -> memref<1x128xi32, #tpu.memory_space<vmem>>
    %dma_wait3A_47 = tpu.memref_squeeze %dma_wait3A_46 : memref<1x128xi32, #tpu.memory_space<vmem>> -> memref<128xi32, #tpu.memory_space<vmem>>
    %dma_wait3A_48 = arith.constant 0 : i32
    %dma_wait3A_49 = arith.constant 0 : i32
    %dma_wait3A_50 = tpu.memref_slice %arg23[%dma_wait3A_48, %dma_wait3A_49] : memref<10240x32xbf16, #tpu.memory_space<vmem_shared>> -> memref<10240x32xbf16, #tpu.memory_space<vmem_shared>>
    tpu.wait_indirect_dma semaphore(%arg19 : memref<!tpu.dma_semaphore, #tpu.memory_space<semaphore_mem>>) src(%arg9 : memref<128x32xbf16, #tpu.memory_space<vmem>>) dst(%dma_wait3A_50 : memref<10240x32xbf16, #tpu.memory_space<vmem_shared>>)
    %dma_wait3A_51 = arith.constant 157 : i32
    %dma_wait3A_52 = arith.constant 0 : i32
    %dma_wait3A_53 = tpu.memref_slice %arg7[%dma_wait3A_51, %dma_wait3A_52] : memref<160x128xi32, #tpu.memory_space<vmem>> -> memref<1x128xi32, #tpu.memory_space<vmem>>
    %dma_wait3A_54 = tpu.memref_squeeze %dma_wait3A_53 : memref<1x128xi32, #tpu.memory_space<vmem>> -> memref<128xi32, #tpu.memory_space<vmem>>
    %dma_wait3A_55 = arith.constant 0 : i32
    %dma_wait3A_56 = arith.constant 0 : i32
    %dma_wait3A_57 = tpu.memref_slice %arg23[%dma_wait3A_55, %dma_wait3A_56] : memref<10240x32xbf16, #tpu.memory_space<vmem_shared>> -> memref<10240x32xbf16, #tpu.memory_space<vmem_shared>>
    tpu.wait_indirect_dma semaphore(%arg20 : memref<!tpu.dma_semaphore, #tpu.memory_space<semaphore_mem>>) src(%arg10 : memref<128x32xbf16, #tpu.memory_space<vmem>>) dst(%dma_wait3A_57 : memref<10240x32xbf16, #tpu.memory_space<vmem_shared>>)
    %dma_wait3A_58 = arith.constant 158 : i32
    %dma_wait3A_59 = arith.constant 0 : i32
    %dma_wait3A_60 = tpu.memref_slice %arg7[%dma_wait3A_58, %dma_wait3A_59] : memref<160x128xi32, #tpu.memory_space<vmem>> -> memref<1x128xi32, #tpu.memory_space<vmem>>
    %dma_wait3A_61 = tpu.memref_squeeze %dma_wait3A_60 : memref<1x128xi32, #tpu.memory_space<vmem>> -> memref<128xi32, #tpu.memory_space<vmem>>
    %dma_wait3A_62 = arith.constant 0 : i32
    %dma_wait3A_63 = arith.constant 0 : i32
    %dma_wait3A_64 = tpu.memref_slice %arg23[%dma_wait3A_62, %dma_wait3A_63] : memref<10240x32xbf16, #tpu.memory_space<vmem_shared>> -> memref<10240x32xbf16, #tpu.memory_space<vmem_shared>>
    tpu.wait_indirect_dma semaphore(%arg21 : memref<!tpu.dma_semaphore, #tpu.memory_space<semaphore_mem>>) src(%arg11 : memref<128x32xbf16, #tpu.memory_space<vmem>>) dst(%dma_wait3A_64 : memref<10240x32xbf16, #tpu.memory_space<vmem_shared>>)
    %dma_wait3A_65 = arith.constant 159 : i32
    %dma_wait3A_66 = arith.constant 0 : i32
    %dma_wait3A_67 = tpu.memref_slice %arg7[%dma_wait3A_65, %dma_wait3A_66] : memref<160x128xi32, #tpu.memory_space<vmem>> -> memref<1x128xi32, #tpu.memory_space<vmem>>
    %dma_wait3A_68 = tpu.memref_squeeze %dma_wait3A_67 : memref<1x128xi32, #tpu.memory_space<vmem>> -> memref<128xi32, #tpu.memory_space<vmem>>
    %dma_wait3A_69 = arith.constant 0 : i32
    %dma_wait3A_70 = arith.constant 0 : i32
    %dma_wait3A_71 = tpu.memref_slice %arg23[%dma_wait3A_69, %dma_wait3A_70] : memref<10240x32xbf16, #tpu.memory_space<vmem_shared>> -> memref<10240x32xbf16, #tpu.memory_space<vmem_shared>>
    tpu.wait_indirect_dma semaphore(%arg22 : memref<!tpu.dma_semaphore, #tpu.memory_space<semaphore_mem>>) src(%arg12 : memref<128x32xbf16, #tpu.memory_space<vmem>>) dst(%dma_wait3A_71 : memref<10240x32xbf16, #tpu.memory_space<vmem_shared>>)
    %barrier3A_72 = arith.constant 0 : index
    tpu.barrier barrier_id(%barrier3A_72)
    %mul3A_73 = arith.constant 640 : i32
    %mul3A_74 = arith.muli %arg1, %mul3A_73 : i32
    %mul3A_75 = arith.constant 10240 : i32
    %mul3A_76 = arith.muli %arg0, %mul3A_75 : i32
    %mul3A_77 = arith.constant 640 : i32
    %mul3A_78 = arith.muli %arg1, %mul3A_77 : i32
    %add3A = arith.addi %mul3A_76, %mul3A_78 : i32
    "tpu.region"() ({
      %run_scoped3A = tpu.sem_alloc : memref<!tpu.dma_semaphore, #tpu.memory_space<semaphore_mem>>
      %dma_start3A_79 = arith.constant 0 : i32
      %dma_start3A_80 = tpu.memref_slice %arg5[%add3A, %dma_start3A_79] : memref<20480x32xbf16, #tpu.memory_space<hbm>> -> memref<640x32xbf16, #tpu.memory_space<hbm>>
      %dma_start3A_81 = arith.constant 0 : i32
      %dma_start3A_82 = tpu.memref_slice %arg23[%mul3A_74, %dma_start3A_81] : memref<10240x32xbf16, #tpu.memory_space<vmem_shared>> -> memref<640x32xbf16, #tpu.memory_space<vmem_shared>>
      tpu.enqueue_dma source(%dma_start3A_82 : memref<640x32xbf16, #tpu.memory_space<vmem_shared>>) target(%dma_start3A_80 : memref<640x32xbf16, #tpu.memory_space<hbm>>) target_semaphore(%run_scoped3A : memref<!tpu.dma_semaphore, #tpu.memory_space<semaphore_mem>>)
      %dma_wait3A_83 = arith.constant 0 : i32
      %dma_wait3A_84 = tpu.memref_slice %arg5[%add3A, %dma_wait3A_83] : memref<20480x32xbf16, #tpu.memory_space<hbm>> -> memref<640x32xbf16, #tpu.memory_space<hbm>>
      %dma_wait3A_85 = arith.constant 0 : i32
      %dma_wait3A_86 = tpu.memref_slice %arg23[%mul3A_74, %dma_wait3A_85] : memref<10240x32xbf16, #tpu.memory_space<vmem_shared>> -> memref<640x32xbf16, #tpu.memory_space<vmem_shared>>
      tpu.wait_dma2 semaphore(%run_scoped3A : memref<!tpu.dma_semaphore, #tpu.memory_space<semaphore_mem>>) src(%dma_wait3A_86 : memref<640x32xbf16, #tpu.memory_space<vmem_shared>>) dst(%dma_wait3A_84 : memref<640x32xbf16, #tpu.memory_space<hbm>>)
      tpu.yield
    }) : () -> ()
    return
  }
}

#map = affine_map<(d0, d1) -> (0, 0, 0)>
#map1 = affine_map<(d0, d1) -> (0, 0)>
module attributes {stable_mosaic.version = 14 : i64} {
  func.func @_agg(%arg0: i32, %arg1: i32, %arg2: memref<2x10240x64xbf16, #tpu.memory_space<hbm>>, %arg3: memref<16x160x128xi32, #tpu.memory_space<hbm>>, %arg4: memref<16x160x128xi32, #tpu.memory_space<hbm>>, %arg5: memref<20480x64xbf16, #tpu.memory_space<hbm>>, %arg6: memref<160x128xi32, #tpu.memory_space<vmem>>, %arg7: memref<160x128xi32, #tpu.memory_space<vmem>>, %arg8: memref<128x64xbf16, #tpu.memory_space<vmem>>, %arg9: memref<128x64xbf16, #tpu.memory_space<vmem>>, %arg10: memref<128x64xbf16, #tpu.memory_space<vmem>>, %arg11: memref<128x64xbf16, #tpu.memory_space<vmem>>, %arg12: memref<128x64xbf16, #tpu.memory_space<vmem>>, %arg13: memref<!tpu.dma_semaphore, #tpu.memory_space<semaphore_mem>>, %arg14: memref<!tpu.dma_semaphore, #tpu.memory_space<semaphore_mem>>, %arg15: memref<!tpu.dma_semaphore, #tpu.memory_space<semaphore_mem>>, %arg16: memref<!tpu.dma_semaphore, #tpu.memory_space<semaphore_mem>>, %arg17: memref<!tpu.dma_semaphore, #tpu.memory_space<semaphore_mem>>, %arg18: memref<!tpu.dma_semaphore, #tpu.memory_space<semaphore_mem>>, %arg19: memref<!tpu.dma_semaphore, #tpu.memory_space<semaphore_mem>>, %arg20: memref<!tpu.dma_semaphore, #tpu.memory_space<semaphore_mem>>, %arg21: memref<!tpu.dma_semaphore, #tpu.memory_space<semaphore_mem>>, %arg22: memref<!tpu.dma_semaphore, #tpu.memory_space<semaphore_mem>>, %arg23: memref<10240x64xbf16, #tpu.memory_space<vmem_shared>>) attributes {dimension_semantics = [#tpu.dimension_semantics<core_parallel>, #tpu.dimension_semantics<subcore_parallel>], iteration_bounds = array<i64: 2, 16>, scalar_prefetch = 0 : i64, scratch_operands = 18 : i64, tpu.core_type = #tpu.core_type<sc_vector_subcore>, window_params = [{transform_indices = #map}, {transform_indices = #map}, {transform_indices = #map}, {transform_indices = #map1}]} {
    %mul3A = arith.constant 640 : i32
    %mul3A_0 = arith.muli %arg1, %mul3A : i32
    "tpu.region"() ({
      %run_scoped3A = tpu.sem_alloc : memref<!tpu.dma_semaphore, #tpu.memory_space<semaphore_mem>>
      %dma_start3A_79 = arith.constant 0 : i32
      %dma_start3A_80 = tpu.memref_slice %arg23[%mul3A_0, %dma_start3A_79] : memref<10240x64xbf16, #tpu.memory_space<vmem_shared>> -> memref<640x64xbf16, #tpu.memory_space<vmem_shared>>
      %dma_start3A_81 = arith.constant 0 : i32
      %dma_start3A_82 = arith.constant 0 : i32
      %dma_start3A_83 = tpu.memref_slice %arg2[%arg0, %dma_start3A_81, %dma_start3A_82] : memref<2x10240x64xbf16, #tpu.memory_space<hbm>> -> memref<1x10240x64xbf16, #tpu.memory_space<hbm>>
      %dma_start3A_84 = tpu.memref_squeeze %dma_start3A_83 : memref<1x10240x64xbf16, #tpu.memory_space<hbm>> -> memref<10240x64xbf16, #tpu.memory_space<hbm>>
      %dma_start3A_85 = arith.constant 0 : i32
      %dma_start3A_86 = tpu.memref_slice %dma_start3A_84[%mul3A_0, %dma_start3A_85] : memref<10240x64xbf16, #tpu.memory_space<hbm>> -> memref<640x64xbf16, #tpu.memory_space<hbm>>
      tpu.enqueue_dma source(%dma_start3A_86 : memref<640x64xbf16, #tpu.memory_space<hbm>>) target(%dma_start3A_80 : memref<640x64xbf16, #tpu.memory_space<vmem_shared>>) target_semaphore(%run_scoped3A : memref<!tpu.dma_semaphore, #tpu.memory_space<semaphore_mem>>)
      %dma_wait3A_87 = arith.constant 0 : i32
      %dma_wait3A_88 = tpu.memref_slice %arg23[%mul3A_0, %dma_wait3A_87] : memref<10240x64xbf16, #tpu.memory_space<vmem_shared>> -> memref<640x64xbf16, #tpu.memory_space<vmem_shared>>
      %dma_wait3A_89 = arith.constant 0 : i32
      %dma_wait3A_90 = arith.constant 0 : i32
      %dma_wait3A_91 = tpu.memref_slice %arg2[%arg0, %dma_wait3A_89, %dma_wait3A_90] : memref<2x10240x64xbf16, #tpu.memory_space<hbm>> -> memref<1x10240x64xbf16, #tpu.memory_space<hbm>>
      %dma_wait3A_92 = tpu.memref_squeeze %dma_wait3A_91 : memref<1x10240x64xbf16, #tpu.memory_space<hbm>> -> memref<10240x64xbf16, #tpu.memory_space<hbm>>
      %dma_wait3A_93 = arith.constant 0 : i32
      %dma_wait3A_94 = tpu.memref_slice %dma_wait3A_92[%mul3A_0, %dma_wait3A_93] : memref<10240x64xbf16, #tpu.memory_space<hbm>> -> memref<640x64xbf16, #tpu.memory_space<hbm>>
      tpu.wait_dma2 semaphore(%run_scoped3A : memref<!tpu.dma_semaphore, #tpu.memory_space<semaphore_mem>>) src(%dma_wait3A_94 : memref<640x64xbf16, #tpu.memory_space<hbm>>) dst(%dma_wait3A_88 : memref<640x64xbf16, #tpu.memory_space<vmem_shared>>)
      tpu.yield
    }) : () -> ()
    "tpu.region"() ({
      %run_scoped3A = tpu.sem_alloc : memref<!tpu.dma_semaphore, #tpu.memory_space<semaphore_mem>>
      %dma_start3A_79 = arith.constant 0 : i32
      %dma_start3A_80 = arith.constant 0 : i32
      %dma_start3A_81 = tpu.memref_slice %arg3[%arg1, %dma_start3A_79, %dma_start3A_80] : memref<16x160x128xi32, #tpu.memory_space<hbm>> -> memref<1x160x128xi32, #tpu.memory_space<hbm>>
      %dma_start3A_82 = tpu.memref_squeeze %dma_start3A_81 : memref<1x160x128xi32, #tpu.memory_space<hbm>> -> memref<160x128xi32, #tpu.memory_space<hbm>>
      %dma_start3A_83 = arith.constant 0 : i32
      %dma_start3A_84 = arith.constant 0 : i32
      %dma_start3A_85 = tpu.memref_slice %arg3[%arg1, %dma_start3A_83, %dma_start3A_84] : memref<16x160x128xi32, #tpu.memory_space<hbm>> -> memref<1x160x128xi32, #tpu.memory_space<hbm>>
      %dma_start3A_86 = tpu.memref_squeeze %dma_start3A_85 : memref<1x160x128xi32, #tpu.memory_space<hbm>> -> memref<160x128xi32, #tpu.memory_space<hbm>>
      tpu.enqueue_dma source(%dma_start3A_86 : memref<160x128xi32, #tpu.memory_space<hbm>>) target(%arg6 : memref<160x128xi32, #tpu.memory_space<vmem>>) target_semaphore(%run_scoped3A : memref<!tpu.dma_semaphore, #tpu.memory_space<semaphore_mem>>)
      %dma_wait3A_87 = arith.constant 0 : i32
      %dma_wait3A_88 = arith.constant 0 : i32
      %dma_wait3A_89 = tpu.memref_slice %arg3[%arg1, %dma_wait3A_87, %dma_wait3A_88] : memref<16x160x128xi32, #tpu.memory_space<hbm>> -> memref<1x160x128xi32, #tpu.memory_space<hbm>>
      %dma_wait3A_90 = tpu.memref_squeeze %dma_wait3A_89 : memref<1x160x128xi32, #tpu.memory_space<hbm>> -> memref<160x128xi32, #tpu.memory_space<hbm>>
      %dma_wait3A_91 = arith.constant 0 : i32
      %dma_wait3A_92 = arith.constant 0 : i32
      %dma_wait3A_93 = tpu.memref_slice %arg3[%arg1, %dma_wait3A_91, %dma_wait3A_92] : memref<16x160x128xi32, #tpu.memory_space<hbm>> -> memref<1x160x128xi32, #tpu.memory_space<hbm>>
      %dma_wait3A_94 = tpu.memref_squeeze %dma_wait3A_93 : memref<1x160x128xi32, #tpu.memory_space<hbm>> -> memref<160x128xi32, #tpu.memory_space<hbm>>
      tpu.wait_dma2 semaphore(%run_scoped3A : memref<!tpu.dma_semaphore, #tpu.memory_space<semaphore_mem>>) src(%dma_wait3A_94 : memref<160x128xi32, #tpu.memory_space<hbm>>) dst(%arg6 : memref<160x128xi32, #tpu.memory_space<vmem>>)
      tpu.yield
    }) : () -> ()
    "tpu.region"() ({
      %run_scoped3A = tpu.sem_alloc : memref<!tpu.dma_semaphore, #tpu.memory_space<semaphore_mem>>
      %dma_start3A_79 = arith.constant 0 : i32
      %dma_start3A_80 = arith.constant 0 : i32
      %dma_start3A_81 = tpu.memref_slice %arg4[%arg1, %dma_start3A_79, %dma_start3A_80] : memref<16x160x128xi32, #tpu.memory_space<hbm>> -> memref<1x160x128xi32, #tpu.memory_space<hbm>>
      %dma_start3A_82 = tpu.memref_squeeze %dma_start3A_81 : memref<1x160x128xi32, #tpu.memory_space<hbm>> -> memref<160x128xi32, #tpu.memory_space<hbm>>
      %dma_start3A_83 = arith.constant 0 : i32
      %dma_start3A_84 = arith.constant 0 : i32
      %dma_start3A_85 = tpu.memref_slice %arg4[%arg1, %dma_start3A_83, %dma_start3A_84] : memref<16x160x128xi32, #tpu.memory_space<hbm>> -> memref<1x160x128xi32, #tpu.memory_space<hbm>>
      %dma_start3A_86 = tpu.memref_squeeze %dma_start3A_85 : memref<1x160x128xi32, #tpu.memory_space<hbm>> -> memref<160x128xi32, #tpu.memory_space<hbm>>
      tpu.enqueue_dma source(%dma_start3A_86 : memref<160x128xi32, #tpu.memory_space<hbm>>) target(%arg7 : memref<160x128xi32, #tpu.memory_space<vmem>>) target_semaphore(%run_scoped3A : memref<!tpu.dma_semaphore, #tpu.memory_space<semaphore_mem>>)
      %dma_wait3A_87 = arith.constant 0 : i32
      %dma_wait3A_88 = arith.constant 0 : i32
      %dma_wait3A_89 = tpu.memref_slice %arg4[%arg1, %dma_wait3A_87, %dma_wait3A_88] : memref<16x160x128xi32, #tpu.memory_space<hbm>> -> memref<1x160x128xi32, #tpu.memory_space<hbm>>
      %dma_wait3A_90 = tpu.memref_squeeze %dma_wait3A_89 : memref<1x160x128xi32, #tpu.memory_space<hbm>> -> memref<160x128xi32, #tpu.memory_space<hbm>>
      %dma_wait3A_91 = arith.constant 0 : i32
      %dma_wait3A_92 = arith.constant 0 : i32
      %dma_wait3A_93 = tpu.memref_slice %arg4[%arg1, %dma_wait3A_91, %dma_wait3A_92] : memref<16x160x128xi32, #tpu.memory_space<hbm>> -> memref<1x160x128xi32, #tpu.memory_space<hbm>>
      %dma_wait3A_94 = tpu.memref_squeeze %dma_wait3A_93 : memref<1x160x128xi32, #tpu.memory_space<hbm>> -> memref<160x128xi32, #tpu.memory_space<hbm>>
      tpu.wait_dma2 semaphore(%run_scoped3A : memref<!tpu.dma_semaphore, #tpu.memory_space<semaphore_mem>>) src(%dma_wait3A_94 : memref<160x128xi32, #tpu.memory_space<hbm>>) dst(%arg7 : memref<160x128xi32, #tpu.memory_space<vmem>>)
      tpu.yield
    }) : () -> ()
    %barrier3A = arith.constant 0 : index
    tpu.barrier barrier_id(%barrier3A)
    %dma_start3A = arith.constant 0 : i32
    %dma_start3A_1 = arith.constant 0 : i32
    %dma_start3A_2 = tpu.memref_slice %arg6[%dma_start3A, %dma_start3A_1] : memref<160x128xi32, #tpu.memory_space<vmem>> -> memref<1x128xi32, #tpu.memory_space<vmem>>
    %dma_start3A_3 = tpu.memref_squeeze %dma_start3A_2 : memref<1x128xi32, #tpu.memory_space<vmem>> -> memref<128xi32, #tpu.memory_space<vmem>>
    %dma_start3A_4 = arith.constant 0 : i32
    %dma_start3A_5 = arith.constant 0 : i32
    %dma_start3A_6 = tpu.memref_slice %arg2[%arg0, %dma_start3A_4, %dma_start3A_5] : memref<2x10240x64xbf16, #tpu.memory_space<hbm>> -> memref<1x10240x64xbf16, #tpu.memory_space<hbm>>
    %dma_start3A_7 = tpu.memref_squeeze %dma_start3A_6 : memref<1x10240x64xbf16, #tpu.memory_space<hbm>> -> memref<10240x64xbf16, #tpu.memory_space<hbm>>
    %dma_start3A_8 = arith.constant 0 : i32
    %dma_start3A_9 = arith.constant 0 : i32
    %dma_start3A_10 = tpu.memref_slice %dma_start3A_7[%dma_start3A_8, %dma_start3A_9] : memref<10240x64xbf16, #tpu.memory_space<hbm>> -> memref<10240x64xbf16, #tpu.memory_space<hbm>>
    tpu.enqueue_indirect_dma source(%dma_start3A_10 : memref<10240x64xbf16, #tpu.memory_space<hbm>>) target(%arg8 : memref<128x64xbf16, #tpu.memory_space<vmem>>) offsets(%dma_start3A_3 : memref<128xi32, #tpu.memory_space<vmem>>) semaphore(%arg13 : memref<!tpu.dma_semaphore, #tpu.memory_space<semaphore_mem>>)
    %dma_start3A_11 = arith.constant 1 : i32
    %dma_start3A_12 = arith.constant 0 : i32
    %dma_start3A_13 = tpu.memref_slice %arg6[%dma_start3A_11, %dma_start3A_12] : memref<160x128xi32, #tpu.memory_space<vmem>> -> memref<1x128xi32, #tpu.memory_space<vmem>>
    %dma_start3A_14 = tpu.memref_squeeze %dma_start3A_13 : memref<1x128xi32, #tpu.memory_space<vmem>> -> memref<128xi32, #tpu.memory_space<vmem>>
    %dma_start3A_15 = arith.constant 0 : i32
    %dma_start3A_16 = arith.constant 0 : i32
    %dma_start3A_17 = tpu.memref_slice %arg2[%arg0, %dma_start3A_15, %dma_start3A_16] : memref<2x10240x64xbf16, #tpu.memory_space<hbm>> -> memref<1x10240x64xbf16, #tpu.memory_space<hbm>>
    %dma_start3A_18 = tpu.memref_squeeze %dma_start3A_17 : memref<1x10240x64xbf16, #tpu.memory_space<hbm>> -> memref<10240x64xbf16, #tpu.memory_space<hbm>>
    %dma_start3A_19 = arith.constant 0 : i32
    %dma_start3A_20 = arith.constant 0 : i32
    %dma_start3A_21 = tpu.memref_slice %dma_start3A_18[%dma_start3A_19, %dma_start3A_20] : memref<10240x64xbf16, #tpu.memory_space<hbm>> -> memref<10240x64xbf16, #tpu.memory_space<hbm>>
    tpu.enqueue_indirect_dma source(%dma_start3A_21 : memref<10240x64xbf16, #tpu.memory_space<hbm>>) target(%arg9 : memref<128x64xbf16, #tpu.memory_space<vmem>>) offsets(%dma_start3A_14 : memref<128xi32, #tpu.memory_space<vmem>>) semaphore(%arg14 : memref<!tpu.dma_semaphore, #tpu.memory_space<semaphore_mem>>)
    %dma_start3A_22 = arith.constant 2 : i32
    %dma_start3A_23 = arith.constant 0 : i32
    %dma_start3A_24 = tpu.memref_slice %arg6[%dma_start3A_22, %dma_start3A_23] : memref<160x128xi32, #tpu.memory_space<vmem>> -> memref<1x128xi32, #tpu.memory_space<vmem>>
    %dma_start3A_25 = tpu.memref_squeeze %dma_start3A_24 : memref<1x128xi32, #tpu.memory_space<vmem>> -> memref<128xi32, #tpu.memory_space<vmem>>
    %dma_start3A_26 = arith.constant 0 : i32
    %dma_start3A_27 = arith.constant 0 : i32
    %dma_start3A_28 = tpu.memref_slice %arg2[%arg0, %dma_start3A_26, %dma_start3A_27] : memref<2x10240x64xbf16, #tpu.memory_space<hbm>> -> memref<1x10240x64xbf16, #tpu.memory_space<hbm>>
    %dma_start3A_29 = tpu.memref_squeeze %dma_start3A_28 : memref<1x10240x64xbf16, #tpu.memory_space<hbm>> -> memref<10240x64xbf16, #tpu.memory_space<hbm>>
    %dma_start3A_30 = arith.constant 0 : i32
    %dma_start3A_31 = arith.constant 0 : i32
    %dma_start3A_32 = tpu.memref_slice %dma_start3A_29[%dma_start3A_30, %dma_start3A_31] : memref<10240x64xbf16, #tpu.memory_space<hbm>> -> memref<10240x64xbf16, #tpu.memory_space<hbm>>
    tpu.enqueue_indirect_dma source(%dma_start3A_32 : memref<10240x64xbf16, #tpu.memory_space<hbm>>) target(%arg10 : memref<128x64xbf16, #tpu.memory_space<vmem>>) offsets(%dma_start3A_25 : memref<128xi32, #tpu.memory_space<vmem>>) semaphore(%arg15 : memref<!tpu.dma_semaphore, #tpu.memory_space<semaphore_mem>>)
    %scan3A = arith.constant 0 : i32
    %scan3A_33 = arith.constant 0 : i32
    %scan3A_34 = arith.constant 32 : i32
    %scan3A_35 = arith.addi %scan3A_33, %scan3A_34 : i32
    %scan3A_36 = arith.constant 1 : i32
    scf.for %scan3A_79 = %scan3A_33 to %scan3A_35 step %scan3A_36  : i32 {
      %mul3A_80 = arith.constant 5 : i32
      %mul3A_81 = arith.muli %scan3A_79, %mul3A_80 : i32
      %add3A_82 = arith.constant 0 : i32
      %add3A_83 = arith.addi %mul3A_81, %add3A_82 : i32
      %dma_wait3A_84 = arith.constant 0 : i32
      %dma_wait3A_85 = tpu.memref_slice %arg6[%add3A_83, %dma_wait3A_84] : memref<160x128xi32, #tpu.memory_space<vmem>> -> memref<1x128xi32, #tpu.memory_space<vmem>>
      %dma_wait3A_86 = tpu.memref_squeeze %dma_wait3A_85 : memref<1x128xi32, #tpu.memory_space<vmem>> -> memref<128xi32, #tpu.memory_space<vmem>>
      %dma_wait3A_87 = arith.constant 0 : i32
      %dma_wait3A_88 = arith.constant 0 : i32
      %dma_wait3A_89 = tpu.memref_slice %arg2[%arg0, %dma_wait3A_87, %dma_wait3A_88] : memref<2x10240x64xbf16, #tpu.memory_space<hbm>> -> memref<1x10240x64xbf16, #tpu.memory_space<hbm>>
      %dma_wait3A_90 = tpu.memref_squeeze %dma_wait3A_89 : memref<1x10240x64xbf16, #tpu.memory_space<hbm>> -> memref<10240x64xbf16, #tpu.memory_space<hbm>>
      %dma_wait3A_91 = arith.constant 0 : i32
      %dma_wait3A_92 = arith.constant 0 : i32
      %dma_wait3A_93 = tpu.memref_slice %dma_wait3A_90[%dma_wait3A_91, %dma_wait3A_92] : memref<10240x64xbf16, #tpu.memory_space<hbm>> -> memref<10240x64xbf16, #tpu.memory_space<hbm>>
      tpu.wait_indirect_dma semaphore(%arg13 : memref<!tpu.dma_semaphore, #tpu.memory_space<semaphore_mem>>) src(%dma_wait3A_93 : memref<10240x64xbf16, #tpu.memory_space<hbm>>) dst(%arg8 : memref<128x64xbf16, #tpu.memory_space<vmem>>)
      %dma_start3A_94 = arith.constant 0 : i32
      %dma_start3A_95 = tpu.memref_slice %arg7[%add3A_83, %dma_start3A_94] : memref<160x128xi32, #tpu.memory_space<vmem>> -> memref<1x128xi32, #tpu.memory_space<vmem>>
      %dma_start3A_96 = tpu.memref_squeeze %dma_start3A_95 : memref<1x128xi32, #tpu.memory_space<vmem>> -> memref<128xi32, #tpu.memory_space<vmem>>
      %dma_start3A_97 = arith.constant 0 : i32
      %dma_start3A_98 = arith.constant 0 : i32
      %dma_start3A_99 = tpu.memref_slice %arg23[%dma_start3A_97, %dma_start3A_98] : memref<10240x64xbf16, #tpu.memory_space<vmem_shared>> -> memref<10240x64xbf16, #tpu.memory_space<vmem_shared>>
      tpu.enqueue_indirect_dma source(%arg8 : memref<128x64xbf16, #tpu.memory_space<vmem>>) target(%dma_start3A_99 : memref<10240x64xbf16, #tpu.memory_space<vmem_shared>>) offsets(%dma_start3A_96 : memref<128xi32, #tpu.memory_space<vmem>>) semaphore(%arg18 : memref<!tpu.dma_semaphore, #tpu.memory_space<semaphore_mem>>) {add = true}
      %add3A_100 = arith.constant 3 : i32
      %add3A_101 = arith.addi %add3A_83, %add3A_100 : i32
      %lt3A = arith.constant 160 : i32
      %lt3A_102 = arith.cmpi slt, %add3A_101, %lt3A : i32
      %convert_element_type3A = arith.extui %lt3A_102 : i1 to i32
      %cond3A = arith.constant 0 : i32
      %cond3A_103 = arith.cmpi ne, %convert_element_type3A, %cond3A : i32
      scf.if %cond3A_103 {
        %ge3A = arith.constant 5 : i32
        %ge3A_204 = arith.cmpi sge, %add3A_101, %ge3A : i32
        %convert_element_type3A_205 = arith.extui %ge3A_204 : i1 to i32
        %cond3A_206 = arith.constant 0 : i32
        %cond3A_207 = arith.cmpi ne, %convert_element_type3A_205, %cond3A_206 : i32
        scf.if %cond3A_207 {
          %sub3A = arith.constant 5 : i32
          %sub3A_218 = arith.subi %add3A_101, %sub3A : i32
          %dma_wait3A_219 = arith.constant 0 : i32
          %dma_wait3A_220 = tpu.memref_slice %arg7[%sub3A_218, %dma_wait3A_219] : memref<160x128xi32, #tpu.memory_space<vmem>> -> memref<1x128xi32, #tpu.memory_space<vmem>>
          %dma_wait3A_221 = tpu.memref_squeeze %dma_wait3A_220 : memref<1x128xi32, #tpu.memory_space<vmem>> -> memref<128xi32, #tpu.memory_space<vmem>>
          %dma_wait3A_222 = arith.constant 0 : i32
          %dma_wait3A_223 = arith.constant 0 : i32
          %dma_wait3A_224 = tpu.memref_slice %arg23[%dma_wait3A_222, %dma_wait3A_223] : memref<10240x64xbf16, #tpu.memory_space<vmem_shared>> -> memref<10240x64xbf16, #tpu.memory_space<vmem_shared>>
          tpu.wait_indirect_dma semaphore(%arg21 : memref<!tpu.dma_semaphore, #tpu.memory_space<semaphore_mem>>) src(%arg11 : memref<128x64xbf16, #tpu.memory_space<vmem>>) dst(%dma_wait3A_224 : memref<10240x64xbf16, #tpu.memory_space<vmem_shared>>)
        } else {
        }
        %dma_start3A_208 = arith.constant 0 : i32
        %dma_start3A_209 = tpu.memref_slice %arg6[%add3A_101, %dma_start3A_208] : memref<160x128xi32, #tpu.memory_space<vmem>> -> memref<1x128xi32, #tpu.memory_space<vmem>>
        %dma_start3A_210 = tpu.memref_squeeze %dma_start3A_209 : memref<1x128xi32, #tpu.memory_space<vmem>> -> memref<128xi32, #tpu.memory_space<vmem>>
        %dma_start3A_211 = arith.constant 0 : i32
        %dma_start3A_212 = arith.constant 0 : i32
        %dma_start3A_213 = tpu.memref_slice %arg2[%arg0, %dma_start3A_211, %dma_start3A_212] : memref<2x10240x64xbf16, #tpu.memory_space<hbm>> -> memref<1x10240x64xbf16, #tpu.memory_space<hbm>>
        %dma_start3A_214 = tpu.memref_squeeze %dma_start3A_213 : memref<1x10240x64xbf16, #tpu.memory_space<hbm>> -> memref<10240x64xbf16, #tpu.memory_space<hbm>>
        %dma_start3A_215 = arith.constant 0 : i32
        %dma_start3A_216 = arith.constant 0 : i32
        %dma_start3A_217 = tpu.memref_slice %dma_start3A_214[%dma_start3A_215, %dma_start3A_216] : memref<10240x64xbf16, #tpu.memory_space<hbm>> -> memref<10240x64xbf16, #tpu.memory_space<hbm>>
        tpu.enqueue_indirect_dma source(%dma_start3A_217 : memref<10240x64xbf16, #tpu.memory_space<hbm>>) target(%arg11 : memref<128x64xbf16, #tpu.memory_space<vmem>>) offsets(%dma_start3A_210 : memref<128xi32, #tpu.memory_space<vmem>>) semaphore(%arg16 : memref<!tpu.dma_semaphore, #tpu.memory_space<semaphore_mem>>)
      } else {
      }
      %add3A_104 = arith.constant 1 : i32
      %add3A_105 = arith.addi %mul3A_81, %add3A_104 : i32
      %dma_wait3A_106 = arith.constant 0 : i32
      %dma_wait3A_107 = tpu.memref_slice %arg6[%add3A_105, %dma_wait3A_106] : memref<160x128xi32, #tpu.memory_space<vmem>> -> memref<1x128xi32, #tpu.memory_space<vmem>>
      %dma_wait3A_108 = tpu.memref_squeeze %dma_wait3A_107 : memref<1x128xi32, #tpu.memory_space<vmem>> -> memref<128xi32, #tpu.memory_space<vmem>>
      %dma_wait3A_109 = arith.constant 0 : i32
      %dma_wait3A_110 = arith.constant 0 : i32
      %dma_wait3A_111 = tpu.memref_slice %arg2[%arg0, %dma_wait3A_109, %dma_wait3A_110] : memref<2x10240x64xbf16, #tpu.memory_space<hbm>> -> memref<1x10240x64xbf16, #tpu.memory_space<hbm>>
      %dma_wait3A_112 = tpu.memref_squeeze %dma_wait3A_111 : memref<1x10240x64xbf16, #tpu.memory_space<hbm>> -> memref<10240x64xbf16, #tpu.memory_space<hbm>>
      %dma_wait3A_113 = arith.constant 0 : i32
      %dma_wait3A_114 = arith.constant 0 : i32
      %dma_wait3A_115 = tpu.memref_slice %dma_wait3A_112[%dma_wait3A_113, %dma_wait3A_114] : memref<10240x64xbf16, #tpu.memory_space<hbm>> -> memref<10240x64xbf16, #tpu.memory_space<hbm>>
      tpu.wait_indirect_dma semaphore(%arg14 : memref<!tpu.dma_semaphore, #tpu.memory_space<semaphore_mem>>) src(%dma_wait3A_115 : memref<10240x64xbf16, #tpu.memory_space<hbm>>) dst(%arg9 : memref<128x64xbf16, #tpu.memory_space<vmem>>)
      %dma_start3A_116 = arith.constant 0 : i32
      %dma_start3A_117 = tpu.memref_slice %arg7[%add3A_105, %dma_start3A_116] : memref<160x128xi32, #tpu.memory_space<vmem>> -> memref<1x128xi32, #tpu.memory_space<vmem>>
      %dma_start3A_118 = tpu.memref_squeeze %dma_start3A_117 : memref<1x128xi32, #tpu.memory_space<vmem>> -> memref<128xi32, #tpu.memory_space<vmem>>
      %dma_start3A_119 = arith.constant 0 : i32
      %dma_start3A_120 = arith.constant 0 : i32
      %dma_start3A_121 = tpu.memref_slice %arg23[%dma_start3A_119, %dma_start3A_120] : memref<10240x64xbf16, #tpu.memory_space<vmem_shared>> -> memref<10240x64xbf16, #tpu.memory_space<vmem_shared>>
      tpu.enqueue_indirect_dma source(%arg9 : memref<128x64xbf16, #tpu.memory_space<vmem>>) target(%dma_start3A_121 : memref<10240x64xbf16, #tpu.memory_space<vmem_shared>>) offsets(%dma_start3A_118 : memref<128xi32, #tpu.memory_space<vmem>>) semaphore(%arg19 : memref<!tpu.dma_semaphore, #tpu.memory_space<semaphore_mem>>) {add = true}
      %add3A_122 = arith.constant 3 : i32
      %add3A_123 = arith.addi %add3A_105, %add3A_122 : i32
      %lt3A_124 = arith.constant 160 : i32
      %lt3A_125 = arith.cmpi slt, %add3A_123, %lt3A_124 : i32
      %convert_element_type3A_126 = arith.extui %lt3A_125 : i1 to i32
      %cond3A_127 = arith.constant 0 : i32
      %cond3A_128 = arith.cmpi ne, %convert_element_type3A_126, %cond3A_127 : i32
      scf.if %cond3A_128 {
        %ge3A = arith.constant 5 : i32
        %ge3A_204 = arith.cmpi sge, %add3A_123, %ge3A : i32
        %convert_element_type3A_205 = arith.extui %ge3A_204 : i1 to i32
        %cond3A_206 = arith.constant 0 : i32
        %cond3A_207 = arith.cmpi ne, %convert_element_type3A_205, %cond3A_206 : i32
        scf.if %cond3A_207 {
          %sub3A = arith.constant 5 : i32
          %sub3A_218 = arith.subi %add3A_123, %sub3A : i32
          %dma_wait3A_219 = arith.constant 0 : i32
          %dma_wait3A_220 = tpu.memref_slice %arg7[%sub3A_218, %dma_wait3A_219] : memref<160x128xi32, #tpu.memory_space<vmem>> -> memref<1x128xi32, #tpu.memory_space<vmem>>
          %dma_wait3A_221 = tpu.memref_squeeze %dma_wait3A_220 : memref<1x128xi32, #tpu.memory_space<vmem>> -> memref<128xi32, #tpu.memory_space<vmem>>
          %dma_wait3A_222 = arith.constant 0 : i32
          %dma_wait3A_223 = arith.constant 0 : i32
          %dma_wait3A_224 = tpu.memref_slice %arg23[%dma_wait3A_222, %dma_wait3A_223] : memref<10240x64xbf16, #tpu.memory_space<vmem_shared>> -> memref<10240x64xbf16, #tpu.memory_space<vmem_shared>>
          tpu.wait_indirect_dma semaphore(%arg22 : memref<!tpu.dma_semaphore, #tpu.memory_space<semaphore_mem>>) src(%arg12 : memref<128x64xbf16, #tpu.memory_space<vmem>>) dst(%dma_wait3A_224 : memref<10240x64xbf16, #tpu.memory_space<vmem_shared>>)
        } else {
        }
        %dma_start3A_208 = arith.constant 0 : i32
        %dma_start3A_209 = tpu.memref_slice %arg6[%add3A_123, %dma_start3A_208] : memref<160x128xi32, #tpu.memory_space<vmem>> -> memref<1x128xi32, #tpu.memory_space<vmem>>
        %dma_start3A_210 = tpu.memref_squeeze %dma_start3A_209 : memref<1x128xi32, #tpu.memory_space<vmem>> -> memref<128xi32, #tpu.memory_space<vmem>>
        %dma_start3A_211 = arith.constant 0 : i32
        %dma_start3A_212 = arith.constant 0 : i32
        %dma_start3A_213 = tpu.memref_slice %arg2[%arg0, %dma_start3A_211, %dma_start3A_212] : memref<2x10240x64xbf16, #tpu.memory_space<hbm>> -> memref<1x10240x64xbf16, #tpu.memory_space<hbm>>
        %dma_start3A_214 = tpu.memref_squeeze %dma_start3A_213 : memref<1x10240x64xbf16, #tpu.memory_space<hbm>> -> memref<10240x64xbf16, #tpu.memory_space<hbm>>
        %dma_start3A_215 = arith.constant 0 : i32
        %dma_start3A_216 = arith.constant 0 : i32
        %dma_start3A_217 = tpu.memref_slice %dma_start3A_214[%dma_start3A_215, %dma_start3A_216] : memref<10240x64xbf16, #tpu.memory_space<hbm>> -> memref<10240x64xbf16, #tpu.memory_space<hbm>>
        tpu.enqueue_indirect_dma source(%dma_start3A_217 : memref<10240x64xbf16, #tpu.memory_space<hbm>>) target(%arg12 : memref<128x64xbf16, #tpu.memory_space<vmem>>) offsets(%dma_start3A_210 : memref<128xi32, #tpu.memory_space<vmem>>) semaphore(%arg17 : memref<!tpu.dma_semaphore, #tpu.memory_space<semaphore_mem>>)
      } else {
      }
      %add3A_129 = arith.constant 2 : i32
      %add3A_130 = arith.addi %mul3A_81, %add3A_129 : i32
      %dma_wait3A_131 = arith.constant 0 : i32
      %dma_wait3A_132 = tpu.memref_slice %arg6[%add3A_130, %dma_wait3A_131] : memref<160x128xi32, #tpu.memory_space<vmem>> -> memref<1x128xi32, #tpu.memory_space<vmem>>
      %dma_wait3A_133 = tpu.memref_squeeze %dma_wait3A_132 : memref<1x128xi32, #tpu.memory_space<vmem>> -> memref<128xi32, #tpu.memory_space<vmem>>
      %dma_wait3A_134 = arith.constant 0 : i32
      %dma_wait3A_135 = arith.constant 0 : i32
      %dma_wait3A_136 = tpu.memref_slice %arg2[%arg0, %dma_wait3A_134, %dma_wait3A_135] : memref<2x10240x64xbf16, #tpu.memory_space<hbm>> -> memref<1x10240x64xbf16, #tpu.memory_space<hbm>>
      %dma_wait3A_137 = tpu.memref_squeeze %dma_wait3A_136 : memref<1x10240x64xbf16, #tpu.memory_space<hbm>> -> memref<10240x64xbf16, #tpu.memory_space<hbm>>
      %dma_wait3A_138 = arith.constant 0 : i32
      %dma_wait3A_139 = arith.constant 0 : i32
      %dma_wait3A_140 = tpu.memref_slice %dma_wait3A_137[%dma_wait3A_138, %dma_wait3A_139] : memref<10240x64xbf16, #tpu.memory_space<hbm>> -> memref<10240x64xbf16, #tpu.memory_space<hbm>>
      tpu.wait_indirect_dma semaphore(%arg15 : memref<!tpu.dma_semaphore, #tpu.memory_space<semaphore_mem>>) src(%dma_wait3A_140 : memref<10240x64xbf16, #tpu.memory_space<hbm>>) dst(%arg10 : memref<128x64xbf16, #tpu.memory_space<vmem>>)
      %dma_start3A_141 = arith.constant 0 : i32
      %dma_start3A_142 = tpu.memref_slice %arg7[%add3A_130, %dma_start3A_141] : memref<160x128xi32, #tpu.memory_space<vmem>> -> memref<1x128xi32, #tpu.memory_space<vmem>>
      %dma_start3A_143 = tpu.memref_squeeze %dma_start3A_142 : memref<1x128xi32, #tpu.memory_space<vmem>> -> memref<128xi32, #tpu.memory_space<vmem>>
      %dma_start3A_144 = arith.constant 0 : i32
      %dma_start3A_145 = arith.constant 0 : i32
      %dma_start3A_146 = tpu.memref_slice %arg23[%dma_start3A_144, %dma_start3A_145] : memref<10240x64xbf16, #tpu.memory_space<vmem_shared>> -> memref<10240x64xbf16, #tpu.memory_space<vmem_shared>>
      tpu.enqueue_indirect_dma source(%arg10 : memref<128x64xbf16, #tpu.memory_space<vmem>>) target(%dma_start3A_146 : memref<10240x64xbf16, #tpu.memory_space<vmem_shared>>) offsets(%dma_start3A_143 : memref<128xi32, #tpu.memory_space<vmem>>) semaphore(%arg20 : memref<!tpu.dma_semaphore, #tpu.memory_space<semaphore_mem>>) {add = true}
      %add3A_147 = arith.constant 3 : i32
      %add3A_148 = arith.addi %add3A_130, %add3A_147 : i32
      %lt3A_149 = arith.constant 160 : i32
      %lt3A_150 = arith.cmpi slt, %add3A_148, %lt3A_149 : i32
      %convert_element_type3A_151 = arith.extui %lt3A_150 : i1 to i32
      %cond3A_152 = arith.constant 0 : i32
      %cond3A_153 = arith.cmpi ne, %convert_element_type3A_151, %cond3A_152 : i32
      scf.if %cond3A_153 {
        %ge3A = arith.constant 5 : i32
        %ge3A_204 = arith.cmpi sge, %add3A_148, %ge3A : i32
        %convert_element_type3A_205 = arith.extui %ge3A_204 : i1 to i32
        %cond3A_206 = arith.constant 0 : i32
        %cond3A_207 = arith.cmpi ne, %convert_element_type3A_205, %cond3A_206 : i32
        scf.if %cond3A_207 {
          %sub3A = arith.constant 5 : i32
          %sub3A_218 = arith.subi %add3A_148, %sub3A : i32
          %dma_wait3A_219 = arith.constant 0 : i32
          %dma_wait3A_220 = tpu.memref_slice %arg7[%sub3A_218, %dma_wait3A_219] : memref<160x128xi32, #tpu.memory_space<vmem>> -> memref<1x128xi32, #tpu.memory_space<vmem>>
          %dma_wait3A_221 = tpu.memref_squeeze %dma_wait3A_220 : memref<1x128xi32, #tpu.memory_space<vmem>> -> memref<128xi32, #tpu.memory_space<vmem>>
          %dma_wait3A_222 = arith.constant 0 : i32
          %dma_wait3A_223 = arith.constant 0 : i32
          %dma_wait3A_224 = tpu.memref_slice %arg23[%dma_wait3A_222, %dma_wait3A_223] : memref<10240x64xbf16, #tpu.memory_space<vmem_shared>> -> memref<10240x64xbf16, #tpu.memory_space<vmem_shared>>
          tpu.wait_indirect_dma semaphore(%arg18 : memref<!tpu.dma_semaphore, #tpu.memory_space<semaphore_mem>>) src(%arg8 : memref<128x64xbf16, #tpu.memory_space<vmem>>) dst(%dma_wait3A_224 : memref<10240x64xbf16, #tpu.memory_space<vmem_shared>>)
        } else {
        }
        %dma_start3A_208 = arith.constant 0 : i32
        %dma_start3A_209 = tpu.memref_slice %arg6[%add3A_148, %dma_start3A_208] : memref<160x128xi32, #tpu.memory_space<vmem>> -> memref<1x128xi32, #tpu.memory_space<vmem>>
        %dma_start3A_210 = tpu.memref_squeeze %dma_start3A_209 : memref<1x128xi32, #tpu.memory_space<vmem>> -> memref<128xi32, #tpu.memory_space<vmem>>
        %dma_start3A_211 = arith.constant 0 : i32
        %dma_start3A_212 = arith.constant 0 : i32
        %dma_start3A_213 = tpu.memref_slice %arg2[%arg0, %dma_start3A_211, %dma_start3A_212] : memref<2x10240x64xbf16, #tpu.memory_space<hbm>> -> memref<1x10240x64xbf16, #tpu.memory_space<hbm>>
        %dma_start3A_214 = tpu.memref_squeeze %dma_start3A_213 : memref<1x10240x64xbf16, #tpu.memory_space<hbm>> -> memref<10240x64xbf16, #tpu.memory_space<hbm>>
        %dma_start3A_215 = arith.constant 0 : i32
        %dma_start3A_216 = arith.constant 0 : i32
        %dma_start3A_217 = tpu.memref_slice %dma_start3A_214[%dma_start3A_215, %dma_start3A_216] : memref<10240x64xbf16, #tpu.memory_space<hbm>> -> memref<10240x64xbf16, #tpu.memory_space<hbm>>
        tpu.enqueue_indirect_dma source(%dma_start3A_217 : memref<10240x64xbf16, #tpu.memory_space<hbm>>) target(%arg8 : memref<128x64xbf16, #tpu.memory_space<vmem>>) offsets(%dma_start3A_210 : memref<128xi32, #tpu.memory_space<vmem>>) semaphore(%arg13 : memref<!tpu.dma_semaphore, #tpu.memory_space<semaphore_mem>>)
      } else {
      }
      %add3A_154 = arith.constant 3 : i32
      %add3A_155 = arith.addi %mul3A_81, %add3A_154 : i32
      %dma_wait3A_156 = arith.constant 0 : i32
      %dma_wait3A_157 = tpu.memref_slice %arg6[%add3A_155, %dma_wait3A_156] : memref<160x128xi32, #tpu.memory_space<vmem>> -> memref<1x128xi32, #tpu.memory_space<vmem>>
      %dma_wait3A_158 = tpu.memref_squeeze %dma_wait3A_157 : memref<1x128xi32, #tpu.memory_space<vmem>> -> memref<128xi32, #tpu.memory_space<vmem>>
      %dma_wait3A_159 = arith.constant 0 : i32
      %dma_wait3A_160 = arith.constant 0 : i32
      %dma_wait3A_161 = tpu.memref_slice %arg2[%arg0, %dma_wait3A_159, %dma_wait3A_160] : memref<2x10240x64xbf16, #tpu.memory_space<hbm>> -> memref<1x10240x64xbf16, #tpu.memory_space<hbm>>
      %dma_wait3A_162 = tpu.memref_squeeze %dma_wait3A_161 : memref<1x10240x64xbf16, #tpu.memory_space<hbm>> -> memref<10240x64xbf16, #tpu.memory_space<hbm>>
      %dma_wait3A_163 = arith.constant 0 : i32
      %dma_wait3A_164 = arith.constant 0 : i32
      %dma_wait3A_165 = tpu.memref_slice %dma_wait3A_162[%dma_wait3A_163, %dma_wait3A_164] : memref<10240x64xbf16, #tpu.memory_space<hbm>> -> memref<10240x64xbf16, #tpu.memory_space<hbm>>
      tpu.wait_indirect_dma semaphore(%arg16 : memref<!tpu.dma_semaphore, #tpu.memory_space<semaphore_mem>>) src(%dma_wait3A_165 : memref<10240x64xbf16, #tpu.memory_space<hbm>>) dst(%arg11 : memref<128x64xbf16, #tpu.memory_space<vmem>>)
      %dma_start3A_166 = arith.constant 0 : i32
      %dma_start3A_167 = tpu.memref_slice %arg7[%add3A_155, %dma_start3A_166] : memref<160x128xi32, #tpu.memory_space<vmem>> -> memref<1x128xi32, #tpu.memory_space<vmem>>
      %dma_start3A_168 = tpu.memref_squeeze %dma_start3A_167 : memref<1x128xi32, #tpu.memory_space<vmem>> -> memref<128xi32, #tpu.memory_space<vmem>>
      %dma_start3A_169 = arith.constant 0 : i32
      %dma_start3A_170 = arith.constant 0 : i32
      %dma_start3A_171 = tpu.memref_slice %arg23[%dma_start3A_169, %dma_start3A_170] : memref<10240x64xbf16, #tpu.memory_space<vmem_shared>> -> memref<10240x64xbf16, #tpu.memory_space<vmem_shared>>
      tpu.enqueue_indirect_dma source(%arg11 : memref<128x64xbf16, #tpu.memory_space<vmem>>) target(%dma_start3A_171 : memref<10240x64xbf16, #tpu.memory_space<vmem_shared>>) offsets(%dma_start3A_168 : memref<128xi32, #tpu.memory_space<vmem>>) semaphore(%arg21 : memref<!tpu.dma_semaphore, #tpu.memory_space<semaphore_mem>>) {add = true}
      %add3A_172 = arith.constant 3 : i32
      %add3A_173 = arith.addi %add3A_155, %add3A_172 : i32
      %lt3A_174 = arith.constant 160 : i32
      %lt3A_175 = arith.cmpi slt, %add3A_173, %lt3A_174 : i32
      %convert_element_type3A_176 = arith.extui %lt3A_175 : i1 to i32
      %cond3A_177 = arith.constant 0 : i32
      %cond3A_178 = arith.cmpi ne, %convert_element_type3A_176, %cond3A_177 : i32
      scf.if %cond3A_178 {
        %ge3A = arith.constant 5 : i32
        %ge3A_204 = arith.cmpi sge, %add3A_173, %ge3A : i32
        %convert_element_type3A_205 = arith.extui %ge3A_204 : i1 to i32
        %cond3A_206 = arith.constant 0 : i32
        %cond3A_207 = arith.cmpi ne, %convert_element_type3A_205, %cond3A_206 : i32
        scf.if %cond3A_207 {
          %sub3A = arith.constant 5 : i32
          %sub3A_218 = arith.subi %add3A_173, %sub3A : i32
          %dma_wait3A_219 = arith.constant 0 : i32
          %dma_wait3A_220 = tpu.memref_slice %arg7[%sub3A_218, %dma_wait3A_219] : memref<160x128xi32, #tpu.memory_space<vmem>> -> memref<1x128xi32, #tpu.memory_space<vmem>>
          %dma_wait3A_221 = tpu.memref_squeeze %dma_wait3A_220 : memref<1x128xi32, #tpu.memory_space<vmem>> -> memref<128xi32, #tpu.memory_space<vmem>>
          %dma_wait3A_222 = arith.constant 0 : i32
          %dma_wait3A_223 = arith.constant 0 : i32
          %dma_wait3A_224 = tpu.memref_slice %arg23[%dma_wait3A_222, %dma_wait3A_223] : memref<10240x64xbf16, #tpu.memory_space<vmem_shared>> -> memref<10240x64xbf16, #tpu.memory_space<vmem_shared>>
          tpu.wait_indirect_dma semaphore(%arg19 : memref<!tpu.dma_semaphore, #tpu.memory_space<semaphore_mem>>) src(%arg9 : memref<128x64xbf16, #tpu.memory_space<vmem>>) dst(%dma_wait3A_224 : memref<10240x64xbf16, #tpu.memory_space<vmem_shared>>)
        } else {
        }
        %dma_start3A_208 = arith.constant 0 : i32
        %dma_start3A_209 = tpu.memref_slice %arg6[%add3A_173, %dma_start3A_208] : memref<160x128xi32, #tpu.memory_space<vmem>> -> memref<1x128xi32, #tpu.memory_space<vmem>>
        %dma_start3A_210 = tpu.memref_squeeze %dma_start3A_209 : memref<1x128xi32, #tpu.memory_space<vmem>> -> memref<128xi32, #tpu.memory_space<vmem>>
        %dma_start3A_211 = arith.constant 0 : i32
        %dma_start3A_212 = arith.constant 0 : i32
        %dma_start3A_213 = tpu.memref_slice %arg2[%arg0, %dma_start3A_211, %dma_start3A_212] : memref<2x10240x64xbf16, #tpu.memory_space<hbm>> -> memref<1x10240x64xbf16, #tpu.memory_space<hbm>>
        %dma_start3A_214 = tpu.memref_squeeze %dma_start3A_213 : memref<1x10240x64xbf16, #tpu.memory_space<hbm>> -> memref<10240x64xbf16, #tpu.memory_space<hbm>>
        %dma_start3A_215 = arith.constant 0 : i32
        %dma_start3A_216 = arith.constant 0 : i32
        %dma_start3A_217 = tpu.memref_slice %dma_start3A_214[%dma_start3A_215, %dma_start3A_216] : memref<10240x64xbf16, #tpu.memory_space<hbm>> -> memref<10240x64xbf16, #tpu.memory_space<hbm>>
        tpu.enqueue_indirect_dma source(%dma_start3A_217 : memref<10240x64xbf16, #tpu.memory_space<hbm>>) target(%arg9 : memref<128x64xbf16, #tpu.memory_space<vmem>>) offsets(%dma_start3A_210 : memref<128xi32, #tpu.memory_space<vmem>>) semaphore(%arg14 : memref<!tpu.dma_semaphore, #tpu.memory_space<semaphore_mem>>)
      } else {
      }
      %add3A_179 = arith.constant 4 : i32
      %add3A_180 = arith.addi %mul3A_81, %add3A_179 : i32
      %dma_wait3A_181 = arith.constant 0 : i32
      %dma_wait3A_182 = tpu.memref_slice %arg6[%add3A_180, %dma_wait3A_181] : memref<160x128xi32, #tpu.memory_space<vmem>> -> memref<1x128xi32, #tpu.memory_space<vmem>>
      %dma_wait3A_183 = tpu.memref_squeeze %dma_wait3A_182 : memref<1x128xi32, #tpu.memory_space<vmem>> -> memref<128xi32, #tpu.memory_space<vmem>>
      %dma_wait3A_184 = arith.constant 0 : i32
      %dma_wait3A_185 = arith.constant 0 : i32
      %dma_wait3A_186 = tpu.memref_slice %arg2[%arg0, %dma_wait3A_184, %dma_wait3A_185] : memref<2x10240x64xbf16, #tpu.memory_space<hbm>> -> memref<1x10240x64xbf16, #tpu.memory_space<hbm>>
      %dma_wait3A_187 = tpu.memref_squeeze %dma_wait3A_186 : memref<1x10240x64xbf16, #tpu.memory_space<hbm>> -> memref<10240x64xbf16, #tpu.memory_space<hbm>>
      %dma_wait3A_188 = arith.constant 0 : i32
      %dma_wait3A_189 = arith.constant 0 : i32
      %dma_wait3A_190 = tpu.memref_slice %dma_wait3A_187[%dma_wait3A_188, %dma_wait3A_189] : memref<10240x64xbf16, #tpu.memory_space<hbm>> -> memref<10240x64xbf16, #tpu.memory_space<hbm>>
      tpu.wait_indirect_dma semaphore(%arg17 : memref<!tpu.dma_semaphore, #tpu.memory_space<semaphore_mem>>) src(%dma_wait3A_190 : memref<10240x64xbf16, #tpu.memory_space<hbm>>) dst(%arg12 : memref<128x64xbf16, #tpu.memory_space<vmem>>)
      %dma_start3A_191 = arith.constant 0 : i32
      %dma_start3A_192 = tpu.memref_slice %arg7[%add3A_180, %dma_start3A_191] : memref<160x128xi32, #tpu.memory_space<vmem>> -> memref<1x128xi32, #tpu.memory_space<vmem>>
      %dma_start3A_193 = tpu.memref_squeeze %dma_start3A_192 : memref<1x128xi32, #tpu.memory_space<vmem>> -> memref<128xi32, #tpu.memory_space<vmem>>
      %dma_start3A_194 = arith.constant 0 : i32
      %dma_start3A_195 = arith.constant 0 : i32
      %dma_start3A_196 = tpu.memref_slice %arg23[%dma_start3A_194, %dma_start3A_195] : memref<10240x64xbf16, #tpu.memory_space<vmem_shared>> -> memref<10240x64xbf16, #tpu.memory_space<vmem_shared>>
      tpu.enqueue_indirect_dma source(%arg12 : memref<128x64xbf16, #tpu.memory_space<vmem>>) target(%dma_start3A_196 : memref<10240x64xbf16, #tpu.memory_space<vmem_shared>>) offsets(%dma_start3A_193 : memref<128xi32, #tpu.memory_space<vmem>>) semaphore(%arg22 : memref<!tpu.dma_semaphore, #tpu.memory_space<semaphore_mem>>) {add = true}
      %add3A_197 = arith.constant 3 : i32
      %add3A_198 = arith.addi %add3A_180, %add3A_197 : i32
      %lt3A_199 = arith.constant 160 : i32
      %lt3A_200 = arith.cmpi slt, %add3A_198, %lt3A_199 : i32
      %convert_element_type3A_201 = arith.extui %lt3A_200 : i1 to i32
      %cond3A_202 = arith.constant 0 : i32
      %cond3A_203 = arith.cmpi ne, %convert_element_type3A_201, %cond3A_202 : i32
      scf.if %cond3A_203 {
        %ge3A = arith.constant 5 : i32
        %ge3A_204 = arith.cmpi sge, %add3A_198, %ge3A : i32
        %convert_element_type3A_205 = arith.extui %ge3A_204 : i1 to i32
        %cond3A_206 = arith.constant 0 : i32
        %cond3A_207 = arith.cmpi ne, %convert_element_type3A_205, %cond3A_206 : i32
        scf.if %cond3A_207 {
          %sub3A = arith.constant 5 : i32
          %sub3A_218 = arith.subi %add3A_198, %sub3A : i32
          %dma_wait3A_219 = arith.constant 0 : i32
          %dma_wait3A_220 = tpu.memref_slice %arg7[%sub3A_218, %dma_wait3A_219] : memref<160x128xi32, #tpu.memory_space<vmem>> -> memref<1x128xi32, #tpu.memory_space<vmem>>
          %dma_wait3A_221 = tpu.memref_squeeze %dma_wait3A_220 : memref<1x128xi32, #tpu.memory_space<vmem>> -> memref<128xi32, #tpu.memory_space<vmem>>
          %dma_wait3A_222 = arith.constant 0 : i32
          %dma_wait3A_223 = arith.constant 0 : i32
          %dma_wait3A_224 = tpu.memref_slice %arg23[%dma_wait3A_222, %dma_wait3A_223] : memref<10240x64xbf16, #tpu.memory_space<vmem_shared>> -> memref<10240x64xbf16, #tpu.memory_space<vmem_shared>>
          tpu.wait_indirect_dma semaphore(%arg20 : memref<!tpu.dma_semaphore, #tpu.memory_space<semaphore_mem>>) src(%arg10 : memref<128x64xbf16, #tpu.memory_space<vmem>>) dst(%dma_wait3A_224 : memref<10240x64xbf16, #tpu.memory_space<vmem_shared>>)
        } else {
        }
        %dma_start3A_208 = arith.constant 0 : i32
        %dma_start3A_209 = tpu.memref_slice %arg6[%add3A_198, %dma_start3A_208] : memref<160x128xi32, #tpu.memory_space<vmem>> -> memref<1x128xi32, #tpu.memory_space<vmem>>
        %dma_start3A_210 = tpu.memref_squeeze %dma_start3A_209 : memref<1x128xi32, #tpu.memory_space<vmem>> -> memref<128xi32, #tpu.memory_space<vmem>>
        %dma_start3A_211 = arith.constant 0 : i32
        %dma_start3A_212 = arith.constant 0 : i32
        %dma_start3A_213 = tpu.memref_slice %arg2[%arg0, %dma_start3A_211, %dma_start3A_212] : memref<2x10240x64xbf16, #tpu.memory_space<hbm>> -> memref<1x10240x64xbf16, #tpu.memory_space<hbm>>
        %dma_start3A_214 = tpu.memref_squeeze %dma_start3A_213 : memref<1x10240x64xbf16, #tpu.memory_space<hbm>> -> memref<10240x64xbf16, #tpu.memory_space<hbm>>
        %dma_start3A_215 = arith.constant 0 : i32
        %dma_start3A_216 = arith.constant 0 : i32
        %dma_start3A_217 = tpu.memref_slice %dma_start3A_214[%dma_start3A_215, %dma_start3A_216] : memref<10240x64xbf16, #tpu.memory_space<hbm>> -> memref<10240x64xbf16, #tpu.memory_space<hbm>>
        tpu.enqueue_indirect_dma source(%dma_start3A_217 : memref<10240x64xbf16, #tpu.memory_space<hbm>>) target(%arg10 : memref<128x64xbf16, #tpu.memory_space<vmem>>) offsets(%dma_start3A_210 : memref<128xi32, #tpu.memory_space<vmem>>) semaphore(%arg15 : memref<!tpu.dma_semaphore, #tpu.memory_space<semaphore_mem>>)
      } else {
      }
    }
    %scan3A_37 = arith.constant 32 : i32
    %dma_wait3A = arith.constant 155 : i32
    %dma_wait3A_38 = arith.constant 0 : i32
    %dma_wait3A_39 = tpu.memref_slice %arg7[%dma_wait3A, %dma_wait3A_38] : memref<160x128xi32, #tpu.memory_space<vmem>> -> memref<1x128xi32, #tpu.memory_space<vmem>>
    %dma_wait3A_40 = tpu.memref_squeeze %dma_wait3A_39 : memref<1x128xi32, #tpu.memory_space<vmem>> -> memref<128xi32, #tpu.memory_space<vmem>>
    %dma_wait3A_41 = arith.constant 0 : i32
    %dma_wait3A_42 = arith.constant 0 : i32
    %dma_wait3A_43 = tpu.memref_slice %arg23[%dma_wait3A_41, %dma_wait3A_42] : memref<10240x64xbf16, #tpu.memory_space<vmem_shared>> -> memref<10240x64xbf16, #tpu.memory_space<vmem_shared>>
    tpu.wait_indirect_dma semaphore(%arg18 : memref<!tpu.dma_semaphore, #tpu.memory_space<semaphore_mem>>) src(%arg8 : memref<128x64xbf16, #tpu.memory_space<vmem>>) dst(%dma_wait3A_43 : memref<10240x64xbf16, #tpu.memory_space<vmem_shared>>)
    %dma_wait3A_44 = arith.constant 156 : i32
    %dma_wait3A_45 = arith.constant 0 : i32
    %dma_wait3A_46 = tpu.memref_slice %arg7[%dma_wait3A_44, %dma_wait3A_45] : memref<160x128xi32, #tpu.memory_space<vmem>> -> memref<1x128xi32, #tpu.memory_space<vmem>>
    %dma_wait3A_47 = tpu.memref_squeeze %dma_wait3A_46 : memref<1x128xi32, #tpu.memory_space<vmem>> -> memref<128xi32, #tpu.memory_space<vmem>>
    %dma_wait3A_48 = arith.constant 0 : i32
    %dma_wait3A_49 = arith.constant 0 : i32
    %dma_wait3A_50 = tpu.memref_slice %arg23[%dma_wait3A_48, %dma_wait3A_49] : memref<10240x64xbf16, #tpu.memory_space<vmem_shared>> -> memref<10240x64xbf16, #tpu.memory_space<vmem_shared>>
    tpu.wait_indirect_dma semaphore(%arg19 : memref<!tpu.dma_semaphore, #tpu.memory_space<semaphore_mem>>) src(%arg9 : memref<128x64xbf16, #tpu.memory_space<vmem>>) dst(%dma_wait3A_50 : memref<10240x64xbf16, #tpu.memory_space<vmem_shared>>)
    %dma_wait3A_51 = arith.constant 157 : i32
    %dma_wait3A_52 = arith.constant 0 : i32
    %dma_wait3A_53 = tpu.memref_slice %arg7[%dma_wait3A_51, %dma_wait3A_52] : memref<160x128xi32, #tpu.memory_space<vmem>> -> memref<1x128xi32, #tpu.memory_space<vmem>>
    %dma_wait3A_54 = tpu.memref_squeeze %dma_wait3A_53 : memref<1x128xi32, #tpu.memory_space<vmem>> -> memref<128xi32, #tpu.memory_space<vmem>>
    %dma_wait3A_55 = arith.constant 0 : i32
    %dma_wait3A_56 = arith.constant 0 : i32
    %dma_wait3A_57 = tpu.memref_slice %arg23[%dma_wait3A_55, %dma_wait3A_56] : memref<10240x64xbf16, #tpu.memory_space<vmem_shared>> -> memref<10240x64xbf16, #tpu.memory_space<vmem_shared>>
    tpu.wait_indirect_dma semaphore(%arg20 : memref<!tpu.dma_semaphore, #tpu.memory_space<semaphore_mem>>) src(%arg10 : memref<128x64xbf16, #tpu.memory_space<vmem>>) dst(%dma_wait3A_57 : memref<10240x64xbf16, #tpu.memory_space<vmem_shared>>)
    %dma_wait3A_58 = arith.constant 158 : i32
    %dma_wait3A_59 = arith.constant 0 : i32
    %dma_wait3A_60 = tpu.memref_slice %arg7[%dma_wait3A_58, %dma_wait3A_59] : memref<160x128xi32, #tpu.memory_space<vmem>> -> memref<1x128xi32, #tpu.memory_space<vmem>>
    %dma_wait3A_61 = tpu.memref_squeeze %dma_wait3A_60 : memref<1x128xi32, #tpu.memory_space<vmem>> -> memref<128xi32, #tpu.memory_space<vmem>>
    %dma_wait3A_62 = arith.constant 0 : i32
    %dma_wait3A_63 = arith.constant 0 : i32
    %dma_wait3A_64 = tpu.memref_slice %arg23[%dma_wait3A_62, %dma_wait3A_63] : memref<10240x64xbf16, #tpu.memory_space<vmem_shared>> -> memref<10240x64xbf16, #tpu.memory_space<vmem_shared>>
    tpu.wait_indirect_dma semaphore(%arg21 : memref<!tpu.dma_semaphore, #tpu.memory_space<semaphore_mem>>) src(%arg11 : memref<128x64xbf16, #tpu.memory_space<vmem>>) dst(%dma_wait3A_64 : memref<10240x64xbf16, #tpu.memory_space<vmem_shared>>)
    %dma_wait3A_65 = arith.constant 159 : i32
    %dma_wait3A_66 = arith.constant 0 : i32
    %dma_wait3A_67 = tpu.memref_slice %arg7[%dma_wait3A_65, %dma_wait3A_66] : memref<160x128xi32, #tpu.memory_space<vmem>> -> memref<1x128xi32, #tpu.memory_space<vmem>>
    %dma_wait3A_68 = tpu.memref_squeeze %dma_wait3A_67 : memref<1x128xi32, #tpu.memory_space<vmem>> -> memref<128xi32, #tpu.memory_space<vmem>>
    %dma_wait3A_69 = arith.constant 0 : i32
    %dma_wait3A_70 = arith.constant 0 : i32
    %dma_wait3A_71 = tpu.memref_slice %arg23[%dma_wait3A_69, %dma_wait3A_70] : memref<10240x64xbf16, #tpu.memory_space<vmem_shared>> -> memref<10240x64xbf16, #tpu.memory_space<vmem_shared>>
    tpu.wait_indirect_dma semaphore(%arg22 : memref<!tpu.dma_semaphore, #tpu.memory_space<semaphore_mem>>) src(%arg12 : memref<128x64xbf16, #tpu.memory_space<vmem>>) dst(%dma_wait3A_71 : memref<10240x64xbf16, #tpu.memory_space<vmem_shared>>)
    %barrier3A_72 = arith.constant 0 : index
    tpu.barrier barrier_id(%barrier3A_72)
    %mul3A_73 = arith.constant 640 : i32
    %mul3A_74 = arith.muli %arg1, %mul3A_73 : i32
    %mul3A_75 = arith.constant 10240 : i32
    %mul3A_76 = arith.muli %arg0, %mul3A_75 : i32
    %mul3A_77 = arith.constant 640 : i32
    %mul3A_78 = arith.muli %arg1, %mul3A_77 : i32
    %add3A = arith.addi %mul3A_76, %mul3A_78 : i32
    "tpu.region"() ({
      %run_scoped3A = tpu.sem_alloc : memref<!tpu.dma_semaphore, #tpu.memory_space<semaphore_mem>>
      %dma_start3A_79 = arith.constant 0 : i32
      %dma_start3A_80 = tpu.memref_slice %arg5[%add3A, %dma_start3A_79] : memref<20480x64xbf16, #tpu.memory_space<hbm>> -> memref<640x64xbf16, #tpu.memory_space<hbm>>
      %dma_start3A_81 = arith.constant 0 : i32
      %dma_start3A_82 = tpu.memref_slice %arg23[%mul3A_74, %dma_start3A_81] : memref<10240x64xbf16, #tpu.memory_space<vmem_shared>> -> memref<640x64xbf16, #tpu.memory_space<vmem_shared>>
      tpu.enqueue_dma source(%dma_start3A_82 : memref<640x64xbf16, #tpu.memory_space<vmem_shared>>) target(%dma_start3A_80 : memref<640x64xbf16, #tpu.memory_space<hbm>>) target_semaphore(%run_scoped3A : memref<!tpu.dma_semaphore, #tpu.memory_space<semaphore_mem>>)
      %dma_wait3A_83 = arith.constant 0 : i32
      %dma_wait3A_84 = tpu.memref_slice %arg5[%add3A, %dma_wait3A_83] : memref<20480x64xbf16, #tpu.memory_space<hbm>> -> memref<640x64xbf16, #tpu.memory_space<hbm>>
      %dma_wait3A_85 = arith.constant 0 : i32
      %dma_wait3A_86 = tpu.memref_slice %arg23[%mul3A_74, %dma_wait3A_85] : memref<10240x64xbf16, #tpu.memory_space<vmem_shared>> -> memref<640x64xbf16, #tpu.memory_space<vmem_shared>>
      tpu.wait_dma2 semaphore(%run_scoped3A : memref<!tpu.dma_semaphore, #tpu.memory_space<semaphore_mem>>) src(%dma_wait3A_86 : memref<640x64xbf16, #tpu.memory_space<vmem_shared>>) dst(%dma_wait3A_84 : memref<640x64xbf16, #tpu.memory_space<hbm>>)
      tpu.yield
    }) : () -> ()
    return
  }
}

module attributes {stable_mosaic.version = 14 : i64} {
  func.func @_mm1_body(%arg0: i32, %arg1: memref<2x1024x8xf32, #tpu.memory_space<vmem>>, %arg2: memref<1024x128xf32, #tpu.memory_space<vmem>>, %arg3: memref<128x128xf32, #tpu.memory_space<vmem>>, %arg4: memref<2x1024x64xbf16, #tpu.memory_space<vmem>>) attributes {dimension_semantics = [#tpu.dimension_semantics<arbitrary>], iteration_bounds = array<i64: 10>, scalar_prefetch = 0 : i64, scratch_operands = 0 : i64, tpu.core_type = #tpu.core_type<tc>, window_params = [{transform_indices = @transform_0, window_bounds = array<i64: 2, 1024, 8>}, {transform_indices = @transform_1, window_bounds = array<i64: 1024, 128>}, {pipeline_mode = #tpu.pipeline_mode<synchronous>, transform_indices = @transform_2, window_bounds = array<i64: 128, 128>}, {transform_indices = @transform_3, window_bounds = array<i64: 2, 1024, 64>}]} {
    %get3A = arith.constant 0 : index
    %get3A_0 = arith.constant 0 : index
    %get3A_1 = vector.load %arg2[%get3A, %get3A_0] : memref<1024x128xf32, #tpu.memory_space<vmem>>, vector<1024x128xf32>
    %get3A_2 = arith.constant 0 : index
    %get3A_3 = arith.constant 0 : index
    %get3A_4 = vector.load %arg3[%get3A_2, %get3A_3] : memref<128x128xf32, #tpu.memory_space<vmem>>, vector<128x128xf32>
    %dot_general3A = arith.constant dense<0.000000e+00> : vector<1024x128xf32>
    %dot_general3A_5 = tpu.matmul %get3A_1, %get3A_4, %dot_general3A {dimension_numbers = #tpu.dot_dimension_numbers<[1], [0], [0], [1], [0, 0, 1, 1], [], []>, precision = #tpu.contract_precision<fp32>, transpose_lhs_hint = false} : vector<1024x128xf32>, vector<128x128xf32>, vector<1024x128xf32> -> vector<1024x128xf32>
    %get3A_6 = arith.constant 0 : index
    %get3A_7 = arith.constant 0 : index
    %get3A_8 = arith.constant 0 : index
    %get3A_9 = vector.load %arg1[%get3A_6, %get3A_7, %get3A_8] : memref<2x1024x8xf32, #tpu.memory_space<vmem>>, vector<1x1024x8xf32>
    %get3A_10 = vector.shape_cast %get3A_9 : vector<1x1024x8xf32> to vector<1024x8xf32>
    %get3A_11 = arith.constant 1 : index
    %get3A_12 = arith.constant 0 : index
    %get3A_13 = arith.constant 0 : index
    %get3A_14 = vector.load %arg1[%get3A_11, %get3A_12, %get3A_13] : memref<2x1024x8xf32, #tpu.memory_space<vmem>>, vector<1x1024x8xf32>
    %get3A_15 = vector.shape_cast %get3A_14 : vector<1x1024x8xf32> to vector<1024x8xf32>
    %add3A = arith.addf %get3A_10, %get3A_15 : vector<1024x8xf32>
    %add3A_16 = arith.constant 1.000000e+00 : f32
    %add3A_17 = vector.broadcast %add3A_16 : f32 to vector<1024x8xf32>
    %add3A_18 = arith.addf %add3A, %add3A_17 : vector<1024x8xf32>
    %rsqrt3A = math.rsqrt %add3A_18 : vector<1024x8xf32>
    %slice3A = vector.extract_strided_slice %rsqrt3A {offsets = [0, 0], sizes = [1024, 1], strides = [1, 1]} : vector<1024x8xf32> to vector<1024x1xf32>
    %mul3A = vector.broadcast %slice3A : vector<1024x1xf32> to vector<1024x128xf32>
    %mul3A_19 = arith.mulf %dot_general3A_5, %mul3A : vector<1024x128xf32>
    %convert_element_type3A = arith.truncf %mul3A_19 : vector<1024x128xf32> to vector<1024x128xbf16>
    %slice3A_20 = vector.extract_strided_slice %convert_element_type3A {offsets = [0, 0], sizes = [1024, 64], strides = [1, 1]} : vector<1024x128xbf16> to vector<1024x64xbf16>
    %swap3A = arith.constant 0 : index
    %swap3A_21 = arith.constant 0 : index
    %swap3A_22 = arith.constant 0 : index
    %swap3A_23 = vector.load %arg4[%swap3A, %swap3A_21, %swap3A_22] : memref<2x1024x64xbf16, #tpu.memory_space<vmem>>, vector<1x1024x64xbf16>
    %swap3A_24 = vector.shape_cast %swap3A_23 : vector<1x1024x64xbf16> to vector<1024x64xbf16>
    %swap3A_25 = vector.shape_cast %slice3A_20 : vector<1024x64xbf16> to vector<1x1024x64xbf16>
    tpu.vector_store %arg4[%swap3A, %swap3A_21, %swap3A_22], %swap3A_25 {strides = array<i32>} : memref<2x1024x64xbf16, #tpu.memory_space<vmem>>, vector<1x1024x64xbf16>,
    %slice3A_26 = vector.extract_strided_slice %convert_element_type3A {offsets = [0, 64], sizes = [1024, 64], strides = [1, 1]} : vector<1024x128xbf16> to vector<1024x64xbf16>
    %swap3A_27 = arith.constant 1 : index
    %swap3A_28 = arith.constant 0 : index
    %swap3A_29 = arith.constant 0 : index
    %swap3A_30 = vector.load %arg4[%swap3A_27, %swap3A_28, %swap3A_29] : memref<2x1024x64xbf16, #tpu.memory_space<vmem>>, vector<1x1024x64xbf16>
    %swap3A_31 = vector.shape_cast %swap3A_30 : vector<1x1024x64xbf16> to vector<1024x64xbf16>
    %swap3A_32 = vector.shape_cast %slice3A_26 : vector<1024x64xbf16> to vector<1x1024x64xbf16>
    tpu.vector_store %arg4[%swap3A_27, %swap3A_28, %swap3A_29], %swap3A_32 {strides = array<i32>} : memref<2x1024x64xbf16, #tpu.memory_space<vmem>>, vector<1x1024x64xbf16>,
    return
  }
  func.func @transform_0(%arg0: i32) -> (i32, i32, i32) {
    %c0_i32 = arith.constant 0 : i32
    %c0_i32_0 = arith.constant 0 : i32
    %c0_i32_1 = arith.constant 0 : i32
    return %c0_i32, %arg0, %c0_i32_0 : i32, i32, i32
  }
  func.func @transform_1(%arg0: i32) -> (i32, i32) {
    %c0_i32 = arith.constant 0 : i32
    %c0_i32_0 = arith.constant 0 : i32
    return %arg0, %c0_i32 : i32, i32
  }
  func.func @transform_2(%arg0: i32) -> (i32, i32) {
    %c0_i32 = arith.constant 0 : i32
    %c0_i32_0 = arith.constant 0 : i32
    %c0_i32_1 = arith.constant 0 : i32
    return %c0_i32, %c0_i32_0 : i32, i32
  }
  func.func @transform_3(%arg0: i32) -> (i32, i32, i32) {
    %c0_i32 = arith.constant 0 : i32
    %c0_i32_0 = arith.constant 0 : i32
    %c0_i32_1 = arith.constant 0 : i32
    return %c0_i32, %arg0, %c0_i32_0 : i32, i32, i32
  }
}

module attributes {stable_mosaic.version = 14 : i64} {
  func.func @_mid_body(%arg0: i32, %arg1: memref<2x1024x8xf32, #tpu.memory_space<vmem>>, %arg2: memref<2x1024x64xbf16, #tpu.memory_space<vmem>>, %arg3: memref<1x128xf32, #tpu.memory_space<vmem>>, %arg4: memref<128x64xf32, #tpu.memory_space<vmem>>, %arg5: memref<2x1024x32xbf16, #tpu.memory_space<vmem>>) attributes {dimension_semantics = [#tpu.dimension_semantics<arbitrary>], iteration_bounds = array<i64: 10>, scalar_prefetch = 0 : i64, scratch_operands = 0 : i64, tpu.core_type = #tpu.core_type<tc>, window_params = [{transform_indices = @transform_0, window_bounds = array<i64: 2, 1024, 8>}, {transform_indices = @transform_1, window_bounds = array<i64: 2, 1024, 64>}, {pipeline_mode = #tpu.pipeline_mode<synchronous>, transform_indices = @transform_2, window_bounds = array<i64: 1, 128>}, {pipeline_mode = #tpu.pipeline_mode<synchronous>, transform_indices = @transform_3, window_bounds = array<i64: 128, 64>}, {transform_indices = @transform_4, window_bounds = array<i64: 2, 1024, 32>}]} {
    %get3A = arith.constant 0 : index
    %get3A_0 = arith.constant 0 : index
    %get3A_1 = arith.constant 0 : index
    %get3A_2 = vector.load %arg1[%get3A, %get3A_0, %get3A_1] : memref<2x1024x8xf32, #tpu.memory_space<vmem>>, vector<1x1024x8xf32>
    %get3A_3 = vector.shape_cast %get3A_2 : vector<1x1024x8xf32> to vector<1024x8xf32>
    %get3A_4 = arith.constant 1 : index
    %get3A_5 = arith.constant 0 : index
    %get3A_6 = arith.constant 0 : index
    %get3A_7 = vector.load %arg1[%get3A_4, %get3A_5, %get3A_6] : memref<2x1024x8xf32, #tpu.memory_space<vmem>>, vector<1x1024x8xf32>
    %get3A_8 = vector.shape_cast %get3A_7 : vector<1x1024x8xf32> to vector<1024x8xf32>
    %add3A = arith.addf %get3A_3, %get3A_8 : vector<1024x8xf32>
    %add3A_9 = arith.constant 1.000000e+00 : f32
    %add3A_10 = vector.broadcast %add3A_9 : f32 to vector<1024x8xf32>
    %add3A_11 = arith.addf %add3A, %add3A_10 : vector<1024x8xf32>
    %rsqrt3A = math.rsqrt %add3A_11 : vector<1024x8xf32>
    %slice3A = vector.extract_strided_slice %rsqrt3A {offsets = [0, 0], sizes = [1024, 1], strides = [1, 1]} : vector<1024x8xf32> to vector<1024x1xf32>
    %get3A_12 = arith.constant 0 : index
    %get3A_13 = arith.constant 0 : index
    %get3A_14 = arith.constant 0 : index
    %get3A_15 = vector.load %arg2[%get3A_12, %get3A_13, %get3A_14] : memref<2x1024x64xbf16, #tpu.memory_space<vmem>>, vector<1x1024x64xbf16>
    %get3A_16 = vector.shape_cast %get3A_15 : vector<1x1024x64xbf16> to vector<1024x64xbf16>
    %get3A_17 = arith.constant 1 : index
    %get3A_18 = arith.constant 0 : index
    %get3A_19 = arith.constant 0 : index
    %get3A_20 = vector.load %arg2[%get3A_17, %get3A_18, %get3A_19] : memref<2x1024x64xbf16, #tpu.memory_space<vmem>>, vector<1x1024x64xbf16>
    %get3A_21 = vector.shape_cast %get3A_20 : vector<1x1024x64xbf16> to vector<1024x64xbf16>
    %concatenate3A = tpu.concatenate %get3A_16, %get3A_21 in 1 : vector<1024x64xbf16>, vector<1024x64xbf16> -> vector<1024x128xbf16>
    %convert_element_type3A = arith.extf %concatenate3A : vector<1024x128xbf16> to vector<1024x128xf32>
    %mul3A = vector.broadcast %slice3A : vector<1024x1xf32> to vector<1024x128xf32>
    %mul3A_22 = arith.mulf %convert_element_type3A, %mul3A : vector<1024x128xf32>
    %get3A_23 = arith.constant 0 : index
    %get3A_24 = arith.constant 0 : index
    %get3A_25 = vector.load %arg3[%get3A_23, %get3A_24] : memref<1x128xf32, #tpu.memory_space<vmem>>, vector<1x128xf32>
    %add3A_26 = vector.broadcast %get3A_25 : vector<1x128xf32> to vector<1024x128xf32>
    %add3A_27 = arith.addf %mul3A_22, %add3A_26 : vector<1024x128xf32>
    %max3A = arith.constant 0.000000e+00 : f32
    %max3A_28 = vector.broadcast %max3A : f32 to vector<1024x128xf32>
    %max3A_29 = arith.maximumf %add3A_27, %max3A_28 : vector<1024x128xf32>
    %get3A_30 = arith.constant 0 : index
    %get3A_31 = arith.constant 0 : index
    %get3A_32 = vector.load %arg4[%get3A_30, %get3A_31] : memref<128x64xf32, #tpu.memory_space<vmem>>, vector<128x64xf32>
    %dot_general3A = arith.constant dense<0.000000e+00> : vector<1024x64xf32>
    %dot_general3A_33 = tpu.matmul %max3A_29, %get3A_32, %dot_general3A {dimension_numbers = #tpu.dot_dimension_numbers<[1], [0], [0], [1], [0, 0, 1, 1], [], []>, precision = #tpu.contract_precision<fp32>, transpose_lhs_hint = false} : vector<1024x128xf32>, vector<128x64xf32>, vector<1024x64xf32> -> vector<1024x64xf32>
    %mul3A_34 = vector.broadcast %slice3A : vector<1024x1xf32> to vector<1024x64xf32>
    %mul3A_35 = arith.mulf %dot_general3A_33, %mul3A_34 : vector<1024x64xf32>
    %convert_element_type3A_36 = arith.truncf %mul3A_35 : vector<1024x64xf32> to vector<1024x64xbf16>
    %slice3A_37 = vector.extract_strided_slice %convert_element_type3A_36 {offsets = [0, 0], sizes = [1024, 32], strides = [1, 1]} : vector<1024x64xbf16> to vector<1024x32xbf16>
    %swap3A = arith.constant 0 : index
    %swap3A_38 = arith.constant 0 : index
    %swap3A_39 = arith.constant 0 : index
    %swap3A_40 = vector.load %arg5[%swap3A, %swap3A_38, %swap3A_39] : memref<2x1024x32xbf16, #tpu.memory_space<vmem>>, vector<1x1024x32xbf16>
    %swap3A_41 = vector.shape_cast %swap3A_40 : vector<1x1024x32xbf16> to vector<1024x32xbf16>
    %swap3A_42 = vector.shape_cast %slice3A_37 : vector<1024x32xbf16> to vector<1x1024x32xbf16>
    tpu.vector_store %arg5[%swap3A, %swap3A_38, %swap3A_39], %swap3A_42 {strides = array<i32>} : memref<2x1024x32xbf16, #tpu.memory_space<vmem>>, vector<1x1024x32xbf16>,
    %slice3A_43 = vector.extract_strided_slice %convert_element_type3A_36 {offsets = [0, 32], sizes = [1024, 32], strides = [1, 1]} : vector<1024x64xbf16> to vector<1024x32xbf16>
    %swap3A_44 = arith.constant 1 : index
    %swap3A_45 = arith.constant 0 : index
    %swap3A_46 = arith.constant 0 : index
    %swap3A_47 = vector.load %arg5[%swap3A_44, %swap3A_45, %swap3A_46] : memref<2x1024x32xbf16, #tpu.memory_space<vmem>>, vector<1x1024x32xbf16>
    %swap3A_48 = vector.shape_cast %swap3A_47 : vector<1x1024x32xbf16> to vector<1024x32xbf16>
    %swap3A_49 = vector.shape_cast %slice3A_43 : vector<1024x32xbf16> to vector<1x1024x32xbf16>
    tpu.vector_store %arg5[%swap3A_44, %swap3A_45, %swap3A_46], %swap3A_49 {strides = array<i32>} : memref<2x1024x32xbf16, #tpu.memory_space<vmem>>, vector<1x1024x32xbf16>,
    return
  }
  func.func @transform_0(%arg0: i32) -> (i32, i32, i32) {
    %c0_i32 = arith.constant 0 : i32
    %c0_i32_0 = arith.constant 0 : i32
    %c0_i32_1 = arith.constant 0 : i32
    return %c0_i32, %arg0, %c0_i32_0 : i32, i32, i32
  }
  func.func @transform_1(%arg0: i32) -> (i32, i32, i32) {
    %c0_i32 = arith.constant 0 : i32
    %c0_i32_0 = arith.constant 0 : i32
    %c0_i32_1 = arith.constant 0 : i32
    return %c0_i32, %arg0, %c0_i32_0 : i32, i32, i32
  }
  func.func @transform_2(%arg0: i32) -> (i32, i32) {
    %c0_i32 = arith.constant 0 : i32
    %c0_i32_0 = arith.constant 0 : i32
    %c0_i32_1 = arith.constant 0 : i32
    return %c0_i32, %c0_i32_0 : i32, i32
  }
  func.func @transform_3(%arg0: i32) -> (i32, i32) {
    %c0_i32 = arith.constant 0 : i32
    %c0_i32_0 = arith.constant 0 : i32
    %c0_i32_1 = arith.constant 0 : i32
    return %c0_i32, %c0_i32_0 : i32, i32
  }
  func.func @transform_4(%arg0: i32) -> (i32, i32, i32) {
    %c0_i32 = arith.constant 0 : i32
    %c0_i32_0 = arith.constant 0 : i32
    %c0_i32_1 = arith.constant 0 : i32
    return %c0_i32, %arg0, %c0_i32_0 : i32, i32, i32
  }
}

module attributes {stable_mosaic.version = 14 : i64} {
  func.func @_fin_body(%arg0: i32, %arg1: memref<2x1024x8xf32, #tpu.memory_space<vmem>>, %arg2: memref<2x1024x32xbf16, #tpu.memory_space<vmem>>, %arg3: memref<1x64xf32, #tpu.memory_space<vmem>>, %arg4: memref<1024x64xf32, #tpu.memory_space<vmem>>) attributes {dimension_semantics = [#tpu.dimension_semantics<arbitrary>], iteration_bounds = array<i64: 10>, scalar_prefetch = 0 : i64, scratch_operands = 0 : i64, tpu.core_type = #tpu.core_type<tc>, window_params = [{transform_indices = @transform_0, window_bounds = array<i64: 2, 1024, 8>}, {transform_indices = @transform_1, window_bounds = array<i64: 2, 1024, 32>}, {pipeline_mode = #tpu.pipeline_mode<synchronous>, transform_indices = @transform_2, window_bounds = array<i64: 1, 64>}, {transform_indices = @transform_3, window_bounds = array<i64: 1024, 64>}]} {
    %get3A = arith.constant 0 : index
    %get3A_0 = arith.constant 0 : index
    %get3A_1 = arith.constant 0 : index
    %get3A_2 = vector.load %arg1[%get3A, %get3A_0, %get3A_1] : memref<2x1024x8xf32, #tpu.memory_space<vmem>>, vector<1x1024x8xf32>
    %get3A_3 = vector.shape_cast %get3A_2 : vector<1x1024x8xf32> to vector<1024x8xf32>
    %get3A_4 = arith.constant 1 : index
    %get3A_5 = arith.constant 0 : index
    %get3A_6 = arith.constant 0 : index
    %get3A_7 = vector.load %arg1[%get3A_4, %get3A_5, %get3A_6] : memref<2x1024x8xf32, #tpu.memory_space<vmem>>, vector<1x1024x8xf32>
    %get3A_8 = vector.shape_cast %get3A_7 : vector<1x1024x8xf32> to vector<1024x8xf32>
    %add3A = arith.addf %get3A_3, %get3A_8 : vector<1024x8xf32>
    %add3A_9 = arith.constant 1.000000e+00 : f32
    %add3A_10 = vector.broadcast %add3A_9 : f32 to vector<1024x8xf32>
    %add3A_11 = arith.addf %add3A, %add3A_10 : vector<1024x8xf32>
    %rsqrt3A = math.rsqrt %add3A_11 : vector<1024x8xf32>
    %slice3A = vector.extract_strided_slice %rsqrt3A {offsets = [0, 0], sizes = [1024, 1], strides = [1, 1]} : vector<1024x8xf32> to vector<1024x1xf32>
    %get3A_12 = arith.constant 0 : index
    %get3A_13 = arith.constant 0 : index
    %get3A_14 = arith.constant 0 : index
    %get3A_15 = vector.load %arg2[%get3A_12, %get3A_13, %get3A_14] : memref<2x1024x32xbf16, #tpu.memory_space<vmem>>, vector<1x1024x32xbf16>
    %get3A_16 = vector.shape_cast %get3A_15 : vector<1x1024x32xbf16> to vector<1024x32xbf16>
    %get3A_17 = arith.constant 1 : index
    %get3A_18 = arith.constant 0 : index
    %get3A_19 = arith.constant 0 : index
    %get3A_20 = vector.load %arg2[%get3A_17, %get3A_18, %get3A_19] : memref<2x1024x32xbf16, #tpu.memory_space<vmem>>, vector<1x1024x32xbf16>
    %get3A_21 = vector.shape_cast %get3A_20 : vector<1x1024x32xbf16> to vector<1024x32xbf16>
    %concatenate3A = tpu.concatenate %get3A_16, %get3A_21 in 1 : vector<1024x32xbf16>, vector<1024x32xbf16> -> vector<1024x64xbf16>
    %convert_element_type3A = arith.extf %concatenate3A : vector<1024x64xbf16> to vector<1024x64xf32>
    %mul3A = vector.broadcast %slice3A : vector<1024x1xf32> to vector<1024x64xf32>
    %mul3A_22 = arith.mulf %convert_element_type3A, %mul3A : vector<1024x64xf32>
    %get3A_23 = arith.constant 0 : index
    %get3A_24 = arith.constant 0 : index
    %get3A_25 = vector.load %arg3[%get3A_23, %get3A_24] : memref<1x64xf32, #tpu.memory_space<vmem>>, vector<1x64xf32>
    %add3A_26 = vector.broadcast %get3A_25 : vector<1x64xf32> to vector<1024x64xf32>
    %add3A_27 = arith.addf %mul3A_22, %add3A_26 : vector<1024x64xf32>
    %swap3A = arith.constant 0 : index
    %swap3A_28 = arith.constant 0 : index
    %swap3A_29 = vector.load %arg4[%swap3A, %swap3A_28] : memref<1024x64xf32, #tpu.memory_space<vmem>>, vector<1024x64xf32>
    tpu.vector_store %arg4[%swap3A, %swap3A_28], %add3A_27 {strides = array<i32>} : memref<1024x64xf32, #tpu.memory_space<vmem>>, vector<1024x64xf32>,
    return
  }
  func.func @transform_0(%arg0: i32) -> (i32, i32, i32) {
    %c0_i32 = arith.constant 0 : i32
    %c0_i32_0 = arith.constant 0 : i32
    %c0_i32_1 = arith.constant 0 : i32
    return %c0_i32, %arg0, %c0_i32_0 : i32, i32, i32
  }
  func.func @transform_1(%arg0: i32) -> (i32, i32, i32) {
    %c0_i32 = arith.constant 0 : i32
    %c0_i32_0 = arith.constant 0 : i32
    %c0_i32_1 = arith.constant 0 : i32
    return %c0_i32, %arg0, %c0_i32_0 : i32, i32, i32
  }
  func.func @transform_2(%arg0: i32) -> (i32, i32) {
    %c0_i32 = arith.constant 0 : i32
    %c0_i32_0 = arith.constant 0 : i32
    %c0_i32_1 = arith.constant 0 : i32
    return %c0_i32, %c0_i32_0 : i32, i32
  }
  func.func @transform_3(%arg0: i32) -> (i32, i32) {
    %c0_i32 = arith.constant 0 : i32
    %c0_i32_0 = arith.constant 0 : i32
    return %arg0, %c0_i32 : i32, i32
  }
}

</mosaic_0001>

<sc_bundles>
// kernel: kernel.11.cloned.1.call-start
scs
__scs_entry_jumppad:
0x0: {  	(pc) =	sbr.rel $0x88, $3  }
0x1: {  	(tag) =	ssettag $0x0;
	lr =	simm.s32 $0x1  }
0x2: {  	[smem:$0x3F9B] =	sst lr;
	_ =	strace $0xD0000000  }
0x3: {  	_ = 	snop  }
0x4: {  	_ = 	snop  }
0x5: {  	_ = 	snop  }
0x6: {  	_ = 	snop  }
0x7: {  	_ = 	snop  }
__scs_overlays_trampoline_lowered:
0x8: {  	[smem:$0x3FAA] =	sst s0  }
0x9: {  	[smem:$0x3FAB] =	sst s1  }
0xa: {  	[smem:$0x3FAC] =	sst s2  }
0xb: {  	[smem:$0x3FAD] =	sst s3  }
0xc: {  	[smem:$0x3FAE] =	sst s4  }
0xd: {  	[smem:$0x3FAF] =	sst s5  }
0xe: {  	[smem:$0x3FB0] =	sst s6  }
0xf: {  	[smem:$0x3FB1] =	sst s7  }
0x10: {  	[smem:$0x3FB2] =	sst s8  }
0x11: {  	[smem:$0x3FB3] =	sst s9;
	s0 =	simm.s32 @!p0 $0x0  }
0x12: {  	s1 =	sld [smem:$0x3F99];
	s0 =	simm.s32 @p0 $0x1  }
0x13: {  	[smem:$0x3FB4] =	sst s0;
	s0 =	simm.s32 @!p1 $0x0  }
0x14: {  	s2 =	sld [smem:$0x3F98];
	s0 =	simm.s32 @p1 $0x1  }
0x15: {  	[smem:$0x3FB5] =	sst s0;
	s0 =	simm.s32 @!p2 $0x0  }
0x16: {  	s3 =	sld [smem:$0x3FDB];
	s0 =	simm.s32 @p2 $0x1  }
0x17: {  	s4 =	simm.s32 $0x1BF5;
	[smem:$0x3FB7] =	sst s0  }
0x18: {  	s0 =	sld [smem:$0x3F9A];
	_ =	swait.ge [sflag:s4], $0x0  }
0x19: {  	s7 =	sld [smem:$0x3F9B]  }
0x1a: {  	s8 =	sadd.s32 $0xFFFFE003, lr  }
0x1b: {  	s9 =	sadd.s32 $0xFFFFFEF7, lr;
	s5 =	simm.s32 $0xFFFFFFFF;
	p2 =	slt.u32 s8, $0xFFFFF086  }
0x1c: {  	p1 =	slt.u32 s9, $0xF7A;
	s5 =	simm.s32 @!p2 $0x0  }
0x1d: {  	s5 =	simm.s32 @p1 $0x1;
	p0 =	seq.s32 s7, s2  }
0x1e: {  	s7 =	smul.u32 @!p0 $0xF7A, s2;
	p2 =	seq.s32 @!p0 s5, $0x0  }
0x1f: {  	s9 =	smul.u32 $0xF7A, s1;
	s8 =	simm.s32 @!p0 $0x1BF5;
	p2 =	por !p2, p0  }
0x20: {  	[sflag:s8] =	ssyncset.s32 @!p0 $0xFFFFF086;
	s6 =	sadd.s32 @!p0 s3, s7;
	s7 =	simm.s32 @!p0 $0x108  }
0x21: {  	s3 =	sadd.s32 s3, s9;
	s6 =	sadd.s32 @!p0 $0x88, s6;
	s7 =	simm.s32 @p2 $0x1082  }
0x22: {  	[simem:s7], [sflag:s8] =	dma.local @!p0 [hbm:s6], $0xF7A  }
0x23: {  	s9 =	sor.u32 $0xD0000000, s2;
	s6 =	simm.s32 $0x108;
	_ =	swait.ge @!p0 [sflag:s8], $0x0  }
0x24: {  	s3 =	sadd.s32 $0x88, s3;
	s6 =	simm.s32 @!p1 $0x1082;
	[sflag:s4] =	ssyncset.s32 $0xFFFFF086  }
0x25: {  	[simem:s6], [sflag:s4] =	dma.local [hbm:s3], $0xF7A  }
0x26: {  	[smem:$0x3F9B] =	sst s1;
	(tag) =	ssettag s2;
	_ =	strace s9  }
0x27: {  	s1 =	sld [smem:$0x3FAB]  }
0x28: {  	s2 =	sld [smem:$0x3FAC]  }
0x29: {  	s4 =	sld [smem:$0x3FAE]  }
0x2a: {  	p0 =	seq.s32 s5, $0x0;
	s5 =	sld [smem:$0x3FAF]  }
0x2b: {  	s6 =	sld [smem:$0x3FB0]  }
0x2c: {  	s7 =	sld [smem:$0x3FB1]  }
0x2d: {  	s3 =	simm.s32 $0x108;
	s8 =	sld [smem:$0x3FB2]  }
0x2e: {  	s3 =	simm.s32 @!p0 $0x1082;
	s9 =	sld [smem:$0x3FB3]  }
0x2f: {  	lr =	sadd.s32 s0, s3;
	s0 =	sld [smem:$0x3FAA]  }
0x30: {  	s3 =	sld [smem:$0x3FAD]  }
0x31: {  	[smem:$0x3FB6] =	sst s10  }
0x32: {  	s10 =	sld [smem:$0x3FB4];
	_ =	sdelay $0x3  }
0x33: {  	p0 =	seq.s32 s10, $0x1;
	s10 =	sld [smem:$0x3FB6];
	_ =	sdelay $0x3  }
0x34: {  	[smem:$0x3FB6] =	sst s10  }
0x35: {  	s10 =	sld [smem:$0x3FB5];
	_ =	sdelay $0x3  }
0x36: {  	p1 =	seq.s32 s10, $0x1;
	s10 =	sld [smem:$0x3FB6];
	_ =	sdelay $0x3  }
0x37: {  	[smem:$0x3FB6] =	sst s10  }
0x38: {  	s10 =	sld [smem:$0x3FB7]  }
0x39: {  	_ = 	snop;
	(pc) =	sbr.ind lr, $3  }
0x3a: {  	_ = 	snop  }
0x3b: {  	_ = 	snop  }
0x3c: {  	p2 =	seq.s32 s10, $0x1;
	s10 =	sld [smem:$0x3FB6]  }
0x3d: {  	_ =	shalt  }
0x3e: {  	_ =	shalt  }
0x3f: {  	_ =	shalt  }
0x40: {  	_ =	shalt  }
0x41: {  	_ =	shalt  }
0x42: {  	_ =	shalt  }
0x43: {  	_ =	shalt  }
0x44: {  	_ =	shalt  }
0x45: {  	_ =	shalt  }
0x46: {  	_ =	shalt  }
0x47: {  	_ =	shalt  }
0x48: {  	_ =	shalt  }
0x49: {  	_ =	shalt  }
0x4a: {  	_ =	shalt  }
0x4b: {  	_ =	shalt  }
0x4c: {  	_ =	shalt  }
0x4d: {  	_ =	shalt  }
0x4e: {  	_ =	shalt  }
0x4f: {  	_ =	shalt  }
0x50: {  	_ =	shalt  }
0x51: {  	_ =	shalt  }
0x52: {  	_ =	shalt  }
0x53: {  	_ =	shalt  }
0x54: {  	_ =	shalt  }
0x55: {  	_ =	shalt  }
0x56: {  	_ =	shalt  }
0x57: {  	_ =	shalt  }
0x58: {  	_ =	shalt  }
0x59: {  	_ =	shalt  }
0x5a: {  	_ =	shalt  }
0x5b: {  	_ =	shalt  }
0x5c: {  	_ =	shalt  }
0x5d: {  	_ =	shalt  }
0x5e: {  	_ =	shalt  }
0x5f: {  	_ =	shalt  }
0x60: {  	_ =	shalt  }
0x61: {  	_ =	shalt  }
0x62: {  	_ =	shalt  }
0x63: {  	_ =	shalt  }
0x64: {  	_ =	shalt  }
0x65: {  	_ =	shalt  }
0x66: {  	_ =	shalt  }
0x67: {  	_ =	shalt  }
0x68: {  	_ =	shalt  }
0x69: {  	_ =	shalt  }
0x6a: {  	_ =	shalt  }
0x6b: {  	_ =	shalt  }
0x6c: {  	_ =	shalt  }
0x6d: {  	_ =	shalt  }
0x6e: {  	_ =	shalt  }
0x6f: {  	_ =	shalt  }
0x70: {  	_ =	shalt  }
0x71: {  	_ =	shalt  }
0x72: {  	_ =	shalt  }
0x73: {  	_ =	shalt  }
0x74: {  	_ =	shalt  }
0x75: {  	_ =	shalt  }
0x76: {  	_ =	shalt  }
0x77: {  	_ =	shalt  }
0x78: {  	_ =	shalt  }
0x79: {  	_ =	shalt  }
0x7a: {  	_ =	shalt  }
0x7b: {  	_ =	shalt  }
0x7c: {  	_ =	shalt  }
0x7d: {  	_ =	shalt  }
0x7e: {  	_ =	shalt  }
0x7f: {  	_ =	shalt  }
0x80: {  	_ =	shalt  }
0x81: {  	_ =	shalt  }
0x82: {  	_ =	shalt  }
0x83: {  	_ =	shalt  }
0x84: {  	_ =	shalt  }
0x85: {  	_ =	shalt  }
0x86: {  	_ =	shalt  }
0x87: {  	_ =	shalt  }
.Lfunc_end0:
.L_simem_size_0:
called_computation.1_lowered:
.L_overlay_start_0:
0x88: {  	s2 =	sld [smem:$0x3FD9]  }
0x89: {  	s3 =	sld [smem:$0x3FFE];
	_ =	sdelay $0x1  }
0x8a: {  	s1 =	srdreg.scid  }
0x8b: {  	s0 =	sand.u32 $0x1, s1  }
0x8c: {  	s17 =	sshll.u32 s0, $0xA;
	s2 =	sadd.s32 s3, s2  }
0x8d: {  	s2 =	sadd.s32 s2, s17  }
0x8e: {  	[smem:$0x3FC2] =	sst s2  }
0x8f: {  	_ = 	snop  }
0x90: {  	s2 =	sld [smem:$0x3FD0];
	(tm) =	ssettm $0x1  }
0x91: {  	s18 =	sld [smem:$0x3FFB];
	_ =	sdelay $0x3  }
0x92: {  	_ =	strace s18  }
0x93: {  	s3 =	sld [smem:$0x3FFC];
	_ =	sdelay $0x3  }
0x94: {  	_ =	strace s3  }
0x95: {  	s3 =	sld [smem:$0x3FFD];
	_ =	sdelay $0x3  }
0x96: {  	_ =	strace s3  }
0x97: {  	_ =	strace $0x8FFFFFFF  }
0x98: {  	s19 =	sld [smem:$0x3FDB];
	_ =	sdelay $0x1  }
0x99: {  	s4 =	simm.s32 $_scs_section_size  }
0x9a: {  	s5 =	simm.s32 $_size__tile_overlayer_lowered;
	s6 =	simm.s32 $_tile_overlayer_lowered  }
0x9b: {  	s22 =	simm.s32 $0x1BFF;
	s21 =	sshll.u32 s6, $0x1;
	s3 =	sadd.s32 s4, s19  }
0x9c: {  	s7 =	simm.s32 $0x0;
	s20 =	sshll.u32 s5, $0x1;
	s5 =	sadd.s32 s21, s3  }
0x9d: {  	[timem:s7], [sflag:s22] =	dma.local [hbm:s5], s20  }
0x9e: {  	_ =	swait.ge [sflag:s22], s20  }
0x9f: {  	s4 =	ssub.s32 $0x0, s20;
	[sflag:s22] =	ssyncset.done $0x0  }
0xa0: {  	[sflag:s22] =	ssyncadd.s32 s4;
	_ =	sdelay $0x1  }
0xa1: {  	s23 =	simm.s32 $0x1B8B  }
0xa2: {  	_ =	swait.ge [sflag:s23], $0x1  }
0xa3: {  	[sflag:s23] =	ssyncset.done $0x0  }
0xa4: {  	s25 =	simm.s32 $0x1B8E;
	s24 =	sld [smem:$0x3FFE];
	[sflag:s23] =	ssyncadd.s32 $0xFFFFFFFF  }
0xa5: {  	s26 =	simm.s32 $execute0_lowered;
	[smem:$0x3FD2] =	sst s25  }
0xa6: {  	s5 =	sshll.u32 s26, $0x1;
	_ =	strace $0x80000049;
	[dreg:$0x1] =	wrdreg $0xFFFFFFFF  }
0xa7: {  	s28 =	simm.s32 $_size_execute0_lowered;
	s3 =	sadd.s32 s3, s5;
	[dreg:$0x0] =	wrdreg $0x0  }
0xa8: {  	s5 =	sshll.u32 s28, $0x1;
	[dreg:$0x2] =	wrdreg s3  }
0xa9: {  	[dreg:$0x3] =	wrdreg s5  }
0xaa: {  	[dreg:$0x4] =	wrdreg $0xC0  }
0xab: {  	_ =	task [dreg:s7], $0x5FFFF  }
0xac: {  	[dreg:$0x1] =	wrdreg $0xFFFFFFFF  }
0xad: {  	[dreg:$0x0] =	wrdreg $0x60  }
0xae: {  	[dreg:$0x2] =	wrdreg s24  }
0xaf: {  	[dreg:$0x3] =	wrdreg s2  }
0xb0: {  	[dreg:$0x4] =	wrdreg $0xF0000  }
0xb1: {  	[dreg:$0x5] =	wrdreg $0x9  }
0xb2: {  	_ =	task.clear_ibuf [dreg:s7], $0x6FFFF;
	_ =	strace $0x90000049  }
0xb3: {  	s29 =	simm.s32 $0x9;
	_ =	strace $0x8000004B  }
0xb4: {  	_ =	swait.ge [sflag:s29], $0x1  }
0xb5: {  	[sflag:s29] =	ssyncadd.s32 $0xFFFFFFFF  }
0xb6: {  	_ =	strace $0x9000004B  }
0xb7: {  	_ =	sfence  }
0xb8: {  	s30 =	sld [smem:$0x0];
	_ =	sdelay $0x2  }
0xb9: {  	s31 =	sshll.u32 s1, $0xD;
	s1 =	sshrl.u32 s1, $0x2  }
0xba: {  	s3 =	sand.u32 $0x4000, s31;
	s1 =	sadd.s32 s1, s30  }
0xbb: {  	s0 =	sor.u32 s3, s0;
	s1 =	sshll.u32 s1, $0x11  }
0xbc: {  	s0 =	sor.u32 s1, s0  }
0xbd: {  	s0 =	sadd.s32 $0x8F2B, s0  }
0xbe: {  	[sflag:s0] =	ssyncadd.remote.s32 $0x1  }
0xbf: {  	_ =	sfence.sel $0xFFFF  }
0xc0: {  	[dreg:$0x0] =	wrdreg $0xFFFFFFFF;
	(pc) =	sbr.abs _section_cstart, $3  }
0xc1: {  	[dreg:$0x1] =	wrdreg $0xFFFFFFFF  }
0xc2: {  	_ =	task.clear_ibuf [dreg:s7], $0x2FFFF;
	_ =	strace $0x9FFFFFFF  }
0xc3: {  	(tm) =	ssettm $0x7FFFFFFF  }
tec
execute0_lowered:
.L_overlay_start_1:
0x0: {  	(tag) =	ssettag $0x1  }
0x1: {  	s0 =	rddreg [dreg:$0x0]  }
0x2: {  	s2 =	rddreg [dreg:$0x1]  }
0x3: {  	s1 =	rddreg [dreg:$0x2];
	s3 =	srdreg.scid  }
0x4: {  	s12 =	stileid.u32;
	s13 =	simm.s32 $0x5000;
	s14 =	simm.s32 $0x80  }
0x5: {  	s15 =	simm.s32 $0xA000;
	s16 =	simm.s32 $0xB000;
	s18 =	simm.s32 $0xC000  }
0x6: {  	s19 =	simm.s32 $0x1;
	s21 =	simm.s32 $0xD000;
	s22 =	simm.s32 $0x2  }
0x7: {  	s29 =	simm.s32 $0x6;
	s31 =	simm.s32 $0x4;
	s20 =	simm.s32 $0x5  }
0x8: {  	s24 =	simm.s32 $0x8;
	s30 =	simm.s32 $0x9;
	s17 =	simm.s32 $0x0  }
0x9: {  	s4 =	sand.u32 $0x1, s3;
	s3 =	simm.s32 $0x0;
	s8 =	smul.u32 $0xA00, s12  }
0xa: {  	s6 =	smul.u32 $0xA000, s12;
	s26 =	sshll.u32 s12, $0x6;
	s12 =	simm.s32 $0xB  }
0xb: {  	s5 =	smul.u32 $0xA000, s4;
	[smem:$0x7FF] =	sst s3;
	s4 =	ssub.s32 $0x2, s4  }
0xc: {  	_ =	strace $0x8000004A;
	s9 =	sadd.s32 s8, s0;
	s10 =	sshrl.u32 s4, $0x1  }
0xd: {  	s11 =	sshrl.u32 s6, $0x1;
	s25 =	sshrl.u32 s6, $0x4;
	s6 =	sor.u32 $0x1C0B, s26  }
0xe: {  	s2 =	sadd.s32 s2, s8;
	s26 =	simm.s32 $0x3;
	s7 =	sadd.s32 s5, s0  }
0xf: {  	s5 =	sadd.s32 s8, s5;
	s10 =	ssub.s32 s4, s10;
	s11 =	sadd.s32 s11, s1  }
.Ltmp0:
0x10: {  	s28 =	sadd.s32 $0x6800, s9;
	[dreg:$0x6] =	wrdreg s2;
	(pc) =	sbr.rel .LBB2_1-.Ltmp0, $4  }
0x11: {  	s2 =	simm.s32 $0x7;
	s0 =	sadd.s32 s5, s0;
	s4 =	sadd.s32 $0x10800, s7  }
0x12: {  	[dreg:$0x5] =	wrdreg s28;
	s10 =	smax.u32 s10, $0x1;
	s5 =	sadd.s32 s25, s4  }
0x13: {  	s11 =	sshrl.u32 s11, $0x3;
	s0 =	sadd.s32 $0x24800, s0;
	[dreg:$0x4] =	wrdreg s5  }
0x14: {  	s25 =	simm.s32 $0xE000;
	[dreg:$0x7] =	wrdreg s0;
	s0 =	simm.s32 $0xA  }
.LBB2_4:
0x15: {  	_ =	swait.ge [sflag:s29], $0x1000  }
0x16: {  	[sflag:s29] =	ssyncset.done $0x0  }
0x17: {  	[sflag:s29] =	ssyncadd.s32 $0xFFFFF000  }
0x18: {  	_ =	swait.ge [sflag:s2], $0x1000  }
0x19: {  	[sflag:s2] =	ssyncset.done $0x0  }
0x1a: {  	[sflag:s2] =	ssyncadd.s32 $0xFFFFF000  }
0x1b: {  	_ =	swait.ge [sflag:s24], $0x1000  }
0x1c: {  	[sflag:s24] =	ssyncset.done $0x0  }
0x1d: {  	[sflag:s24] =	ssyncadd.s32 $0xFFFFF000  }
0x1e: {  	_ =	swait.ge [sflag:s30], $0x1000  }
0x1f: {  	[sflag:s30] =	ssyncset.done $0x0  }
0x20: {  	[sflag:s30] =	ssyncadd.s32 $0xFFFFF000  }
0x21: {  	_ =	swait.ge [sflag:s0], $0x1000  }
0x22: {  	[sflag:s0] =	ssyncset.done $0x0  }
0x23: {  	s17 =	sadd.s32 $0x1, s17;
	[sflag:s0] =	ssyncadd.s32 $0xFFFFF000  }
0x24: {  	p0 =	sne.s32 s17, s10;
	[bflag:$0x0] =	sbarrier.arrive $0xFFFF  }
.Ltmp1:
0x25: {  	s5 =	rddreg [dreg:$0x7];
	(pc) =	sbr.rel @!p0 .LBB2_5-.Ltmp1, $4  }
0x26: {  	[hbm:s5], [sflag:s6] =	dma.local [spmem:s11], $0xA00  }
0x27: {  	_ =	swait.ge [sflag:s12], $0xA00  }
0x28: {  	[sflag:s12] =	ssyncset.done $0x0  }
0x29: {  	[sflag:s12] =	ssyncadd.s32 $0xFFFFF600  }
.LBB2_1:
0x2a: {  	s5 =	rddreg [dreg:$0x4]  }
0x2b: {  	[spmem:s11], [sflag:s6] =	dma.local [hbm:s5], $0xA00  }
0x2c: {  	_ =	swait.ge [sflag:s12], $0xA00  }
0x2d: {  	[sflag:s12] =	ssyncset.done $0x0  }
0x2e: {  	s23 =	rddreg [dreg:$0x5];
	[sflag:s12] =	ssyncadd.s32 $0xFFFFF600  }
0x2f: {  	[tilespmem:s3], [sflag:$0xB] =	stream.linear.gather [hbm4b:s23+s3], $0x5000, $0x38;
	[tilespmem:$0x14000] =	vst v63  }
0x30: {  	_ =	swait.ge [sflag:s12], $0x5000  }
0x31: {  	[sflag:s12] =	ssyncset.done $0x0  }
0x32: {  	s28 =	rddreg [dreg:$0x6];
	[sflag:s12] =	ssyncadd.s32 $0xFFFFB000  }
0x33: {  	[tilespmem:s13], [sflag:$0xB] =	stream.linear.gather [hbm4b:s28+s3], $0x5000, $0x38;
	[tilespmem:$0x14000] =	vst v63  }
0x34: {  	_ =	swait.ge [sflag:s12], $0x5000  }
0x35: {  	[sflag:s12] =	ssyncset.done $0x0  }
0x36: {  	[sflag:s12] =	ssyncadd.s32 $0xFFFFB000  }
0x37: {  	[bflag:$0x0] =	sbarrier.arrive $0xFFFF  }
0x38: {  	[tilespmem:s15], [sflag:$0x1] =	stream.indirect.gather [hbm4b:s4+s14], $0x20, s3, s14, $0xb8;
	[tilespmem:$0x14000] =	vst v63  }
0x39: {  	_ = 	snop  }
0x3a: {  	[tilespmem:s16], [sflag:$0x2] =	stream.indirect.gather [hbm4b:s4+s14], $0x20, s14, s14, $0xb8;
	[tilespmem:$0x14000] =	vst v63  }
0x3b: {  	s7 =	simm.s32 $0x100  }
0x3c: {  	[tilespmem:s18], [sflag:$0x3] =	stream.indirect.gather [hbm4b:s4+s14], $0x20, s7, s14, $0xb8;
	[tilespmem:$0x14000] =	vst v63  }
0x3d: {  	_ =	swait.ge [sflag:s19], $0x1000  }
0x3e: {  	[sflag:s19] =	ssyncset.done $0x0  }
0x3f: {  	[sflag:s19] =	ssyncadd.s32 $0xFFFFF000  }
0x40: {  	[spmem:s1] =	stream.indirect.scatter.add.bf16 [tilespmem:s15], [sflag:$0x6], $0x20, s13, s14, $0xb8;
	[tilespmem:$0x14000] =	vst v63  }
0x41: {  	s8 =	simm.s32 $0x180  }
0x42: {  	[tilespmem:s21], [sflag:$0x4] =	stream.indirect.gather [hbm4b:s4+s14], $0x20, s8, s14, $0xb8;
	[tilespmem:$0x14000] =	vst v63  }
0x43: {  	_ =	swait.ge [sflag:s22], $0x1000  }
0x44: {  	[sflag:s22] =	ssyncset.done $0x0  }
0x45: {  	s9 =	simm.s32 $0x5080;
	[sflag:s22] =	ssyncadd.s32 $0xFFFFF000  }
0x46: {  	[spmem:s1] =	stream.indirect.scatter.add.bf16 [tilespmem:s16], [sflag:$0x7], $0x20, s9, s14, $0xb8;
	[tilespmem:$0x14000] =	vst v63  }
0x47: {  	s23 =	simm.s32 $0x200  }
0x48: {  	[tilespmem:s25], [sflag:$0x5] =	stream.indirect.gather [hbm4b:s4+s14], $0x20, s23, s14, $0xb8;
	[tilespmem:$0x14000] =	vst v63  }
0x49: {  	_ =	swait.ge [sflag:s26], $0x1000  }
0x4a: {  	[sflag:s26] =	ssyncset.done $0x0  }
0x4b: {  	s28 =	simm.s32 $0x5100;
	[sflag:s26] =	ssyncadd.s32 $0xFFFFF000  }
0x4c: {  	[spmem:s1] =	stream.indirect.scatter.add.bf16 [tilespmem:s18], [sflag:$0x8], $0x20, s28, s14, $0xb8;
	[tilespmem:$0x14000] =	vst v63  }
0x4d: {  	_ =	swait.ge [sflag:s29], $0x1000  }
0x4e: {  	[sflag:s29] =	ssyncset.done $0x0  }
0x4f: {  	s7 =	simm.s32 $0x280;
	[sflag:s29] =	ssyncadd.s32 $0xFFFFF000  }
0x50: {  	[tilespmem:s15], [sflag:$0x1] =	stream.indirect.gather [hbm4b:s4+s14], $0x20, s7, s14, $0xb8;
	[tilespmem:$0x14000] =	vst v63  }
0x51: {  	_ =	swait.ge [sflag:s31], $0x1000  }
0x52: {  	[sflag:s31] =	ssyncset.done $0x0  }
0x53: {  	s8 =	simm.s32 $0x5180;
	[sflag:s31] =	ssyncadd.s32 $0xFFFFF000  }
0x54: {  	[spmem:s1] =	stream.indirect.scatter.add.bf16 [tilespmem:s21], [sflag:$0x9], $0x20, s8, s14, $0xb8;
	[tilespmem:$0x14000] =	vst v63  }
0x55: {  	_ =	swait.ge [sflag:s2], $0x1000  }
0x56: {  	[sflag:s2] =	ssyncset.done $0x0  }
0x57: {  	s9 =	simm.s32 $0x300;
	[sflag:s2] =	ssyncadd.s32 $0xFFFFF000  }
0x58: {  	[tilespmem:s16], [sflag:$0x2] =	stream.indirect.gather [hbm4b:s4+s14], $0x20, s9, s14, $0xb8;
	[tilespmem:$0x14000] =	vst v63  }
0x59: {  	_ =	swait.ge [sflag:s20], $0x1000  }
0x5a: {  	[sflag:s20] =	ssyncset.done $0x0  }
0x5b: {  	s23 =	simm.s32 $0x5200;
	[sflag:s20] =	ssyncadd.s32 $0xFFFFF000  }
0x5c: {  	[spmem:s1] =	stream.indirect.scatter.add.bf16 [tilespmem:s25], [sflag:$0xA], $0x20, s23, s14, $0xb8;
	[tilespmem:$0x14000] =	vst v63  }
0x5d: {  	_ =	swait.ge [sflag:s24], $0x1000  }
0x5e: {  	[sflag:s24] =	ssyncset.done $0x0  }
0x5f: {  	s28 =	simm.s32 $0x380;
	s23 =	simm.s32 $0x0;
	[sflag:s24] =	ssyncadd.s32 $0xFFFFF000  }
0x60: {  	[tilespmem:s18], [sflag:$0x3] =	stream.indirect.gather [hbm4b:s4+s14], $0x20, s28, s14, $0xb8;
	[tilespmem:$0x14000] =	vst v63  }
.LBB2_2:
0x61: {  	_ =	swait.ge [sflag:s19], $0x1000  }
0x62: {  	s28 =	sshra.s32 s23, $0x2;
	[sflag:s19] =	ssyncset.done $0x0  }
0x63: {  	s5 =	sadd.s32 $0x5280, s28;
	[sflag:s19] =	ssyncadd.s32 $0xFFFFF000  }
0x64: {  	[spmem:s1] =	stream.indirect.scatter.add.bf16 [tilespmem:s15], [sflag:$0x6], $0x20, s5, s14, $0xb8;
	[tilespmem:$0x14000] =	vst v63  }
0x65: {  	_ =	swait.ge [sflag:s30], $0x1000  }
0x66: {  	[sflag:s30] =	ssyncset.done $0x0  }
0x67: {  	s8 =	sadd.s32 $0x400, s28;
	[sflag:s30] =	ssyncadd.s32 $0xFFFFF000  }
0x68: {  	[tilespmem:s21], [sflag:$0x4] =	stream.indirect.gather [hbm4b:s4+s14], $0x20, s8, s14, $0xb8;
	[tilespmem:$0x14000] =	vst v63  }
0x69: {  	_ =	swait.ge [sflag:s22], $0x1000  }
0x6a: {  	[sflag:s22] =	ssyncset.done $0x0  }
0x6b: {  	s9 =	sadd.s32 $0x5300, s28;
	[sflag:s22] =	ssyncadd.s32 $0xFFFFF000  }
0x6c: {  	[spmem:s1] =	stream.indirect.scatter.add.bf16 [tilespmem:s16], [sflag:$0x7], $0x20, s9, s14, $0xb8;
	[tilespmem:$0x14000] =	vst v63  }
0x6d: {  	_ =	swait.ge [sflag:s0], $0x1000  }
0x6e: {  	[sflag:s0] =	ssyncset.done $0x0  }
0x6f: {  	s7 =	sadd.s32 $0x480, s28;
	[sflag:s0] =	ssyncadd.s32 $0xFFFFF000  }
0x70: {  	[tilespmem:s25], [sflag:$0x5] =	stream.indirect.gather [hbm4b:s4+s14], $0x20, s7, s14, $0xb8;
	[tilespmem:$0x14000] =	vst v63  }
0x71: {  	_ =	swait.ge [sflag:s26], $0x1000  }
0x72: {  	p0 =	seq.s32 s23, $0x12C00;
	[sflag:s26] =	ssyncset.done $0x0  }
0x73: {  	s5 =	simm.s32 @p0 $0x4;
	s8 =	sadd.s32 $0x5380, s28;
	[sflag:s26] =	ssyncadd.s32 $0xFFFFF000  }
0x74: {  	[spmem:s1] =	stream.indirect.scatter.add.bf16 [tilespmem:s18], [sflag:$0x8], $0x20, s8, s14, $0xb8;
	[tilespmem:$0x14000] =	vst v63  }
0x75: {  	_ =	swait.ge @p0 [sflag:s5], $0x1000  }
0x76: {  	[sflag:s5] =	ssyncset.done @p0 $0x0  }
0x77: {  	[sflag:s5] =	ssyncadd.s32 @p0 $0xFFFFF000;
	s5 =	sshra.s32 @p0 s23, $0x2  }
0x78: {  	s7 =	simm.s32 @p0 $0x80;
	s8 =	simm.s32 @p0 $0xD000;
	s5 =	sadd.s32 @p0 $0x5400, s5  }
0x79: {  	[spmem:s1] =	stream.indirect.scatter.add.bf16 @p0 [tilespmem:s8], [sflag:$0x9], $0x20, s5, s7, $0xb8;
	[tilespmem:$0x14000] =	vst v63  }
0x7a: {  	s5 =	simm.s32 @!p0 $0x6  }
0x7b: {  	_ =	swait.ge @!p0 [sflag:s5], $0x1000  }
0x7c: {  	[sflag:s5] =	ssyncset.done @!p0 $0x0  }
0x7d: {  	[sflag:s5] =	ssyncadd.s32 @!p0 $0xFFFFF000;
	s5 =	sshra.s32 @!p0 s23, $0x2  }
0x7e: {  	s9 =	simm.s32 @!p0 $0xA000;
	s8 =	simm.s32 @!p0 $0x80;
	s7 =	sadd.s32 @!p0 $0x500, s5  }
0x7f: {  	[tilespmem:s9], [sflag:$0x1] =	stream.indirect.gather @!p0 [hbm4b:s4+s8], $0x20, s7, s8, $0xb8;
	[tilespmem:$0x14000] =	vst v63  }
0x80: {  	s7 =	simm.s32 @!p0 $0x4  }
0x81: {  	_ =	swait.ge @!p0 [sflag:s7], $0x1000  }
0x82: {  	[sflag:s7] =	ssyncset.done @!p0 $0x0  }
0x83: {  	s9 =	simm.s32 @!p0 $0xD000;
	[sflag:s7] =	ssyncadd.s32 @!p0 $0xFFFFF000;
	s7 =	sadd.s32 @!p0 $0x5400, s5  }
0x84: {  	[spmem:s1] =	stream.indirect.scatter.add.bf16 @!p0 [tilespmem:s9], [sflag:$0x9], $0x20, s7, s8, $0xb8;
	[tilespmem:$0x14000] =	vst v63  }
0x85: {  	s7 =	simm.s32 @!p0 $0x7  }
0x86: {  	_ =	swait.ge @!p0 [sflag:s7], $0x1000  }
0x87: {  	[sflag:s7] =	ssyncset.done @!p0 $0x0  }
0x88: {  	s5 =	sadd.s32 @!p0 $0x580, s5;
	[sflag:s7] =	ssyncadd.s32 @!p0 $0xFFFFF000;
	s7 =	simm.s32 @!p0 $0xB000  }
0x89: {  	[tilespmem:s7], [sflag:$0x2] =	stream.indirect.gather @!p0 [hbm4b:s4+s8], $0x20, s5, s8, $0xb8;
	[tilespmem:$0x14000] =	vst v63  }
.Ltmp2:
0x8a: {  	_ = 	snop;
	(pc) =	sbr.rel @p0 .LBB2_4-.Ltmp2, $4  }
0x8b: {  	_ =	swait.ge [sflag:s20], $0x1000  }
0x8c: {  	[sflag:s20] =	ssyncset.done $0x0  }
0x8d: {  	s9 =	sadd.s32 $0x5480, s28;
	[sflag:s20] =	ssyncadd.s32 $0xFFFFF000  }
0x8e: {  	[spmem:s1] =	stream.indirect.scatter.add.bf16 [tilespmem:s25], [sflag:$0xA], $0x20, s9, s14, $0xb8;
	[tilespmem:$0x14000] =	vst v63  }
.Ltmp3:
0x8f: {  	(pc) =	sbr.rel .LBB2_2-.Ltmp3, $4  }
0x90: {  	_ =	swait.ge [sflag:s24], $0x1000  }
0x91: {  	[sflag:s24] =	ssyncset.done $0x0  }
0x92: {  	s5 =	sadd.s32 $0x600, s28;
	s23 =	sadd.s32 $0xA00, s23;
	[sflag:s24] =	ssyncadd.s32 $0xFFFFF000  }
0x93: {  	[tilespmem:s18], [sflag:$0x3] =	stream.indirect.gather [hbm4b:s4+s14], $0x20, s5, s14, $0xb8;
	[tilespmem:$0x14000] =	vst v63  }
.LBB2_5:
0x94: {  	_ =	sfence.sel $0x180000  }
0x95: {  	[bflag:$0x0] =	sbarrier.arrive $0xFFFF  }
0x96: {  	_ =	strace $0x9000004A  }
0x97: {  	s0 =	stileid.u32;
	[bflag:$0x2] =	sbarrier.arrive $0xFFFF  }
0x98: {  	p0 =	sne.s32 s0, $0x0;
	s0 =	rddreg [dreg:$0x3]  }
0x99: {  	s0 =	sadd.s32 @!p0 $0x100000, s0  }
0x9a: {  	[sflag:s0] =	ssyncadd.tile.s32 @!p0 $0x1;
	_ =	shalt  }
.Lfunc_end2:
_tile_overlayer_lowered:
.L_overlay_start_2:
0x9b: {  	(tag) =	ssettag $0x2  }
0x9c: {  	s0 =	rddreg [dreg:$0x0];
	s2 =	stileid.u32  }
0x9d: {  	s1 =	rddreg [dreg:$0x1];
	p0 =	sne.s32 s2, $0x0  }
0x9e: {  	s3 =	rddreg [dreg:$0x2];
	[bflag:$0x3] =	sbarrier.arrive $0xFFFF;
	s2 =	simm.s32 @!p0 $0x1C0B  }
0x9f: {  	[timem:s3], [sflag:s2] =	dma.local @!p0 [hbm:s0], s1  }
0xa0: {  	s0 =	simm.s32 @!p0 $0xB  }
0xa1: {  	_ =	swait.ge @!p0 [sflag:s0], s1  }
0xa2: {  	s1 =	ssub.s32 @!p0 $0x0, s1;
	[sflag:s0] =	ssyncset.done @!p0 $0x0  }
0xa3: {  	[sflag:s0] =	ssyncadd.s32 @!p0 s1  }
0xa4: {  	[bflag:$0x3] =	sbarrier.arrive $0xFFFF  }
0xa5: {  	_ =	shalt  }

// kernel: kernel.14.cloned.1.call-start
scs
__scs_entry_jumppad:
0x0: {  	(pc) =	sbr.rel $0x88, $3  }
0x1: {  	(tag) =	ssettag $0x0;
	lr =	simm.s32 $0x1  }
0x2: {  	[smem:$0x3F9B] =	sst lr;
	_ =	strace $0xD0000000  }
0x3: {  	_ = 	snop  }
0x4: {  	_ = 	snop  }
0x5: {  	_ = 	snop  }
0x6: {  	_ = 	snop  }
0x7: {  	_ = 	snop  }
__scs_overlays_trampoline_lowered:
0x8: {  	[smem:$0x3FAA] =	sst s0  }
0x9: {  	[smem:$0x3FAB] =	sst s1  }
0xa: {  	[smem:$0x3FAC] =	sst s2  }
0xb: {  	[smem:$0x3FAD] =	sst s3  }
0xc: {  	[smem:$0x3FAE] =	sst s4  }
0xd: {  	[smem:$0x3FAF] =	sst s5  }
0xe: {  	[smem:$0x3FB0] =	sst s6  }
0xf: {  	[smem:$0x3FB1] =	sst s7  }
0x10: {  	[smem:$0x3FB2] =	sst s8  }
0x11: {  	[smem:$0x3FB3] =	sst s9;
	s0 =	simm.s32 @!p0 $0x0  }
0x12: {  	s1 =	sld [smem:$0x3F99];
	s0 =	simm.s32 @p0 $0x1  }
0x13: {  	[smem:$0x3FB4] =	sst s0;
	s0 =	simm.s32 @!p1 $0x0  }
0x14: {  	s2 =	sld [smem:$0x3F98];
	s0 =	simm.s32 @p1 $0x1  }
0x15: {  	[smem:$0x3FB5] =	sst s0;
	s0 =	simm.s32 @!p2 $0x0  }
0x16: {  	s3 =	sld [smem:$0x3FDB];
	s0 =	simm.s32 @p2 $0x1  }
0x17: {  	s4 =	simm.s32 $0x1BF5;
	[smem:$0x3FB7] =	sst s0  }
0x18: {  	s0 =	sld [smem:$0x3F9A];
	_ =	swait.ge [sflag:s4], $0x0  }
0x19: {  	s7 =	sld [smem:$0x3F9B]  }
0x1a: {  	s8 =	sadd.s32 $0xFFFFE003, lr  }
0x1b: {  	s9 =	sadd.s32 $0xFFFFFEF7, lr;
	s5 =	simm.s32 $0xFFFFFFFF;
	p2 =	slt.u32 s8, $0xFFFFF086  }
0x1c: {  	p1 =	slt.u32 s9, $0xF7A;
	s5 =	simm.s32 @!p2 $0x0  }
0x1d: {  	s5 =	simm.s32 @p1 $0x1;
	p0 =	seq.s32 s7, s2  }
0x1e: {  	s7 =	smul.u32 @!p0 $0xF7A, s2;
	p2 =	seq.s32 @!p0 s5, $0x0  }
0x1f: {  	s9 =	smul.u32 $0xF7A, s1;
	s8 =	simm.s32 @!p0 $0x1BF5;
	p2 =	por !p2, p0  }
0x20: {  	[sflag:s8] =	ssyncset.s32 @!p0 $0xFFFFF086;
	s6 =	sadd.s32 @!p0 s3, s7;
	s7 =	simm.s32 @!p0 $0x108  }
0x21: {  	s3 =	sadd.s32 s3, s9;
	s6 =	sadd.s32 @!p0 $0x88, s6;
	s7 =	simm.s32 @p2 $0x1082  }
0x22: {  	[simem:s7], [sflag:s8] =	dma.local @!p0 [hbm:s6], $0xF7A  }
0x23: {  	s9 =	sor.u32 $0xD0000000, s2;
	s6 =	simm.s32 $0x108;
	_ =	swait.ge @!p0 [sflag:s8], $0x0  }
0x24: {  	s3 =	sadd.s32 $0x88, s3;
	s6 =	simm.s32 @!p1 $0x1082;
	[sflag:s4] =	ssyncset.s32 $0xFFFFF086  }
0x25: {  	[simem:s6], [sflag:s4] =	dma.local [hbm:s3], $0xF7A  }
0x26: {  	[smem:$0x3F9B] =	sst s1;
	(tag) =	ssettag s2;
	_ =	strace s9  }
0x27: {  	s1 =	sld [smem:$0x3FAB]  }
0x28: {  	s2 =	sld [smem:$0x3FAC]  }
0x29: {  	s4 =	sld [smem:$0x3FAE]  }
0x2a: {  	p0 =	seq.s32 s5, $0x0;
	s5 =	sld [smem:$0x3FAF]  }
0x2b: {  	s6 =	sld [smem:$0x3FB0]  }
0x2c: {  	s7 =	sld [smem:$0x3FB1]  }
0x2d: {  	s3 =	simm.s32 $0x108;
	s8 =	sld [smem:$0x3FB2]  }
0x2e: {  	s3 =	simm.s32 @!p0 $0x1082;
	s9 =	sld [smem:$0x3FB3]  }
0x2f: {  	lr =	sadd.s32 s0, s3;
	s0 =	sld [smem:$0x3FAA]  }
0x30: {  	s3 =	sld [smem:$0x3FAD]  }
0x31: {  	[smem:$0x3FB6] =	sst s10  }
0x32: {  	s10 =	sld [smem:$0x3FB4];
	_ =	sdelay $0x3  }
0x33: {  	p0 =	seq.s32 s10, $0x1;
	s10 =	sld [smem:$0x3FB6];
	_ =	sdelay $0x3  }
0x34: {  	[smem:$0x3FB6] =	sst s10  }
0x35: {  	s10 =	sld [smem:$0x3FB5];
	_ =	sdelay $0x3  }
0x36: {  	p1 =	seq.s32 s10, $0x1;
	s10 =	sld [smem:$0x3FB6];
	_ =	sdelay $0x3  }
0x37: {  	[smem:$0x3FB6] =	sst s10  }
0x38: {  	s10 =	sld [smem:$0x3FB7]  }
0x39: {  	_ = 	snop;
	(pc) =	sbr.ind lr, $3  }
0x3a: {  	_ = 	snop  }
0x3b: {  	_ = 	snop  }
0x3c: {  	p2 =	seq.s32 s10, $0x1;
	s10 =	sld [smem:$0x3FB6]  }
0x3d: {  	_ =	shalt  }
0x3e: {  	_ =	shalt  }
0x3f: {  	_ =	shalt  }
0x40: {  	_ =	shalt  }
0x41: {  	_ =	shalt  }
0x42: {  	_ =	shalt  }
0x43: {  	_ =	shalt  }
0x44: {  	_ =	shalt  }
0x45: {  	_ =	shalt  }
0x46: {  	_ =	shalt  }
0x47: {  	_ =	shalt  }
0x48: {  	_ =	shalt  }
0x49: {  	_ =	shalt  }
0x4a: {  	_ =	shalt  }
0x4b: {  	_ =	shalt  }
0x4c: {  	_ =	shalt  }
0x4d: {  	_ =	shalt  }
0x4e: {  	_ =	shalt  }
0x4f: {  	_ =	shalt  }
0x50: {  	_ =	shalt  }
0x51: {  	_ =	shalt  }
0x52: {  	_ =	shalt  }
0x53: {  	_ =	shalt  }
0x54: {  	_ =	shalt  }
0x55: {  	_ =	shalt  }
0x56: {  	_ =	shalt  }
0x57: {  	_ =	shalt  }
0x58: {  	_ =	shalt  }
0x59: {  	_ =	shalt  }
0x5a: {  	_ =	shalt  }
0x5b: {  	_ =	shalt  }
0x5c: {  	_ =	shalt  }
0x5d: {  	_ =	shalt  }
0x5e: {  	_ =	shalt  }
0x5f: {  	_ =	shalt  }
0x60: {  	_ =	shalt  }
0x61: {  	_ =	shalt  }
0x62: {  	_ =	shalt  }
0x63: {  	_ =	shalt  }
0x64: {  	_ =	shalt  }
0x65: {  	_ =	shalt  }
0x66: {  	_ =	shalt  }
0x67: {  	_ =	shalt  }
0x68: {  	_ =	shalt  }
0x69: {  	_ =	shalt  }
0x6a: {  	_ =	shalt  }
0x6b: {  	_ =	shalt  }
0x6c: {  	_ =	shalt  }
0x6d: {  	_ =	shalt  }
0x6e: {  	_ =	shalt  }
0x6f: {  	_ =	shalt  }
0x70: {  	_ =	shalt  }
0x71: {  	_ =	shalt  }
0x72: {  	_ =	shalt  }
0x73: {  	_ =	shalt  }
0x74: {  	_ =	shalt  }
0x75: {  	_ =	shalt  }
0x76: {  	_ =	shalt  }
0x77: {  	_ =	shalt  }
0x78: {  	_ =	shalt  }
0x79: {  	_ =	shalt  }
0x7a: {  	_ =	shalt  }
0x7b: {  	_ =	shalt  }
0x7c: {  	_ =	shalt  }
0x7d: {  	_ =	shalt  }
0x7e: {  	_ =	shalt  }
0x7f: {  	_ =	shalt  }
0x80: {  	_ =	shalt  }
0x81: {  	_ =	shalt  }
0x82: {  	_ =	shalt  }
0x83: {  	_ =	shalt  }
0x84: {  	_ =	shalt  }
0x85: {  	_ =	shalt  }
0x86: {  	_ =	shalt  }
0x87: {  	_ =	shalt  }
.Lfunc_end0:
.L_simem_size_0:
called_computation.2_lowered:
.L_overlay_start_0:
0x88: {  	s2 =	sld [smem:$0x3FD9]  }
0x89: {  	s3 =	sld [smem:$0x3FFE];
	_ =	sdelay $0x1  }
0x8a: {  	s1 =	srdreg.scid  }
0x8b: {  	s0 =	sand.u32 $0x1, s1  }
0x8c: {  	s17 =	sshll.u32 s0, $0xA;
	s2 =	sadd.s32 s3, s2  }
0x8d: {  	s2 =	sadd.s32 s2, s17  }
0x8e: {  	[smem:$0x3FC2] =	sst s2  }
0x8f: {  	_ = 	snop  }
0x90: {  	s2 =	sld [smem:$0x3FD0];
	(tm) =	ssettm $0x1  }
0x91: {  	s18 =	sld [smem:$0x3FFB];
	_ =	sdelay $0x3  }
0x92: {  	_ =	strace s18  }
0x93: {  	s3 =	sld [smem:$0x3FFC];
	_ =	sdelay $0x3  }
0x94: {  	_ =	strace s3  }
0x95: {  	s3 =	sld [smem:$0x3FFD];
	_ =	sdelay $0x3  }
0x96: {  	_ =	strace s3  }
0x97: {  	_ =	strace $0x8FFFFFFF  }
0x98: {  	s19 =	sld [smem:$0x3FDB];
	_ =	sdelay $0x1  }
0x99: {  	s4 =	simm.s32 $_scs_section_size  }
0x9a: {  	s5 =	simm.s32 $_size__tile_overlayer_lowered;
	s6 =	simm.s32 $_tile_overlayer_lowered  }
0x9b: {  	s22 =	simm.s32 $0x1BFF;
	s21 =	sshll.u32 s6, $0x1;
	s3 =	sadd.s32 s4, s19  }
0x9c: {  	s7 =	simm.s32 $0x0;
	s20 =	sshll.u32 s5, $0x1;
	s5 =	sadd.s32 s21, s3  }
0x9d: {  	[timem:s7], [sflag:s22] =	dma.local [hbm:s5], s20  }
0x9e: {  	_ =	swait.ge [sflag:s22], s20  }
0x9f: {  	s4 =	ssub.s32 $0x0, s20;
	[sflag:s22] =	ssyncset.done $0x0  }
0xa0: {  	[sflag:s22] =	ssyncadd.s32 s4;
	_ =	sdelay $0x1  }
0xa1: {  	s23 =	simm.s32 $0x1B8B  }
0xa2: {  	_ =	swait.ge [sflag:s23], $0x1  }
0xa3: {  	[sflag:s23] =	ssyncset.done $0x0  }
0xa4: {  	s25 =	simm.s32 $0x1B8E;
	s24 =	sld [smem:$0x3FFE];
	[sflag:s23] =	ssyncadd.s32 $0xFFFFFFFF  }
0xa5: {  	s26 =	simm.s32 $execute0_lowered;
	[smem:$0x3FD2] =	sst s25  }
0xa6: {  	s5 =	sshll.u32 s26, $0x1;
	_ =	strace $0x8000004C;
	[dreg:$0x1] =	wrdreg $0xFFFFFFFF  }
0xa7: {  	s28 =	simm.s32 $_size_execute0_lowered;
	s3 =	sadd.s32 s3, s5;
	[dreg:$0x0] =	wrdreg $0x0  }
0xa8: {  	s5 =	sshll.u32 s28, $0x1;
	[dreg:$0x2] =	wrdreg s3  }
0xa9: {  	[dreg:$0x3] =	wrdreg s5  }
0xaa: {  	[dreg:$0x4] =	wrdreg $0xC0  }
0xab: {  	_ =	task [dreg:s7], $0x5FFFF  }
0xac: {  	[dreg:$0x1] =	wrdreg $0xFFFFFFFF  }
0xad: {  	[dreg:$0x0] =	wrdreg $0x60  }
0xae: {  	[dreg:$0x2] =	wrdreg s24  }
0xaf: {  	[dreg:$0x3] =	wrdreg s2  }
0xb0: {  	[dreg:$0x4] =	wrdreg $0xC8000  }
0xb1: {  	[dreg:$0x5] =	wrdreg $0x9  }
0xb2: {  	_ =	task.clear_ibuf [dreg:s7], $0x6FFFF;
	_ =	strace $0x9000004C  }
0xb3: {  	s29 =	simm.s32 $0x9;
	_ =	strace $0x8000004E  }
0xb4: {  	_ =	swait.ge [sflag:s29], $0x1  }
0xb5: {  	[sflag:s29] =	ssyncadd.s32 $0xFFFFFFFF  }
0xb6: {  	_ =	strace $0x9000004E  }
0xb7: {  	_ =	sfence  }
0xb8: {  	s30 =	sld [smem:$0x0];
	_ =	sdelay $0x2  }
0xb9: {  	s31 =	sshll.u32 s1, $0xD;
	s1 =	sshrl.u32 s1, $0x2  }
0xba: {  	s3 =	sand.u32 $0x4000, s31;
	s1 =	sadd.s32 s1, s30  }
0xbb: {  	s0 =	sor.u32 s3, s0;
	s1 =	sshll.u32 s1, $0x11  }
0xbc: {  	s0 =	sor.u32 s1, s0  }
0xbd: {  	s0 =	sadd.s32 $0x8F2B, s0  }
0xbe: {  	[sflag:s0] =	ssyncadd.remote.s32 $0x1  }
0xbf: {  	_ =	sfence.sel $0xFFFF  }
0xc0: {  	[dreg:$0x0] =	wrdreg $0xFFFFFFFF;
	(pc) =	sbr.abs _section_cstart, $3  }
0xc1: {  	[dreg:$0x1] =	wrdreg $0xFFFFFFFF  }
0xc2: {  	_ =	task.clear_ibuf [dreg:s7], $0x2FFFF;
	_ =	strace $0x9FFFFFFF  }
0xc3: {  	(tm) =	ssettm $0x7FFFFFFF  }
tec
execute0_lowered:
.L_overlay_start_1:
0x0: {  	(tag) =	ssettag $0x1  }
0x1: {  	s0 =	rddreg [dreg:$0x0]  }
0x2: {  	s1 =	rddreg [dreg:$0x1];
	s3 =	srdreg.scid  }
0x3: {  	s2 =	rddreg [dreg:$0x2];
	s13 =	stileid.u32  }
0x4: {  	s14 =	simm.s32 $0x80;
	s15 =	simm.s32 $0xA000;
	s16 =	simm.s32 $0xA800  }
0x5: {  	s18 =	simm.s32 $0xB000;
	s19 =	simm.s32 $0x1;
	s21 =	simm.s32 $0xB800  }
0x6: {  	s22 =	simm.s32 $0x2;
	s29 =	simm.s32 $0x6;
	s31 =	simm.s32 $0x4  }
0x7: {  	s20 =	simm.s32 $0x5;
	s30 =	simm.s32 $0x9;
	s8 =	smul.u32 $0xA00, s13  }
0x8: {  	s17 =	simm.s32 $0x0;
	s4 =	sand.u32 $0x1, s3;
	s6 =	smul.u32 $0x500, s13  }
0x9: {  	s3 =	simm.s32 $0x0;
	s7 =	smul.u32 $0x5000, s13;
	s26 =	sshll.u32 s13, $0x6  }
0xa: {  	s13 =	simm.s32 $0x5000;
	s5 =	smul.u32 $0x5000, s4;
	[smem:$0x7FF] =	sst s3  }
0xb: {  	s4 =	ssub.s32 $0x2, s4;
	_ =	strace $0x8000004D;
	s10 =	sadd.s32 s8, s0  }
0xc: {  	s24 =	sshrl.u32 s4, $0x1;
	s11 =	sshrl.u32 s7, $0x1;
	s25 =	sshrl.u32 s7, $0x4  }
0xd: {  	s1 =	sadd.s32 s1, s8;
	s9 =	sadd.s32 s5, s0;
	s5 =	sadd.s32 s6, s5  }
0xe: {  	s12 =	ssub.s32 s4, s24;
	s11 =	sadd.s32 s11, s2;
	s6 =	sor.u32 $0x1C0B, s26  }
0xf: {  	s28 =	sadd.s32 $0x6800, s10;
	[dreg:$0x6] =	wrdreg s1;
	s26 =	simm.s32 $0x3  }
.Ltmp0:
0x10: {  	s1 =	simm.s32 $0x7;
	s24 =	simm.s32 $0x8;
	(pc) =	sbr.rel .LBB2_1-.Ltmp0, $4  }
0x11: {  	s0 =	sadd.s32 s5, s0;
	s4 =	sadd.s32 $0x10800, s9;
	[dreg:$0x5] =	wrdreg s28  }
0x12: {  	s10 =	smax.u32 s12, $0x1;
	s11 =	sshrl.u32 s11, $0x3;
	s5 =	sadd.s32 s25, s4  }
0x13: {  	s12 =	simm.s32 $0xB;
	s0 =	sadd.s32 $0x1A800, s0;
	[dreg:$0x4] =	wrdreg s5  }
0x14: {  	s25 =	simm.s32 $0xC000;
	[dreg:$0x7] =	wrdreg s0;
	s0 =	simm.s32 $0xA  }
.LBB2_4:
0x15: {  	_ =	swait.ge [sflag:s29], $0x800  }
0x16: {  	[sflag:s29] =	ssyncset.done $0x0  }
0x17: {  	[sflag:s29] =	ssyncadd.s32 $0xFFFFF800  }
0x18: {  	_ =	swait.ge [sflag:s1], $0x800  }
0x19: {  	[sflag:s1] =	ssyncset.done $0x0  }
0x1a: {  	[sflag:s1] =	ssyncadd.s32 $0xFFFFF800  }
0x1b: {  	_ =	swait.ge [sflag:s24], $0x800  }
0x1c: {  	[sflag:s24] =	ssyncset.done $0x0  }
0x1d: {  	[sflag:s24] =	ssyncadd.s32 $0xFFFFF800  }
0x1e: {  	_ =	swait.ge [sflag:s30], $0x800  }
0x1f: {  	[sflag:s30] =	ssyncset.done $0x0  }
0x20: {  	[sflag:s30] =	ssyncadd.s32 $0xFFFFF800  }
0x21: {  	_ =	swait.ge [sflag:s0], $0x800  }
0x22: {  	[sflag:s0] =	ssyncset.done $0x0  }
0x23: {  	s17 =	sadd.s32 $0x1, s17;
	[sflag:s0] =	ssyncadd.s32 $0xFFFFF800  }
0x24: {  	p0 =	sne.s32 s17, s10;
	[bflag:$0x0] =	sbarrier.arrive $0xFFFF  }
.Ltmp1:
0x25: {  	s5 =	rddreg [dreg:$0x7];
	(pc) =	sbr.rel @!p0 .LBB2_5-.Ltmp1, $4  }
0x26: {  	[hbm:s5], [sflag:s6] =	dma.local [spmem:s11], $0x500  }
0x27: {  	_ =	swait.ge [sflag:s12], $0x500  }
0x28: {  	[sflag:s12] =	ssyncset.done $0x0  }
0x29: {  	[sflag:s12] =	ssyncadd.s32 $0xFFFFFB00  }
.LBB2_1:
0x2a: {  	s5 =	rddreg [dreg:$0x4]  }
0x2b: {  	[spmem:s11], [sflag:s6] =	dma.local [hbm:s5], $0x500  }
0x2c: {  	_ =	swait.ge [sflag:s12], $0x500  }
0x2d: {  	[sflag:s12] =	ssyncset.done $0x0  }
0x2e: {  	s23 =	rddreg [dreg:$0x5];
	[sflag:s12] =	ssyncadd.s32 $0xFFFFFB00  }
0x2f: {  	[tilespmem:s3], [sflag:$0xB] =	stream.linear.gather [hbm4b:s23+s3], $0x5000, $0x38;
	[tilespmem:$0xF000] =	vst v63  }
0x30: {  	_ =	swait.ge [sflag:s12], $0x5000  }
0x31: {  	[sflag:s12] =	ssyncset.done $0x0  }
0x32: {  	s28 =	rddreg [dreg:$0x6];
	[sflag:s12] =	ssyncadd.s32 $0xFFFFB000  }
0x33: {  	[tilespmem:s13], [sflag:$0xB] =	stream.linear.gather [hbm4b:s28+s3], $0x5000, $0x38;
	[tilespmem:$0xF000] =	vst v63  }
0x34: {  	_ =	swait.ge [sflag:s12], $0x5000  }
0x35: {  	[sflag:s12] =	ssyncset.done $0x0  }
0x36: {  	[sflag:s12] =	ssyncadd.s32 $0xFFFFB000  }
0x37: {  	[bflag:$0x0] =	sbarrier.arrive $0xFFFF  }
0x38: {  	[tilespmem:s15], [sflag:$0x1] =	stream.indirect.gather [hbm4b:s4+s14], $0x10, s3, s14, $0xb8;
	[tilespmem:$0xF000] =	vst v63  }
0x39: {  	_ = 	snop  }
0x3a: {  	[tilespmem:s16], [sflag:$0x2] =	stream.indirect.gather [hbm4b:s4+s14], $0x10, s14, s14, $0xb8;
	[tilespmem:$0xF000] =	vst v63  }
0x3b: {  	s7 =	simm.s32 $0x100  }
0x3c: {  	[tilespmem:s18], [sflag:$0x3] =	stream.indirect.gather [hbm4b:s4+s14], $0x10, s7, s14, $0xb8;
	[tilespmem:$0xF000] =	vst v63  }
0x3d: {  	_ =	swait.ge [sflag:s19], $0x800  }
0x3e: {  	[sflag:s19] =	ssyncset.done $0x0  }
0x3f: {  	[sflag:s19] =	ssyncadd.s32 $0xFFFFF800  }
0x40: {  	[spmem:s2] =	stream.indirect.scatter.add.bf16 [tilespmem:s15], [sflag:$0x6], $0x10, s13, s14, $0xb8;
	[tilespmem:$0xF000] =	vst v63  }
0x41: {  	s8 =	simm.s32 $0x180  }
0x42: {  	[tilespmem:s21], [sflag:$0x4] =	stream.indirect.gather [hbm4b:s4+s14], $0x10, s8, s14, $0xb8;
	[tilespmem:$0xF000] =	vst v63  }
0x43: {  	_ =	swait.ge [sflag:s22], $0x800  }
0x44: {  	[sflag:s22] =	ssyncset.done $0x0  }
0x45: {  	s9 =	simm.s32 $0x5080;
	[sflag:s22] =	ssyncadd.s32 $0xFFFFF800  }
0x46: {  	[spmem:s2] =	stream.indirect.scatter.add.bf16 [tilespmem:s16], [sflag:$0x7], $0x10, s9, s14, $0xb8;
	[tilespmem:$0xF000] =	vst v63  }
0x47: {  	s23 =	simm.s32 $0x200  }
0x48: {  	[tilespmem:s25], [sflag:$0x5] =	stream.indirect.gather [hbm4b:s4+s14], $0x10, s23, s14, $0xb8;
	[tilespmem:$0xF000] =	vst v63  }
0x49: {  	_ =	swait.ge [sflag:s26], $0x800  }
0x4a: {  	[sflag:s26] =	ssyncset.done $0x0  }
0x4b: {  	s28 =	simm.s32 $0x5100;
	[sflag:s26] =	ssyncadd.s32 $0xFFFFF800  }
0x4c: {  	[spmem:s2] =	stream.indirect.scatter.add.bf16 [tilespmem:s18], [sflag:$0x8], $0x10, s28, s14, $0xb8;
	[tilespmem:$0xF000] =	vst v63  }
0x4d: {  	_ =	swait.ge [sflag:s29], $0x800  }
0x4e: {  	[sflag:s29] =	ssyncset.done $0x0  }
0x4f: {  	s7 =	simm.s32 $0x280;
	[sflag:s29] =	ssyncadd.s32 $0xFFFFF800  }
0x50: {  	[tilespmem:s15], [sflag:$0x1] =	stream.indirect.gather [hbm4b:s4+s14], $0x10, s7, s14, $0xb8;
	[tilespmem:$0xF000] =	vst v63  }
0x51: {  	_ =	swait.ge [sflag:s31], $0x800  }
0x52: {  	[sflag:s31] =	ssyncset.done $0x0  }
0x53: {  	s8 =	simm.s32 $0x5180;
	[sflag:s31] =	ssyncadd.s32 $0xFFFFF800  }
0x54: {  	[spmem:s2] =	stream.indirect.scatter.add.bf16 [tilespmem:s21], [sflag:$0x9], $0x10, s8, s14, $0xb8;
	[tilespmem:$0xF000] =	vst v63  }
0x55: {  	_ =	swait.ge [sflag:s1], $0x800  }
0x56: {  	[sflag:s1] =	ssyncset.done $0x0  }
0x57: {  	s9 =	simm.s32 $0x300;
	[sflag:s1] =	ssyncadd.s32 $0xFFFFF800  }
0x58: {  	[tilespmem:s16], [sflag:$0x2] =	stream.indirect.gather [hbm4b:s4+s14], $0x10, s9, s14, $0xb8;
	[tilespmem:$0xF000] =	vst v63  }
0x59: {  	_ =	swait.ge [sflag:s20], $0x800  }
0x5a: {  	[sflag:s20] =	ssyncset.done $0x0  }
0x5b: {  	s23 =	simm.s32 $0x5200;
	[sflag:s20] =	ssyncadd.s32 $0xFFFFF800  }
0x5c: {  	[spmem:s2] =	stream.indirect.scatter.add.bf16 [tilespmem:s25], [sflag:$0xA], $0x10, s23, s14, $0xb8;
	[tilespmem:$0xF000] =	vst v63  }
0x5d: {  	_ =	swait.ge [sflag:s24], $0x800  }
0x5e: {  	[sflag:s24] =	ssyncset.done $0x0  }
0x5f: {  	s28 =	simm.s32 $0x380;
	s23 =	simm.s32 $0x0;
	[sflag:s24] =	ssyncadd.s32 $0xFFFFF800  }
0x60: {  	[tilespmem:s18], [sflag:$0x3] =	stream.indirect.gather [hbm4b:s4+s14], $0x10, s28, s14, $0xb8;
	[tilespmem:$0xF000] =	vst v63  }
.LBB2_2:
0x61: {  	_ =	swait.ge [sflag:s19], $0x800  }
0x62: {  	s28 =	sshra.s32 s23, $0x2;
	[sflag:s19] =	ssyncset.done $0x0  }
0x63: {  	s5 =	sadd.s32 $0x5280, s28;
	[sflag:s19] =	ssyncadd.s32 $0xFFFFF800  }
0x64: {  	[spmem:s2] =	stream.indirect.scatter.add.bf16 [tilespmem:s15], [sflag:$0x6], $0x10, s5, s14, $0xb8;
	[tilespmem:$0xF000] =	vst v63  }
0x65: {  	_ =	swait.ge [sflag:s30], $0x800  }
0x66: {  	[sflag:s30] =	ssyncset.done $0x0  }
0x67: {  	s8 =	sadd.s32 $0x400, s28;
	[sflag:s30] =	ssyncadd.s32 $0xFFFFF800  }
0x68: {  	[tilespmem:s21], [sflag:$0x4] =	stream.indirect.gather [hbm4b:s4+s14], $0x10, s8, s14, $0xb8;
	[tilespmem:$0xF000] =	vst v63  }
0x69: {  	_ =	swait.ge [sflag:s22], $0x800  }
0x6a: {  	[sflag:s22] =	ssyncset.done $0x0  }
0x6b: {  	s9 =	sadd.s32 $0x5300, s28;
	[sflag:s22] =	ssyncadd.s32 $0xFFFFF800  }
0x6c: {  	[spmem:s2] =	stream.indirect.scatter.add.bf16 [tilespmem:s16], [sflag:$0x7], $0x10, s9, s14, $0xb8;
	[tilespmem:$0xF000] =	vst v63  }
0x6d: {  	_ =	swait.ge [sflag:s0], $0x800  }
0x6e: {  	[sflag:s0] =	ssyncset.done $0x0  }
0x6f: {  	s7 =	sadd.s32 $0x480, s28;
	[sflag:s0] =	ssyncadd.s32 $0xFFFFF800  }
0x70: {  	[tilespmem:s25], [sflag:$0x5] =	stream.indirect.gather [hbm4b:s4+s14], $0x10, s7, s14, $0xb8;
	[tilespmem:$0xF000] =	vst v63  }
0x71: {  	_ =	swait.ge [sflag:s26], $0x800  }
0x72: {  	p0 =	seq.s32 s23, $0x12C00;
	[sflag:s26] =	ssyncset.done $0x0  }
0x73: {  	s5 =	simm.s32 @p0 $0x4;
	s8 =	sadd.s32 $0x5380, s28;
	[sflag:s26] =	ssyncadd.s32 $0xFFFFF800  }
0x74: {  	[spmem:s2] =	stream.indirect.scatter.add.bf16 [tilespmem:s18], [sflag:$0x8], $0x10, s8, s14, $0xb8;
	[tilespmem:$0xF000] =	vst v63  }
0x75: {  	_ =	swait.ge @p0 [sflag:s5], $0x800  }
0x76: {  	[sflag:s5] =	ssyncset.done @p0 $0x0  }
0x77: {  	[sflag:s5] =	ssyncadd.s32 @p0 $0xFFFFF800;
	s5 =	sshra.s32 @p0 s23, $0x2  }
0x78: {  	s7 =	simm.s32 @p0 $0x80;
	s8 =	simm.s32 @p0 $0xB800;
	s5 =	sadd.s32 @p0 $0x5400, s5  }
0x79: {  	[spmem:s2] =	stream.indirect.scatter.add.bf16 @p0 [tilespmem:s8], [sflag:$0x9], $0x10, s5, s7, $0xb8;
	[tilespmem:$0xF000] =	vst v63  }
0x7a: {  	s5 =	simm.s32 @!p0 $0x6  }
0x7b: {  	_ =	swait.ge @!p0 [sflag:s5], $0x800  }
0x7c: {  	[sflag:s5] =	ssyncset.done @!p0 $0x0  }
0x7d: {  	[sflag:s5] =	ssyncadd.s32 @!p0 $0xFFFFF800;
	s5 =	sshra.s32 @!p0 s23, $0x2  }
0x7e: {  	s9 =	simm.s32 @!p0 $0xA000;
	s8 =	simm.s32 @!p0 $0x80;
	s7 =	sadd.s32 @!p0 $0x500, s5  }
0x7f: {  	[tilespmem:s9], [sflag:$0x1] =	stream.indirect.gather @!p0 [hbm4b:s4+s8], $0x10, s7, s8, $0xb8;
	[tilespmem:$0xF000] =	vst v63  }
0x80: {  	s7 =	simm.s32 @!p0 $0x4  }
0x81: {  	_ =	swait.ge @!p0 [sflag:s7], $0x800  }
0x82: {  	[sflag:s7] =	ssyncset.done @!p0 $0x0  }
0x83: {  	s9 =	simm.s32 @!p0 $0xB800;
	[sflag:s7] =	ssyncadd.s32 @!p0 $0xFFFFF800;
	s7 =	sadd.s32 @!p0 $0x5400, s5  }
0x84: {  	[spmem:s2] =	stream.indirect.scatter.add.bf16 @!p0 [tilespmem:s9], [sflag:$0x9], $0x10, s7, s8, $0xb8;
	[tilespmem:$0xF000] =	vst v63  }
0x85: {  	s7 =	simm.s32 @!p0 $0x7  }
0x86: {  	_ =	swait.ge @!p0 [sflag:s7], $0x800  }
0x87: {  	[sflag:s7] =	ssyncset.done @!p0 $0x0  }
0x88: {  	s5 =	sadd.s32 @!p0 $0x580, s5;
	[sflag:s7] =	ssyncadd.s32 @!p0 $0xFFFFF800;
	s7 =	simm.s32 @!p0 $0xA800  }
0x89: {  	[tilespmem:s7], [sflag:$0x2] =	stream.indirect.gather @!p0 [hbm4b:s4+s8], $0x10, s5, s8, $0xb8;
	[tilespmem:$0xF000] =	vst v63  }
.Ltmp2:
0x8a: {  	_ = 	snop;
	(pc) =	sbr.rel @p0 .LBB2_4-.Ltmp2, $4  }
0x8b: {  	_ =	swait.ge [sflag:s20], $0x800  }
0x8c: {  	[sflag:s20] =	ssyncset.done $0x0  }
0x8d: {  	s9 =	sadd.s32 $0x5480, s28;
	[sflag:s20] =	ssyncadd.s32 $0xFFFFF800  }
0x8e: {  	[spmem:s2] =	stream.indirect.scatter.add.bf16 [tilespmem:s25], [sflag:$0xA], $0x10, s9, s14, $0xb8;
	[tilespmem:$0xF000] =	vst v63  }
.Ltmp3:
0x8f: {  	(pc) =	sbr.rel .LBB2_2-.Ltmp3, $4  }
0x90: {  	_ =	swait.ge [sflag:s24], $0x800  }
0x91: {  	[sflag:s24] =	ssyncset.done $0x0  }
0x92: {  	s5 =	sadd.s32 $0x600, s28;
	s23 =	sadd.s32 $0xA00, s23;
	[sflag:s24] =	ssyncadd.s32 $0xFFFFF800  }
0x93: {  	[tilespmem:s18], [sflag:$0x3] =	stream.indirect.gather [hbm4b:s4+s14], $0x10, s5, s14, $0xb8;
	[tilespmem:$0xF000] =	vst v63  }
.LBB2_5:
0x94: {  	_ =	sfence.sel $0x180000  }
0x95: {  	[bflag:$0x0] =	sbarrier.arrive $0xFFFF  }
0x96: {  	_ =	strace $0x9000004D  }
0x97: {  	s0 =	stileid.u32;
	[bflag:$0x2] =	sbarrier.arrive $0xFFFF  }
0x98: {  	p0 =	sne.s32 s0, $0x0;
	s0 =	rddreg [dreg:$0x3]  }
0x99: {  	s0 =	sadd.s32 @!p0 $0x100000, s0  }
0x9a: {  	[sflag:s0] =	ssyncadd.tile.s32 @!p0 $0x1;
	_ =	shalt  }
.Lfunc_end2:
_tile_overlayer_lowered:
.L_overlay_start_2:
0x9b: {  	(tag) =	ssettag $0x2  }
0x9c: {  	s0 =	rddreg [dreg:$0x0];
	s2 =	stileid.u32  }
0x9d: {  	s1 =	rddreg [dreg:$0x1];
	p0 =	sne.s32 s2, $0x0  }
0x9e: {  	s3 =	rddreg [dreg:$0x2];
	[bflag:$0x3] =	sbarrier.arrive $0xFFFF;
	s2 =	simm.s32 @!p0 $0x1C0B  }
0x9f: {  	[timem:s3], [sflag:s2] =	dma.local @!p0 [hbm:s0], s1  }
0xa0: {  	s0 =	simm.s32 @!p0 $0xB  }
0xa1: {  	_ =	swait.ge @!p0 [sflag:s0], s1  }
0xa2: {  	s1 =	ssub.s32 @!p0 $0x0, s1;
	[sflag:s0] =	ssyncset.done @!p0 $0x0  }
0xa3: {  	[sflag:s0] =	ssyncadd.s32 @!p0 s1  }
0xa4: {  	[bflag:$0x3] =	sbarrier.arrive $0xFFFF  }
0xa5: {  	_ =	shalt  }

// kernel: kernel.8.cloned.1.call-start
scs
__scs_entry_jumppad:
0x0: {  	(pc) =	sbr.rel $0x88, $3  }
0x1: {  	(tag) =	ssettag $0x0;
	lr =	simm.s32 $0x1  }
0x2: {  	[smem:$0x3F9B] =	sst lr;
	_ =	strace $0xD0000000  }
0x3: {  	_ = 	snop  }
0x4: {  	_ = 	snop  }
0x5: {  	_ = 	snop  }
0x6: {  	_ = 	snop  }
0x7: {  	_ = 	snop  }
__scs_overlays_trampoline_lowered:
0x8: {  	[smem:$0x3FAA] =	sst s0  }
0x9: {  	[smem:$0x3FAB] =	sst s1  }
0xa: {  	[smem:$0x3FAC] =	sst s2  }
0xb: {  	[smem:$0x3FAD] =	sst s3  }
0xc: {  	[smem:$0x3FAE] =	sst s4  }
0xd: {  	[smem:$0x3FAF] =	sst s5  }
0xe: {  	[smem:$0x3FB0] =	sst s6  }
0xf: {  	[smem:$0x3FB1] =	sst s7  }
0x10: {  	[smem:$0x3FB2] =	sst s8  }
0x11: {  	[smem:$0x3FB3] =	sst s9;
	s0 =	simm.s32 @!p0 $0x0  }
0x12: {  	s1 =	sld [smem:$0x3F99];
	s0 =	simm.s32 @p0 $0x1  }
0x13: {  	[smem:$0x3FB4] =	sst s0;
	s0 =	simm.s32 @!p1 $0x0  }
0x14: {  	s2 =	sld [smem:$0x3F98];
	s0 =	simm.s32 @p1 $0x1  }
0x15: {  	[smem:$0x3FB5] =	sst s0;
	s0 =	simm.s32 @!p2 $0x0  }
0x16: {  	s3 =	sld [smem:$0x3FDB];
	s0 =	simm.s32 @p2 $0x1  }
0x17: {  	s4 =	simm.s32 $0x1BF5;
	[smem:$0x3FB7] =	sst s0  }
0x18: {  	s0 =	sld [smem:$0x3F9A];
	_ =	swait.ge [sflag:s4], $0x0  }
0x19: {  	s7 =	sld [smem:$0x3F9B]  }
0x1a: {  	s8 =	sadd.s32 $0xFFFFE003, lr  }
0x1b: {  	s9 =	sadd.s32 $0xFFFFFEF7, lr;
	s5 =	simm.s32 $0xFFFFFFFF;
	p2 =	slt.u32 s8, $0xFFFFF086  }
0x1c: {  	p1 =	slt.u32 s9, $0xF7A;
	s5 =	simm.s32 @!p2 $0x0  }
0x1d: {  	s5 =	simm.s32 @p1 $0x1;
	p0 =	seq.s32 s7, s2  }
0x1e: {  	s7 =	smul.u32 @!p0 $0xF7A, s2;
	p2 =	seq.s32 @!p0 s5, $0x0  }
0x1f: {  	s9 =	smul.u32 $0xF7A, s1;
	s8 =	simm.s32 @!p0 $0x1BF5;
	p2 =	por !p2, p0  }
0x20: {  	[sflag:s8] =	ssyncset.s32 @!p0 $0xFFFFF086;
	s6 =	sadd.s32 @!p0 s3, s7;
	s7 =	simm.s32 @!p0 $0x108  }
0x21: {  	s3 =	sadd.s32 s3, s9;
	s6 =	sadd.s32 @!p0 $0x88, s6;
	s7 =	simm.s32 @p2 $0x1082  }
0x22: {  	[simem:s7], [sflag:s8] =	dma.local @!p0 [hbm:s6], $0xF7A  }
0x23: {  	s9 =	sor.u32 $0xD0000000, s2;
	s6 =	simm.s32 $0x108;
	_ =	swait.ge @!p0 [sflag:s8], $0x0  }
0x24: {  	s3 =	sadd.s32 $0x88, s3;
	s6 =	simm.s32 @!p1 $0x1082;
	[sflag:s4] =	ssyncset.s32 $0xFFFFF086  }
0x25: {  	[simem:s6], [sflag:s4] =	dma.local [hbm:s3], $0xF7A  }
0x26: {  	[smem:$0x3F9B] =	sst s1;
	(tag) =	ssettag s2;
	_ =	strace s9  }
0x27: {  	s1 =	sld [smem:$0x3FAB]  }
0x28: {  	s2 =	sld [smem:$0x3FAC]  }
0x29: {  	s4 =	sld [smem:$0x3FAE]  }
0x2a: {  	p0 =	seq.s32 s5, $0x0;
	s5 =	sld [smem:$0x3FAF]  }
0x2b: {  	s6 =	sld [smem:$0x3FB0]  }
0x2c: {  	s7 =	sld [smem:$0x3FB1]  }
0x2d: {  	s3 =	simm.s32 $0x108;
	s8 =	sld [smem:$0x3FB2]  }
0x2e: {  	s3 =	simm.s32 @!p0 $0x1082;
	s9 =	sld [smem:$0x3FB3]  }
0x2f: {  	lr =	sadd.s32 s0, s3;
	s0 =	sld [smem:$0x3FAA]  }
0x30: {  	s3 =	sld [smem:$0x3FAD]  }
0x31: {  	[smem:$0x3FB6] =	sst s10  }
0x32: {  	s10 =	sld [smem:$0x3FB4];
	_ =	sdelay $0x3  }
0x33: {  	p0 =	seq.s32 s10, $0x1;
	s10 =	sld [smem:$0x3FB6];
	_ =	sdelay $0x3  }
0x34: {  	[smem:$0x3FB6] =	sst s10  }
0x35: {  	s10 =	sld [smem:$0x3FB5];
	_ =	sdelay $0x3  }
0x36: {  	p1 =	seq.s32 s10, $0x1;
	s10 =	sld [smem:$0x3FB6];
	_ =	sdelay $0x3  }
0x37: {  	[smem:$0x3FB6] =	sst s10  }
0x38: {  	s10 =	sld [smem:$0x3FB7]  }
0x39: {  	_ = 	snop;
	(pc) =	sbr.ind lr, $3  }
0x3a: {  	_ = 	snop  }
0x3b: {  	_ = 	snop  }
0x3c: {  	p2 =	seq.s32 s10, $0x1;
	s10 =	sld [smem:$0x3FB6]  }
0x3d: {  	_ =	shalt  }
0x3e: {  	_ =	shalt  }
0x3f: {  	_ =	shalt  }
0x40: {  	_ =	shalt  }
0x41: {  	_ =	shalt  }
0x42: {  	_ =	shalt  }
0x43: {  	_ =	shalt  }
0x44: {  	_ =	shalt  }
0x45: {  	_ =	shalt  }
0x46: {  	_ =	shalt  }
0x47: {  	_ =	shalt  }
0x48: {  	_ =	shalt  }
0x49: {  	_ =	shalt  }
0x4a: {  	_ =	shalt  }
0x4b: {  	_ =	shalt  }
0x4c: {  	_ =	shalt  }
0x4d: {  	_ =	shalt  }
0x4e: {  	_ =	shalt  }
0x4f: {  	_ =	shalt  }
0x50: {  	_ =	shalt  }
0x51: {  	_ =	shalt  }
0x52: {  	_ =	shalt  }
0x53: {  	_ =	shalt  }
0x54: {  	_ =	shalt  }
0x55: {  	_ =	shalt  }
0x56: {  	_ =	shalt  }
0x57: {  	_ =	shalt  }
0x58: {  	_ =	shalt  }
0x59: {  	_ =	shalt  }
0x5a: {  	_ =	shalt  }
0x5b: {  	_ =	shalt  }
0x5c: {  	_ =	shalt  }
0x5d: {  	_ =	shalt  }
0x5e: {  	_ =	shalt  }
0x5f: {  	_ =	shalt  }
0x60: {  	_ =	shalt  }
0x61: {  	_ =	shalt  }
0x62: {  	_ =	shalt  }
0x63: {  	_ =	shalt  }
0x64: {  	_ =	shalt  }
0x65: {  	_ =	shalt  }
0x66: {  	_ =	shalt  }
0x67: {  	_ =	shalt  }
0x68: {  	_ =	shalt  }
0x69: {  	_ =	shalt  }
0x6a: {  	_ =	shalt  }
0x6b: {  	_ =	shalt  }
0x6c: {  	_ =	shalt  }
0x6d: {  	_ =	shalt  }
0x6e: {  	_ =	shalt  }
0x6f: {  	_ =	shalt  }
0x70: {  	_ =	shalt  }
0x71: {  	_ =	shalt  }
0x72: {  	_ =	shalt  }
0x73: {  	_ =	shalt  }
0x74: {  	_ =	shalt  }
0x75: {  	_ =	shalt  }
0x76: {  	_ =	shalt  }
0x77: {  	_ =	shalt  }
0x78: {  	_ =	shalt  }
0x79: {  	_ =	shalt  }
0x7a: {  	_ =	shalt  }
0x7b: {  	_ =	shalt  }
0x7c: {  	_ =	shalt  }
0x7d: {  	_ =	shalt  }
0x7e: {  	_ =	shalt  }
0x7f: {  	_ =	shalt  }
0x80: {  	_ =	shalt  }
0x81: {  	_ =	shalt  }
0x82: {  	_ =	shalt  }
0x83: {  	_ =	shalt  }
0x84: {  	_ =	shalt  }
0x85: {  	_ =	shalt  }
0x86: {  	_ =	shalt  }
0x87: {  	_ =	shalt  }
.Lfunc_end0:
.L_simem_size_0:
called_computation_lowered:
.L_overlay_start_0:
0x88: {  	s2 =	sld [smem:$0x3FD9]  }
0x89: {  	s3 =	sld [smem:$0x3FFE];
	_ =	sdelay $0x1  }
0x8a: {  	s1 =	srdreg.scid  }
0x8b: {  	s0 =	sand.u32 $0x1, s1  }
0x8c: {  	s17 =	sshll.u32 s0, $0xA;
	s2 =	sadd.s32 s3, s2  }
0x8d: {  	s2 =	sadd.s32 s2, s17  }
0x8e: {  	[smem:$0x3FC2] =	sst s2  }
0x8f: {  	_ = 	snop  }
0x90: {  	s2 =	sld [smem:$0x3FD0];
	(tm) =	ssettm $0x1  }
0x91: {  	s18 =	sld [smem:$0x3FFB];
	_ =	sdelay $0x3  }
0x92: {  	_ =	strace s18  }
0x93: {  	s3 =	sld [smem:$0x3FFC];
	_ =	sdelay $0x3  }
0x94: {  	_ =	strace s3  }
0x95: {  	s3 =	sld [smem:$0x3FFD];
	_ =	sdelay $0x3  }
0x96: {  	_ =	strace s3  }
0x97: {  	_ =	strace $0x8FFFFFFF  }
0x98: {  	s19 =	sld [smem:$0x3FDB];
	_ =	sdelay $0x1  }
0x99: {  	s4 =	simm.s32 $_scs_section_size  }
0x9a: {  	s5 =	simm.s32 $_size__tile_overlayer_lowered;
	s6 =	simm.s32 $_tile_overlayer_lowered  }
0x9b: {  	s22 =	simm.s32 $0x1BFF;
	s21 =	sshll.u32 s6, $0x1;
	s3 =	sadd.s32 s4, s19  }
0x9c: {  	s7 =	simm.s32 $0x0;
	s20 =	sshll.u32 s5, $0x1;
	s5 =	sadd.s32 s21, s3  }
0x9d: {  	[timem:s7], [sflag:s22] =	dma.local [hbm:s5], s20  }
0x9e: {  	_ =	swait.ge [sflag:s22], s20  }
0x9f: {  	s4 =	ssub.s32 $0x0, s20;
	[sflag:s22] =	ssyncset.done $0x0  }
0xa0: {  	[sflag:s22] =	ssyncadd.s32 s4;
	_ =	sdelay $0x1  }
0xa1: {  	s23 =	simm.s32 $0x1B8B  }
0xa2: {  	_ =	swait.ge [sflag:s23], $0x1  }
0xa3: {  	[sflag:s23] =	ssyncset.done $0x0  }
0xa4: {  	s25 =	simm.s32 $0x1B8E;
	s24 =	sld [smem:$0x3FFE];
	[sflag:s23] =	ssyncadd.s32 $0xFFFFFFFF  }
0xa5: {  	s26 =	simm.s32 $execute0_lowered;
	[smem:$0x3FD2] =	sst s25  }
0xa6: {  	s5 =	sshll.u32 s26, $0x1;
	_ =	strace $0x80000046;
	[dreg:$0x1] =	wrdreg $0xFFFFFFFF  }
0xa7: {  	s28 =	simm.s32 $_size_execute0_lowered;
	s3 =	sadd.s32 s3, s5;
	[dreg:$0x0] =	wrdreg $0x0  }
0xa8: {  	s5 =	sshll.u32 s28, $0x1;
	[dreg:$0x2] =	wrdreg s3  }
0xa9: {  	[dreg:$0x3] =	wrdreg s5  }
0xaa: {  	[dreg:$0x4] =	wrdreg $0xC0  }
0xab: {  	_ =	task [dreg:s7], $0x5FFFF  }
0xac: {  	[dreg:$0x1] =	wrdreg $0xFFFFFFFF  }
0xad: {  	[dreg:$0x0] =	wrdreg $0x60  }
0xae: {  	[dreg:$0x2] =	wrdreg s2  }
0xaf: {  	[dreg:$0x3] =	wrdreg s24  }
0xb0: {  	[dreg:$0x4] =	wrdreg $0x40000  }
0xb1: {  	[dreg:$0x5] =	wrdreg $0x9  }
0xb2: {  	_ =	task.clear_ibuf [dreg:s7], $0x6FFFF;
	_ =	strace $0x90000046  }
0xb3: {  	s29 =	simm.s32 $0x9;
	_ =	strace $0x80000048  }
0xb4: {  	_ =	swait.ge [sflag:s29], $0x1  }
0xb5: {  	[sflag:s29] =	ssyncadd.s32 $0xFFFFFFFF  }
0xb6: {  	_ =	strace $0x90000048  }
0xb7: {  	_ =	sfence  }
0xb8: {  	s30 =	sld [smem:$0x0];
	_ =	sdelay $0x2  }
0xb9: {  	s31 =	sshll.u32 s1, $0xD;
	s1 =	sshrl.u32 s1, $0x2  }
0xba: {  	s3 =	sand.u32 $0x4000, s31;
	s1 =	sadd.s32 s1, s30  }
0xbb: {  	s0 =	sor.u32 s3, s0;
	s1 =	sshll.u32 s1, $0x11  }
0xbc: {  	s0 =	sor.u32 s1, s0  }
0xbd: {  	s0 =	sadd.s32 $0x8F2B, s0  }
0xbe: {  	[sflag:s0] =	ssyncadd.remote.s32 $0x1  }
0xbf: {  	_ =	sfence.sel $0xFFFF  }
0xc0: {  	[dreg:$0x0] =	wrdreg $0xFFFFFFFF;
	(pc) =	sbr.abs _section_cstart, $3  }
0xc1: {  	[dreg:$0x1] =	wrdreg $0xFFFFFFFF  }
0xc2: {  	_ =	task.clear_ibuf [dreg:s7], $0x2FFFF;
	_ =	strace $0x9FFFFFFF  }
0xc3: {  	(tm) =	ssettm $0x7FFFFFFF  }
tec
execute0_lowered:
.L_overlay_start_1:
0x0: {  	(tag) =	ssettag $0x1  }
0x1: {  	s5 =	rddreg [dreg:$0x0]  }
0x2: {  	s0 =	srdreg.scid;
	s6 =	rddreg [dreg:$0x1]  }
0x3: {  	s2 =	rddreg [dreg:$0x2];
	s4 =	sand.u32 $0x1, s0;
	s0 =	stileid.u32  }
0x4: {  	s3 =	simm.s32 $0x0;
	s13 =	simm.s32 $0x1;
	s7 =	smul.u32 $0x280, s0  }
0x5: {  	s16 =	simm.s32 $0x0;
	[smem:$0x7FF] =	sst s3;
	s10 =	smul.u32 $0x5000, s0  }
0x6: {  	s1 =	sshll.u32 s4, $0x4;
	s9 =	ssub.s32 $0x2, s4;
	s12 =	smul.u32 $0x2800, s4  }
0x7: {  	s4 =	sadd.s32 $0x1400, s6;
	s14 =	sshll.u32 s0, $0x6;
	s8 =	sor.u32 s0, s1  }
0x8: {  	s1 =	rddreg [dreg:$0x3];
	_ =	strace $0x80000047;
	s11 =	sshrl.u32 s9, $0x1  }
0x9: {  	s14 =	sor.u32 $0x1C02, s14;
	s8 =	smul.u32 $0x500, s8;
	s6 =	sadd.s32 s7, s6  }
0xa: {  	s9 =	ssub.s32 s9, s11;
	s30 =	sshrl.u32 s10, $0x2;
	s10 =	simm.s32 $0x2800  }
0xb: {  	s11 =	simm.s32 $0x2C00;
	s31 =	sadd.s32 s12, s6;
	s6 =	sadd.s32 s30, s2  }
0xc: {  	s12 =	simm.s32 $0x80;
	s5 =	sadd.s32 s5, s8;
	s7 =	sadd.s32 $0x1800, s31  }
0xd: {  	s8 =	smax.u32 s9, $0x1;
	s9 =	simm.s32 $0x2;
	s15 =	sshrl.u32 s6, $0x3  }
.LBB2_1:
0xe: {  	[tilespmem:s3], [sflag:$0x2] =	stream.linear.gather [hbm4b:s5+s3], $0x2800, $0x38;
	[tilespmem:$0x5400] =	vst v63  }
0xf: {  	_ =	swait.ge [sflag:s9], $0x2800  }
0x10: {  	[sflag:s9] =	ssyncset.done $0x0  }
0x11: {  	[sflag:s9] =	ssyncadd.s32 $0xFFFFD800  }
0x12: {  	[tilespmem:s10], [sflag:$0x2] =	stream.linear.gather [hbm4b:s4+s3], $0x1800, $0x38;
	[tilespmem:$0x5400] =	vst v63  }
0x13: {  	_ =	swait.ge [sflag:s9], $0x1800  }
0x14: {  	[sflag:s9] =	ssyncset.done $0x0  }
0x15: {  	[sflag:s9] =	ssyncadd.s32 $0xFFFFE800  }
0x16: {  	[spmem:s6] =	stream.linear.scatter [tilespmem:s11], [sflag:$0x2], $0x1400, $0x38;
	[tilespmem:$0x5400] =	vst v63  }
0x17: {  	_ =	swait.ge [sflag:s9], $0x1400  }
0x18: {  	[sflag:s9] =	ssyncset.done $0x0  }
0x19: {  	[sflag:s9] =	ssyncadd.s32 $0xFFFFEC00  }
0x1a: {  	s17 =	simm.s32 $0x0;
	[bflag:$0x0] =	sbarrier.arrive $0xFFFF  }
0x1b: {  	[spmem:s2] =	stream.indirect.scatter.add.f32 [tilespmem:s10], [sflag:$0x1], $0x8, s17, s12, $0xb8;
	[tilespmem:$0x5400] =	vst v63  }
0x1c: {  	s24 =	simm.s32 $0x80  }
0x1d: {  	[spmem:s2] =	stream.indirect.scatter.add.f32 [tilespmem:s10], [sflag:$0x1], $0x8, s24, s12, $0xb8;
	[tilespmem:$0x5400] =	vst v63  }
0x1e: {  	s25 =	simm.s32 $0x100  }
0x1f: {  	[spmem:s2] =	stream.indirect.scatter.add.f32 [tilespmem:s10], [sflag:$0x1], $0x8, s25, s12, $0xb8;
	[tilespmem:$0x5400] =	vst v63  }
0x20: {  	s26 =	simm.s32 $0x180  }
0x21: {  	[spmem:s2] =	stream.indirect.scatter.add.f32 [tilespmem:s10], [sflag:$0x1], $0x8, s26, s12, $0xb8;
	[tilespmem:$0x5400] =	vst v63  }
0x22: {  	s28 =	simm.s32 $0x200  }
0x23: {  	[spmem:s2] =	stream.indirect.scatter.add.f32 [tilespmem:s10], [sflag:$0x1], $0x8, s28, s12, $0xb8;
	[tilespmem:$0x5400] =	vst v63  }
0x24: {  	s29 =	simm.s32 $0x280  }
0x25: {  	[spmem:s2] =	stream.indirect.scatter.add.f32 [tilespmem:s10], [sflag:$0x1], $0x8, s29, s12, $0xb8;
	[tilespmem:$0x5400] =	vst v63  }
0x26: {  	s30 =	simm.s32 $0x300  }
0x27: {  	[spmem:s2] =	stream.indirect.scatter.add.f32 [tilespmem:s10], [sflag:$0x1], $0x8, s30, s12, $0xb8;
	[tilespmem:$0x5400] =	vst v63  }
0x28: {  	s31 =	simm.s32 $0x380  }
0x29: {  	[spmem:s2] =	stream.indirect.scatter.add.f32 [tilespmem:s10], [sflag:$0x1], $0x8, s31, s12, $0xb8;
	[tilespmem:$0x5400] =	vst v63  }
0x2a: {  	_ =	swait.ge [sflag:s13], $0x400  }
0x2b: {  	[sflag:s13] =	ssyncset.done $0x0  }
0x2c: {  	[sflag:s13] =	ssyncadd.s32 $0xFFFFFC00  }
0x2d: {  	_ =	swait.ge [sflag:s13], $0x400  }
0x2e: {  	[sflag:s13] =	ssyncset.done $0x0  }
0x2f: {  	[sflag:s13] =	ssyncadd.s32 $0xFFFFFC00  }
0x30: {  	_ =	swait.ge [sflag:s13], $0x400  }
0x31: {  	[sflag:s13] =	ssyncset.done $0x0  }
0x32: {  	[sflag:s13] =	ssyncadd.s32 $0xFFFFFC00  }
0x33: {  	_ =	swait.ge [sflag:s13], $0x400  }
0x34: {  	[sflag:s13] =	ssyncset.done $0x0  }
0x35: {  	[sflag:s13] =	ssyncadd.s32 $0xFFFFFC00  }
0x36: {  	_ =	swait.ge [sflag:s13], $0x400  }
0x37: {  	[sflag:s13] =	ssyncset.done $0x0  }
0x38: {  	[sflag:s13] =	ssyncadd.s32 $0xFFFFFC00  }
0x39: {  	_ =	swait.ge [sflag:s13], $0x400  }
0x3a: {  	[sflag:s13] =	ssyncset.done $0x0  }
0x3b: {  	[sflag:s13] =	ssyncadd.s32 $0xFFFFFC00  }
0x3c: {  	_ =	swait.ge [sflag:s13], $0x400  }
0x3d: {  	[sflag:s13] =	ssyncset.done $0x0  }
0x3e: {  	[sflag:s13] =	ssyncadd.s32 $0xFFFFFC00  }
0x3f: {  	_ =	swait.ge [sflag:s13], $0x400  }
0x40: {  	s19 =	simm.s32 $0x2000;
	s17 =	simm.s32 $0x1000;
	[sflag:s13] =	ssyncset.done $0x0  }
.LBB2_2:
0x41: {  	s20 =	sshra.s32 s17, $0x2  }
0x42: {  	[sflag:s13] =	ssyncadd.s32 $0xFFFFFC00;
	s17 =	smov.u32 s19;
	s18 =	sadd.s32 $0x1000, s19  }
0x43: {  	[spmem:s2] =	stream.indirect.scatter.add.f32 [tilespmem:s10], [sflag:$0x1], $0x8, s20, s12, $0xb8;
	[tilespmem:$0x5400] =	vst v63  }
0x44: {  	p0 =	sne.s32 s19, $0x9000;
	s19 =	sadd.s32 $0x80, s20  }
0x45: {  	[spmem:s2] =	stream.indirect.scatter.add.f32 [tilespmem:s10], [sflag:$0x1], $0x8, s19, s12, $0xb8;
	[tilespmem:$0x5400] =	vst v63  }
0x46: {  	s19 =	sadd.s32 $0x100, s20  }
0x47: {  	[spmem:s2] =	stream.indirect.scatter.add.f32 [tilespmem:s10], [sflag:$0x1], $0x8, s19, s12, $0xb8;
	[tilespmem:$0x5400] =	vst v63  }
0x48: {  	s19 =	sadd.s32 $0x180, s20  }
0x49: {  	[spmem:s2] =	stream.indirect.scatter.add.f32 [tilespmem:s10], [sflag:$0x1], $0x8, s19, s12, $0xb8;
	[tilespmem:$0x5400] =	vst v63  }
0x4a: {  	s19 =	sadd.s32 $0x200, s20  }
0x4b: {  	[spmem:s2] =	stream.indirect.scatter.add.f32 [tilespmem:s10], [sflag:$0x1], $0x8, s19, s12, $0xb8;
	[tilespmem:$0x5400] =	vst v63  }
0x4c: {  	s19 =	sadd.s32 $0x280, s20  }
0x4d: {  	[spmem:s2] =	stream.indirect.scatter.add.f32 [tilespmem:s10], [sflag:$0x1], $0x8, s19, s12, $0xb8;
	[tilespmem:$0x5400] =	vst v63  }
0x4e: {  	s19 =	sadd.s32 $0x300, s20  }
0x4f: {  	[spmem:s2] =	stream.indirect.scatter.add.f32 [tilespmem:s10], [sflag:$0x1], $0x8, s19, s12, $0xb8;
	[tilespmem:$0x5400] =	vst v63  }
0x50: {  	s19 =	sadd.s32 $0x380, s20  }
0x51: {  	[spmem:s2] =	stream.indirect.scatter.add.f32 [tilespmem:s10], [sflag:$0x1], $0x8, s19, s12, $0xb8;
	[tilespmem:$0x5400] =	vst v63  }
0x52: {  	_ =	swait.ge [sflag:s13], $0x400  }
0x53: {  	[sflag:s13] =	ssyncset.done $0x0  }
0x54: {  	[sflag:s13] =	ssyncadd.s32 $0xFFFFFC00  }
0x55: {  	_ =	swait.ge [sflag:s13], $0x400  }
0x56: {  	[sflag:s13] =	ssyncset.done $0x0  }
0x57: {  	[sflag:s13] =	ssyncadd.s32 $0xFFFFFC00  }
0x58: {  	_ =	swait.ge [sflag:s13], $0x400  }
0x59: {  	[sflag:s13] =	ssyncset.done $0x0  }
0x5a: {  	[sflag:s13] =	ssyncadd.s32 $0xFFFFFC00  }
0x5b: {  	_ =	swait.ge [sflag:s13], $0x400  }
0x5c: {  	[sflag:s13] =	ssyncset.done $0x0  }
0x5d: {  	[sflag:s13] =	ssyncadd.s32 $0xFFFFFC00  }
0x5e: {  	_ =	swait.ge [sflag:s13], $0x400  }
0x5f: {  	[sflag:s13] =	ssyncset.done $0x0  }
0x60: {  	[sflag:s13] =	ssyncadd.s32 $0xFFFFFC00  }
0x61: {  	_ =	swait.ge [sflag:s13], $0x400  }
0x62: {  	[sflag:s13] =	ssyncset.done $0x0  }
0x63: {  	[sflag:s13] =	ssyncadd.s32 $0xFFFFFC00  }
.Ltmp0:
0x64: {  	_ =	swait.ge [sflag:s13], $0x400;
	(pc) =	sbr.rel @p0 .LBB2_2-.Ltmp0, $4  }
0x65: {  	[sflag:s13] =	ssyncset.done $0x0  }
0x66: {  	[sflag:s13] =	ssyncadd.s32 $0xFFFFFC00  }
0x67: {  	_ =	swait.ge [sflag:s13], $0x400  }
0x68: {  	s19 =	smov.u32 s18;
	[sflag:s13] =	ssyncset.done $0x0  }
0x69: {  	s17 =	sshra.s32 s17, $0x2;
	[sflag:s13] =	ssyncadd.s32 $0xFFFFFC00  }
0x6a: {  	[spmem:s2] =	stream.indirect.scatter.add.f32 [tilespmem:s10], [sflag:$0x1], $0x8, s17, s12, $0xb8;
	[tilespmem:$0x5400] =	vst v63  }
0x6b: {  	s18 =	sadd.s32 $0x80, s17  }
0x6c: {  	[spmem:s2] =	stream.indirect.scatter.add.f32 [tilespmem:s10], [sflag:$0x1], $0x8, s18, s12, $0xb8;
	[tilespmem:$0x5400] =	vst v63  }
0x6d: {  	s26 =	sadd.s32 $0x100, s17  }
0x6e: {  	[spmem:s2] =	stream.indirect.scatter.add.f32 [tilespmem:s10], [sflag:$0x1], $0x8, s26, s12, $0xb8;
	[tilespmem:$0x5400] =	vst v63  }
0x6f: {  	s28 =	sadd.s32 $0x180, s17  }
0x70: {  	[spmem:s2] =	stream.indirect.scatter.add.f32 [tilespmem:s10], [sflag:$0x1], $0x8, s28, s12, $0xb8;
	[tilespmem:$0x5400] =	vst v63  }
0x71: {  	s29 =	sadd.s32 $0x200, s17  }
0x72: {  	[spmem:s2] =	stream.indirect.scatter.add.f32 [tilespmem:s10], [sflag:$0x1], $0x8, s29, s12, $0xb8;
	[tilespmem:$0x5400] =	vst v63  }
0x73: {  	s30 =	sadd.s32 $0x280, s17  }
0x74: {  	[spmem:s2] =	stream.indirect.scatter.add.f32 [tilespmem:s10], [sflag:$0x1], $0x8, s30, s12, $0xb8;
	[tilespmem:$0x5400] =	vst v63  }
0x75: {  	s31 =	sadd.s32 $0x300, s17  }
0x76: {  	[spmem:s2] =	stream.indirect.scatter.add.f32 [tilespmem:s10], [sflag:$0x1], $0x8, s31, s12, $0xb8;
	[tilespmem:$0x5400] =	vst v63  }
0x77: {  	s17 =	sadd.s32 $0x380, s17  }
0x78: {  	[spmem:s2] =	stream.indirect.scatter.add.f32 [tilespmem:s10], [sflag:$0x1], $0x8, s17, s12, $0xb8;
	[tilespmem:$0x5400] =	vst v63  }
0x79: {  	_ =	swait.ge [sflag:s13], $0x400  }
0x7a: {  	[sflag:s13] =	ssyncset.done $0x0  }
0x7b: {  	[sflag:s13] =	ssyncadd.s32 $0xFFFFFC00  }
0x7c: {  	_ =	swait.ge [sflag:s13], $0x400  }
0x7d: {  	[sflag:s13] =	ssyncset.done $0x0  }
0x7e: {  	[sflag:s13] =	ssyncadd.s32 $0xFFFFFC00  }
0x7f: {  	_ =	swait.ge [sflag:s13], $0x400  }
0x80: {  	[sflag:s13] =	ssyncset.done $0x0  }
0x81: {  	[sflag:s13] =	ssyncadd.s32 $0xFFFFFC00  }
0x82: {  	_ =	swait.ge [sflag:s13], $0x400  }
0x83: {  	[sflag:s13] =	ssyncset.done $0x0  }
0x84: {  	[sflag:s13] =	ssyncadd.s32 $0xFFFFFC00  }
0x85: {  	_ =	swait.ge [sflag:s13], $0x400  }
0x86: {  	[sflag:s13] =	ssyncset.done $0x0  }
0x87: {  	[sflag:s13] =	ssyncadd.s32 $0xFFFFFC00  }
0x88: {  	_ =	swait.ge [sflag:s13], $0x400  }
0x89: {  	[sflag:s13] =	ssyncset.done $0x0  }
0x8a: {  	[sflag:s13] =	ssyncadd.s32 $0xFFFFFC00  }
0x8b: {  	_ =	swait.ge [sflag:s13], $0x400  }
0x8c: {  	[sflag:s13] =	ssyncset.done $0x0  }
0x8d: {  	[sflag:s13] =	ssyncadd.s32 $0xFFFFFC00  }
0x8e: {  	_ =	swait.ge [sflag:s13], $0x400  }
0x8f: {  	s16 =	sadd.s32 $0x1, s16;
	[sflag:s13] =	ssyncset.done $0x0  }
0x90: {  	p0 =	sne.s32 s16, s8;
	[sflag:s13] =	ssyncadd.s32 $0xFFFFFC00  }
.Ltmp1:
0x91: {  	[bflag:$0x0] =	sbarrier.arrive $0xFFFF;
	(pc) =	sbr.rel @p0 .LBB2_1-.Ltmp1, $4  }
0x92: {  	[hbm:s7], [sflag:s14] =	dma.local [spmem:s15], $0x280  }
0x93: {  	_ =	swait.ge [sflag:s9], $0x280  }
0x94: {  	[sflag:s9] =	ssyncset.done $0x0  }
0x95: {  	[sflag:s9] =	ssyncadd.s32 $0xFFFFFD80  }
0x96: {  	_ =	sfence.sel $0x180000  }
0x97: {  	[bflag:$0x0] =	sbarrier.arrive $0xFFFF  }
0x98: {  	p0 =	sne.s32 s0, $0x0;
	_ =	strace $0x90000047  }
0x99: {  	s0 =	sadd.s32 @!p0 $0x100000, s1;
	[bflag:$0x2] =	sbarrier.arrive $0xFFFF  }
0x9a: {  	[sflag:s0] =	ssyncadd.tile.s32 @!p0 $0x1;
	_ =	shalt  }
.Lfunc_end2:
_tile_overlayer_lowered:
.L_overlay_start_2:
0x9b: {  	(tag) =	ssettag $0x2  }
0x9c: {  	s0 =	rddreg [dreg:$0x0];
	s2 =	stileid.u32  }
0x9d: {  	s1 =	rddreg [dreg:$0x1];
	p0 =	sne.s32 s2, $0x0  }
0x9e: {  	s3 =	rddreg [dreg:$0x2];
	[bflag:$0x3] =	sbarrier.arrive $0xFFFF;
	s2 =	simm.s32 @!p0 $0x1C02  }
0x9f: {  	[timem:s3], [sflag:s2] =	dma.local @!p0 [hbm:s0], s1  }
0xa0: {  	s0 =	simm.s32 @!p0 $0x2  }
0xa1: {  	_ =	swait.ge @!p0 [sflag:s0], s1  }
0xa2: {  	s1 =	ssub.s32 @!p0 $0x0, s1;
	[sflag:s0] =	ssyncset.done @!p0 $0x0  }
0xa3: {  	[sflag:s0] =	ssyncadd.s32 @!p0 s1  }
0xa4: {  	[bflag:$0x3] =	sbarrier.arrive $0xFFFF  }
0xa5: {  	_ =	shalt  }

</sc_bundles>
